<compile_context>
chip_gen: v7x
topology: tpu7x:2x2x1
jax: 0.10.2.dev20260603
libtpu: 0.0.44.dev20260713+nightly
codegen_flags: <defaults>
</compile_context>

<pallas_src>
import jax
import jax.numpy as jnp
from jax import lax
from jax.experimental import pallas as pl
from jax.experimental.pallas import tpu as pltpu
from jax.experimental.pallas import tpu_sc as plsc

_ALPHA = 0.2
_BASE_MARGIN = 1.0
_ADAPT_RATE = 0.3

_N = 16384
_C = 1000
_F = 128
_B = 2048
_NB = _N // _B
_R2 = 128

_NC = 2
_NS = 16
_L = 16
_NW = _NC * _NS
_RW = _N // _NW


def _feat_body(feat_hbm, out_hbm, rows_v, acc_v, sem):
    w = lax.axis_index("s") * _NC + lax.axis_index("c")
    base = w * _RW
    pltpu.sync_copy(feat_hbm.at[pl.ds(base, _RW)], rows_v)
    lane = lax.broadcasted_iota(jnp.int32, (_L,), 0)

    def group(g, carry):
        out = jnp.zeros((_L,), jnp.float32)
        for jj in range(_L):
            r = g * _L + jj
            acc = jnp.zeros((_L,), jnp.float32)
            for j in range(_F // _L):
                v = rows_v[r, pl.ds(j * _L, _L)]
                acc = acc + v * v
            for sh in (8, 4, 2, 1):
                idx = (lane + sh) & (_L - 1)
                acc = acc + jnp.take(acc, idx)
            out = jnp.where(lane == jj, acc, out)
        acc_v[pl.ds(g * _L, _L)] = out
        return carry

    lax.fori_loop(0, _RW // _L, group, 0)
    pltpu.sync_copy(acc_v, out_hbm.at[pl.ds(base, _RW)])


def _feat_sumsq(features):
    mesh = plsc.VectorSubcoreMesh(core_axis_name="c", subcore_axis_name="s")
    return pl.kernel(
        _feat_body,
        mesh=mesh,
        out_type=jax.ShapeDtypeStruct((_N,), jnp.float32),
        scratch_types=[
            pltpu.VMEM((_RW, _F), jnp.float32),
            pltpu.VMEM((_RW,), jnp.float32),
            pltpu.SemaphoreType.DMA,
        ],
    )(features)


def _dense(xt_ref, tgt_ref, loss_ref, unc_ref):
    x = xt_ref[...]
    t = tgt_ref[...]
    colmax = jnp.max(x, axis=0, keepdims=True)
    s = jnp.sum(jnp.exp(x - colmax), axis=0, keepdims=True)
    logs = jnp.log(s)
    rows = jax.lax.broadcasted_iota(jnp.int32, (_C, _B), 0)
    tl = jnp.sum(jnp.where(rows == t, x, 0.0), axis=0, keepdims=True)
    loss_ref[...] = (colmax + logs) - tl
    unc_ref[...] = 1.0 - 1.0 / s


def _select(loss_ref, unc_ref, fsq_ref, out_ref):
    l = loss_ref[...]
    u = unc_ref[...]
    fn = jnp.sqrt(fsq_ref[...])
    nf = jnp.float32(_N)
    mean = jnp.sum(l) / nf
    var = jnp.sum((l - mean) ** 2) / (nf - 1.0)
    std = jnp.sqrt(var)
    alpha = jnp.clip(_ALPHA * (1.0 + std), 0.05, 0.5)
    k = jnp.maximum(1, jnp.ceil(nf * alpha)).astype(jnp.int32)

    bits = jax.lax.bitcast_convert_type(l, jnp.int32)
    key = jnp.where(bits < 0, bits ^ jnp.int32(0x7FFFFFFF), bits)
    min32 = jnp.int32(-2147483648)

    def body_tau(j, t):
        t2 = t | (jnp.int32(1) << (jnp.int32(31) - j))
        c = jnp.sum((key >= (t2 ^ min32)).astype(jnp.int32))
        return jnp.where(c >= k, t2, t)

    tau_u = jax.lax.fori_loop(0, 32, body_tau, jnp.int32(0))
    tau = tau_u ^ min32

    c_gt = jnp.sum((key > tau).astype(jnp.int32))
    m = k - c_gt
    tied = key == tau
    ii = (jax.lax.broadcasted_iota(jnp.int32, (_R2, _R2), 0) * _R2
          + jax.lax.broadcasted_iota(jnp.int32, (_R2, _R2), 1))

    def body_idx(j, t):
        t2 = t | (jnp.int32(1) << (jnp.int32(13) - j))
        c = jnp.sum((tied & (ii < t2)).astype(jnp.int32))
        return jnp.where(c < m, t2, t)

    t_idx = jax.lax.fori_loop(0, 14, body_idx, jnp.int32(0))

    include = (key > tau) | (tied & (ii <= t_idx))
    contrib = l * (_BASE_MARGIN * (1.0 + _ADAPT_RATE * u)) + 0.1 * fn
    total = jnp.sum(jnp.where(include, contrib, 0.0))
    out_ref[...] = (total / k.astype(jnp.float32)).reshape(1, 1)


def kernel(outputs, targets, features):
    fsq = _feat_sumsq(features)
    xt = outputs.T
    tgt2 = targets.reshape(1, _N)
    loss, unc = pl.pallas_call(
        _dense,
        grid=(_NB,),
        in_specs=[
            pl.BlockSpec((_C, _B), lambda i: (0, i)),
            pl.BlockSpec((1, _B), lambda i: (0, i)),
        ],
        out_specs=[
            pl.BlockSpec((1, _B), lambda i: (0, i)),
            pl.BlockSpec((1, _B), lambda i: (0, i)),
        ],
        out_shape=[jax.ShapeDtypeStruct((1, _N), jnp.float32)] * 2,
    )(xt, tgt2)
    out = pl.pallas_call(
        _select,
        out_shape=jax.ShapeDtypeStruct((1, 1), jnp.float32),
    )(loss.reshape(_R2, _R2), unc.reshape(_R2, _R2), fsq.reshape(_R2, _R2))
    return out[0, 0]

# --- scband reference (transcript-rebuilt; emitter-appended) ---
"""Pipeline reference for scband-improved-cva-rdroloss-40716289966371 (READ-ONLY COPY).

The authoritative reference and input builder live on the scoring server;
editing this copy changes nothing except your own understanding.
"""

import jax, jax.numpy as jnp
import numpy as np

ALPHA = 0.2
BASE_MARGIN = 1.0
ADAPT_RATE = 0.3
TEMPERATURE = 1.0


def setup_inputs(seed: int = 0) -> dict:
    key = jax.random.key(seed)
    k1, k2, k3 = jax.random.split(key, 3)
    outputs = jax.random.normal(k1, (16384, 1000), dtype=jnp.float32)
    targets = jax.random.randint(k2, (16384,), 0, 1000, dtype=jnp.int32)
    features = jax.random.normal(k3, (16384, 128), dtype=jnp.float32)
    return {"outputs": outputs, "targets": targets, "features": features}


def _cross_entropy_per_sample(scaled_outputs, targets):
    logZ = jax.nn.logsumexp(scaled_outputs, axis=1)
    tgt_logits = jnp.take_along_axis(scaled_outputs, targets[:, None].astype(jnp.int32), axis=1)[:, 0]
    return logZ - tgt_logits


def reference(outputs, targets, features):
    scaled_outputs = outputs / TEMPERATURE
    losses = _cross_entropy_per_sample(scaled_outputs, targets)
    # torch .std() is unbiased (ddof=1)
    batch_loss_std = jnp.std(losses, ddof=1)
    adaptive_alpha = jnp.clip(ALPHA * (1 + batch_loss_std), 0.05, 0.5)
    n = losses.shape[0]
    k_max = int(np.ceil(n * 0.5))
    k = jnp.maximum(1, jnp.ceil(n * adaptive_alpha)).astype(jnp.int32)
    worst_losses, worst_indices = jax.lax.top_k(losses, k_max)
    probs = jax.nn.softmax(scaled_outputs, axis=1)
    confidence = jnp.max(probs, axis=1)
    uncertainty = 1.0 - confidence
    worst_uncertainty = uncertainty[worst_indices]
    worst_features = features[worst_indices]
    feature_penalty = jnp.sqrt(jnp.sum(worst_features * worst_features, axis=1)) * 0.1
    adaptive_margin = BASE_MARGIN * (1.0 + ADAPT_RATE * worst_uncertainty)
    worst_losses = worst_losses * adaptive_margin + feature_penalty
    mask = jnp.arange(k_max) < k
    return jnp.sum(jnp.where(mask, worst_losses, 0.0)) / k.astype(worst_losses.dtype)

if __name__ == "__main__":
    import jax
    _d = setup_inputs()
    print(jax.jit(kernel)(*tuple(_d.values())))

</pallas_src>

<mosaic_0001>
#map = affine_map<(d0, d1) -> (0, 0)>
#map1 = affine_map<(d0, d1) -> (0)>
module attributes {stable_mosaic.version = 14 : i64} {
  func.func @_feat_body(%arg0: i32, %arg1: i32, %arg2: memref<16384x128xf32, #tpu.memory_space<hbm>>, %arg3: memref<16384xf32, #tpu.memory_space<hbm>>, %arg4: memref<512x128xf32, #tpu.memory_space<vmem>>, %arg5: memref<512xf32, #tpu.memory_space<vmem>>, %arg6: memref<!tpu.dma_semaphore, #tpu.memory_space<semaphore_mem>>) attributes {dimension_semantics = [#tpu.dimension_semantics<core_parallel>, #tpu.dimension_semantics<subcore_parallel>], iteration_bounds = array<i64: 2, 16>, scalar_prefetch = 0 : i64, scratch_operands = 3 : i64, tpu.core_type = #tpu.core_type<sc_vector_subcore>, window_params = [{transform_indices = #map}, {transform_indices = #map1}]} {
    %mul3A = arith.constant 2 : i32
    %mul3A_0 = arith.muli %arg1, %mul3A : i32
    %add3A = arith.addi %mul3A_0, %arg0 : i32
    %mul3A_1 = arith.constant 512 : i32
    %mul3A_2 = arith.muli %add3A, %mul3A_1 : i32
    "tpu.region"() ({
      %run_scoped3A = tpu.sem_alloc : memref<!tpu.dma_semaphore, #tpu.memory_space<semaphore_mem>>
      %dma_start3A = arith.constant 0 : i32
      %dma_start3A_8 = tpu.memref_slice %arg2[%mul3A_2, %dma_start3A] : memref<16384x128xf32, #tpu.memory_space<hbm>> -> memref<512x128xf32, #tpu.memory_space<hbm>>
      %dma_start3A_9 = arith.constant 0 : i32
      %dma_start3A_10 = tpu.memref_slice %arg2[%mul3A_2, %dma_start3A_9] : memref<16384x128xf32, #tpu.memory_space<hbm>> -> memref<512x128xf32, #tpu.memory_space<hbm>>
      tpu.enqueue_dma source(%dma_start3A_10 : memref<512x128xf32, #tpu.memory_space<hbm>>) target(%arg4 : memref<512x128xf32, #tpu.memory_space<vmem>>) target_semaphore(%run_scoped3A : memref<!tpu.dma_semaphore, #tpu.memory_space<semaphore_mem>>)
      %dma_wait3A = arith.constant 0 : i32
      %dma_wait3A_11 = tpu.memref_slice %arg2[%mul3A_2, %dma_wait3A] : memref<16384x128xf32, #tpu.memory_space<hbm>> -> memref<512x128xf32, #tpu.memory_space<hbm>>
      %dma_wait3A_12 = arith.constant 0 : i32
      %dma_wait3A_13 = tpu.memref_slice %arg2[%mul3A_2, %dma_wait3A_12] : memref<16384x128xf32, #tpu.memory_space<hbm>> -> memref<512x128xf32, #tpu.memory_space<hbm>>
      tpu.wait_dma2 semaphore(%run_scoped3A : memref<!tpu.dma_semaphore, #tpu.memory_space<semaphore_mem>>) src(%dma_wait3A_13 : memref<512x128xf32, #tpu.memory_space<hbm>>) dst(%arg4 : memref<512x128xf32, #tpu.memory_space<vmem>>)
      tpu.yield
    }) : () -> ()
    %iota3A = tpu.iota {dimensions = array<i32: 0>} : vector<16xi32>
    %scan3A = arith.constant 0 : i32
    %scan3A_3 = arith.constant 0 : i32
    %scan3A_4 = arith.constant 32 : i32
    %scan3A_5 = arith.addi %scan3A_3, %scan3A_4 : i32
    %scan3A_6 = arith.constant 1 : i32
    scf.for %scan3A_8 = %scan3A_3 to %scan3A_5 step %scan3A_6  : i32 {
      %broadcast_in_dim3A = arith.constant 0.000000e+00 : f32
      %broadcast_in_dim3A_9 = vector.broadcast %broadcast_in_dim3A : f32 to vector<16xf32>
      %mul3A_10 = arith.constant 16 : i32
      %mul3A_11 = arith.muli %scan3A_8, %mul3A_10 : i32
      %add3A_12 = arith.constant 0 : i32
      %add3A_13 = arith.addi %mul3A_11, %add3A_12 : i32
      %broadcast_in_dim3A_14 = arith.constant 0.000000e+00 : f32
      %broadcast_in_dim3A_15 = vector.broadcast %broadcast_in_dim3A_14 : f32 to vector<16xf32>
      %get3A = arith.index_cast %add3A_13 : i32 to index
      %get3A_16 = arith.constant 0 : index
      %get3A_17 = tpu.vector_load %arg4[%get3A, %get3A_16] {strides = array<i32>} : memref<512x128xf32, #tpu.memory_space<vmem>>, vector<1x16xf32>,
      %get3A_18 = vector.shape_cast %get3A_17 : vector<1x16xf32> to vector<16xf32>
      %mul3A_19 = arith.mulf %get3A_18, %get3A_18 : vector<16xf32>
      %add3A_20 = arith.addf %broadcast_in_dim3A_15, %mul3A_19 : vector<16xf32>
      %get3A_21 = arith.index_cast %add3A_13 : i32 to index
      %get3A_22 = arith.constant 16 : index
      %get3A_23 = tpu.vector_load %arg4[%get3A_21, %get3A_22] {strides = array<i32>} : memref<512x128xf32, #tpu.memory_space<vmem>>, vector<1x16xf32>,
      %get3A_24 = vector.shape_cast %get3A_23 : vector<1x16xf32> to vector<16xf32>
      %mul3A_25 = arith.mulf %get3A_24, %get3A_24 : vector<16xf32>
      %add3A_26 = arith.addf %add3A_20, %mul3A_25 : vector<16xf32>
      %get3A_27 = arith.index_cast %add3A_13 : i32 to index
      %get3A_28 = arith.constant 32 : index
      %get3A_29 = tpu.vector_load %arg4[%get3A_27, %get3A_28] {strides = array<i32>} : memref<512x128xf32, #tpu.memory_space<vmem>>, vector<1x16xf32>,
      %get3A_30 = vector.shape_cast %get3A_29 : vector<1x16xf32> to vector<16xf32>
      %mul3A_31 = arith.mulf %get3A_30, %get3A_30 : vector<16xf32>
      %add3A_32 = arith.addf %add3A_26, %mul3A_31 : vector<16xf32>
      %get3A_33 = arith.index_cast %add3A_13 : i32 to index
      %get3A_34 = arith.constant 48 : index
      %get3A_35 = tpu.vector_load %arg4[%get3A_33, %get3A_34] {strides = array<i32>} : memref<512x128xf32, #tpu.memory_space<vmem>>, vector<1x16xf32>,
      %get3A_36 = vector.shape_cast %get3A_35 : vector<1x16xf32> to vector<16xf32>
      %mul3A_37 = arith.mulf %get3A_36, %get3A_36 : vector<16xf32>
      %add3A_38 = arith.addf %add3A_32, %mul3A_37 : vector<16xf32>
      %get3A_39 = arith.index_cast %add3A_13 : i32 to index
      %get3A_40 = arith.constant 64 : index
      %get3A_41 = tpu.vector_load %arg4[%get3A_39, %get3A_40] {strides = array<i32>} : memref<512x128xf32, #tpu.memory_space<vmem>>, vector<1x16xf32>,
      %get3A_42 = vector.shape_cast %get3A_41 : vector<1x16xf32> to vector<16xf32>
      %mul3A_43 = arith.mulf %get3A_42, %get3A_42 : vector<16xf32>
      %add3A_44 = arith.addf %add3A_38, %mul3A_43 : vector<16xf32>
      %get3A_45 = arith.index_cast %add3A_13 : i32 to index
      %get3A_46 = arith.constant 80 : index
      %get3A_47 = tpu.vector_load %arg4[%get3A_45, %get3A_46] {strides = array<i32>} : memref<512x128xf32, #tpu.memory_space<vmem>>, vector<1x16xf32>,
      %get3A_48 = vector.shape_cast %get3A_47 : vector<1x16xf32> to vector<16xf32>
      %mul3A_49 = arith.mulf %get3A_48, %get3A_48 : vector<16xf32>
      %add3A_50 = arith.addf %add3A_44, %mul3A_49 : vector<16xf32>
      %get3A_51 = arith.index_cast %add3A_13 : i32 to index
      %get3A_52 = arith.constant 96 : index
      %get3A_53 = tpu.vector_load %arg4[%get3A_51, %get3A_52] {strides = array<i32>} : memref<512x128xf32, #tpu.memory_space<vmem>>, vector<1x16xf32>,
      %get3A_54 = vector.shape_cast %get3A_53 : vector<1x16xf32> to vector<16xf32>
      %mul3A_55 = arith.mulf %get3A_54, %get3A_54 : vector<16xf32>
      %add3A_56 = arith.addf %add3A_50, %mul3A_55 : vector<16xf32>
      %get3A_57 = arith.index_cast %add3A_13 : i32 to index
      %get3A_58 = arith.constant 112 : index
      %get3A_59 = tpu.vector_load %arg4[%get3A_57, %get3A_58] {strides = array<i32>} : memref<512x128xf32, #tpu.memory_space<vmem>>, vector<1x16xf32>,
      %get3A_60 = vector.shape_cast %get3A_59 : vector<1x16xf32> to vector<16xf32>
      %mul3A_61 = arith.mulf %get3A_60, %get3A_60 : vector<16xf32>
      %add3A_62 = arith.addf %add3A_56, %mul3A_61 : vector<16xf32>
      %add3A_63 = arith.constant 8 : i32
      %add3A_64 = vector.broadcast %add3A_63 : i32 to vector<16xi32>
      %add3A_65 = arith.addi %iota3A, %add3A_64 : vector<16xi32>
      %and3A = arith.constant 15 : i32
      %and3A_66 = vector.broadcast %and3A : i32 to vector<16xi32>
      %and3A_67 = arith.andi %add3A_65, %and3A_66 : vector<16xi32>
      %lt3A = arith.constant 0 : i32
      %lt3A_68 = vector.broadcast %lt3A : i32 to vector<16xi32>
      %lt3A_69 = arith.cmpi slt, %and3A_67, %lt3A_68 : vector<16xi32>
      %add3A_70 = arith.constant 16 : i32
      %add3A_71 = vector.broadcast %add3A_70 : i32 to vector<16xi32>
      %add3A_72 = arith.addi %and3A_67, %add3A_71 : vector<16xi32>
      %select_n3A = arith.select %lt3A_69, %add3A_72, %and3A_67 : vector<16xi1>, vector<16xi32>
      %broadcast_in_dim3A_73 = vector.shape_cast %select_n3A : vector<16xi32> to vector<16x1xi32>
      %gather3A = vector.shape_cast %broadcast_in_dim3A_73 : vector<16x1xi32> to vector<16xi32>
      %gather3A_74 = tpu.dynamic_gather %add3A_62[%gather3A] in [0] : vector<16xf32>, vector<16xi32> -> vector<16xf32>
      %add3A_75 = arith.addf %add3A_62, %gather3A_74 : vector<16xf32>
      %add3A_76 = arith.constant 4 : i32
      %add3A_77 = vector.broadcast %add3A_76 : i32 to vector<16xi32>
      %add3A_78 = arith.addi %iota3A, %add3A_77 : vector<16xi32>
      %and3A_79 = arith.constant 15 : i32
      %and3A_80 = vector.broadcast %and3A_79 : i32 to vector<16xi32>
      %and3A_81 = arith.andi %add3A_78, %and3A_80 : vector<16xi32>
      %lt3A_82 = arith.constant 0 : i32
      %lt3A_83 = vector.broadcast %lt3A_82 : i32 to vector<16xi32>
      %lt3A_84 = arith.cmpi slt, %and3A_81, %lt3A_83 : vector<16xi32>
      %add3A_85 = arith.constant 16 : i32
      %add3A_86 = vector.broadcast %add3A_85 : i32 to vector<16xi32>
      %add3A_87 = arith.addi %and3A_81, %add3A_86 : vector<16xi32>
      %select_n3A_88 = arith.select %lt3A_84, %add3A_87, %and3A_81 : vector<16xi1>, vector<16xi32>
      %broadcast_in_dim3A_89 = vector.shape_cast %select_n3A_88 : vector<16xi32> to vector<16x1xi32>
      %gather3A_90 = vector.shape_cast %broadcast_in_dim3A_89 : vector<16x1xi32> to vector<16xi32>
      %gather3A_91 = tpu.dynamic_gather %add3A_75[%gather3A_90] in [0] : vector<16xf32>, vector<16xi32> -> vector<16xf32>
      %add3A_92 = arith.addf %add3A_75, %gather3A_91 : vector<16xf32>
      %add3A_93 = arith.constant 2 : i32
      %add3A_94 = vector.broadcast %add3A_93 : i32 to vector<16xi32>
      %add3A_95 = arith.addi %iota3A, %add3A_94 : vector<16xi32>
      %and3A_96 = arith.constant 15 : i32
      %and3A_97 = vector.broadcast %and3A_96 : i32 to vector<16xi32>
      %and3A_98 = arith.andi %add3A_95, %and3A_97 : vector<16xi32>
      %lt3A_99 = arith.constant 0 : i32
      %lt3A_100 = vector.broadcast %lt3A_99 : i32 to vector<16xi32>
      %lt3A_101 = arith.cmpi slt, %and3A_98, %lt3A_100 : vector<16xi32>
      %add3A_102 = arith.constant 16 : i32
      %add3A_103 = vector.broadcast %add3A_102 : i32 to vector<16xi32>
      %add3A_104 = arith.addi %and3A_98, %add3A_103 : vector<16xi32>
      %select_n3A_105 = arith.select %lt3A_101, %add3A_104, %and3A_98 : vector<16xi1>, vector<16xi32>
      %broadcast_in_dim3A_106 = vector.shape_cast %select_n3A_105 : vector<16xi32> to vector<16x1xi32>
      %gather3A_107 = vector.shape_cast %broadcast_in_dim3A_106 : vector<16x1xi32> to vector<16xi32>
      %gather3A_108 = tpu.dynamic_gather %add3A_92[%gather3A_107] in [0] : vector<16xf32>, vector<16xi32> -> vector<16xf32>
      %add3A_109 = arith.addf %add3A_92, %gather3A_108 : vector<16xf32>
      %add3A_110 = arith.constant 1 : i32
      %add3A_111 = vector.broadcast %add3A_110 : i32 to vector<16xi32>
      %add3A_112 = arith.addi %iota3A, %add3A_111 : vector<16xi32>
      %and3A_113 = arith.constant 15 : i32
      %and3A_114 = vector.broadcast %and3A_113 : i32 to vector<16xi32>
      %and3A_115 = arith.andi %add3A_112, %and3A_114 : vector<16xi32>
      %lt3A_116 = arith.constant 0 : i32
      %lt3A_117 = vector.broadcast %lt3A_116 : i32 to vector<16xi32>
      %lt3A_118 = arith.cmpi slt, %and3A_115, %lt3A_117 : vector<16xi32>
      %add3A_119 = arith.constant 16 : i32
      %add3A_120 = vector.broadcast %add3A_119 : i32 to vector<16xi32>
      %add3A_121 = arith.addi %and3A_115, %add3A_120 : vector<16xi32>
      %select_n3A_122 = arith.select %lt3A_118, %add3A_121, %and3A_115 : vector<16xi1>, vector<16xi32>
      %broadcast_in_dim3A_123 = vector.shape_cast %select_n3A_122 : vector<16xi32> to vector<16x1xi32>
      %gather3A_124 = vector.shape_cast %broadcast_in_dim3A_123 : vector<16x1xi32> to vector<16xi32>
      %gather3A_125 = tpu.dynamic_gather %add3A_109[%gather3A_124] in [0] : vector<16xf32>, vector<16xi32> -> vector<16xf32>
      %add3A_126 = arith.addf %add3A_109, %gather3A_125 : vector<16xf32>
      %eq3A = arith.constant 0 : i32
      %eq3A_127 = vector.broadcast %eq3A : i32 to vector<16xi32>
      %eq3A_128 = arith.cmpi eq, %iota3A, %eq3A_127 : vector<16xi32>
      %select_n3A_129 = arith.select %eq3A_128, %add3A_126, %broadcast_in_dim3A_9 : vector<16xi1>, vector<16xf32>
      %mul3A_130 = arith.constant 16 : i32
      %mul3A_131 = arith.muli %scan3A_8, %mul3A_130 : i32
      %add3A_132 = arith.constant 1 : i32
      %add3A_133 = arith.addi %mul3A_131, %add3A_132 : i32
      %broadcast_in_dim3A_134 = arith.constant 0.000000e+00 : f32
      %broadcast_in_dim3A_135 = vector.broadcast %broadcast_in_dim3A_134 : f32 to vector<16xf32>
      %get3A_136 = arith.index_cast %add3A_133 : i32 to index
      %get3A_137 = arith.constant 0 : index
      %get3A_138 = tpu.vector_load %arg4[%get3A_136, %get3A_137] {strides = array<i32>} : memref<512x128xf32, #tpu.memory_space<vmem>>, vector<1x16xf32>,
      %get3A_139 = vector.shape_cast %get3A_138 : vector<1x16xf32> to vector<16xf32>
      %mul3A_140 = arith.mulf %get3A_139, %get3A_139 : vector<16xf32>
      %add3A_141 = arith.addf %broadcast_in_dim3A_135, %mul3A_140 : vector<16xf32>
      %get3A_142 = arith.index_cast %add3A_133 : i32 to index
      %get3A_143 = arith.constant 16 : index
      %get3A_144 = tpu.vector_load %arg4[%get3A_142, %get3A_143] {strides = array<i32>} : memref<512x128xf32, #tpu.memory_space<vmem>>, vector<1x16xf32>,
      %get3A_145 = vector.shape_cast %get3A_144 : vector<1x16xf32> to vector<16xf32>
      %mul3A_146 = arith.mulf %get3A_145, %get3A_145 : vector<16xf32>
      %add3A_147 = arith.addf %add3A_141, %mul3A_146 : vector<16xf32>
      %get3A_148 = arith.index_cast %add3A_133 : i32 to index
      %get3A_149 = arith.constant 32 : index
      %get3A_150 = tpu.vector_load %arg4[%get3A_148, %get3A_149] {strides = array<i32>} : memref<512x128xf32, #tpu.memory_space<vmem>>, vector<1x16xf32>,
      %get3A_151 = vector.shape_cast %get3A_150 : vector<1x16xf32> to vector<16xf32>
      %mul3A_152 = arith.mulf %get3A_151, %get3A_151 : vector<16xf32>
      %add3A_153 = arith.addf %add3A_147, %mul3A_152 : vector<16xf32>
      %get3A_154 = arith.index_cast %add3A_133 : i32 to index
      %get3A_155 = arith.constant 48 : index
      %get3A_156 = tpu.vector_load %arg4[%get3A_154, %get3A_155] {strides = array<i32>} : memref<512x128xf32, #tpu.memory_space<vmem>>, vector<1x16xf32>,
      %get3A_157 = vector.shape_cast %get3A_156 : vector<1x16xf32> to vector<16xf32>
      %mul3A_158 = arith.mulf %get3A_157, %get3A_157 : vector<16xf32>
      %add3A_159 = arith.addf %add3A_153, %mul3A_158 : vector<16xf32>
      %get3A_160 = arith.index_cast %add3A_133 : i32 to index
      %get3A_161 = arith.constant 64 : index
      %get3A_162 = tpu.vector_load %arg4[%get3A_160, %get3A_161] {strides = array<i32>} : memref<512x128xf32, #tpu.memory_space<vmem>>, vector<1x16xf32>,
      %get3A_163 = vector.shape_cast %get3A_162 : vector<1x16xf32> to vector<16xf32>
      %mul3A_164 = arith.mulf %get3A_163, %get3A_163 : vector<16xf32>
      %add3A_165 = arith.addf %add3A_159, %mul3A_164 : vector<16xf32>
      %get3A_166 = arith.index_cast %add3A_133 : i32 to index
      %get3A_167 = arith.constant 80 : index
      %get3A_168 = tpu.vector_load %arg4[%get3A_166, %get3A_167] {strides = array<i32>} : memref<512x128xf32, #tpu.memory_space<vmem>>, vector<1x16xf32>,
      %get3A_169 = vector.shape_cast %get3A_168 : vector<1x16xf32> to vector<16xf32>
      %mul3A_170 = arith.mulf %get3A_169, %get3A_169 : vector<16xf32>
      %add3A_171 = arith.addf %add3A_165, %mul3A_170 : vector<16xf32>
      %get3A_172 = arith.index_cast %add3A_133 : i32 to index
      %get3A_173 = arith.constant 96 : index
      %get3A_174 = tpu.vector_load %arg4[%get3A_172, %get3A_173] {strides = array<i32>} : memref<512x128xf32, #tpu.memory_space<vmem>>, vector<1x16xf32>,
      %get3A_175 = vector.shape_cast %get3A_174 : vector<1x16xf32> to vector<16xf32>
      %mul3A_176 = arith.mulf %get3A_175, %get3A_175 : vector<16xf32>
      %add3A_177 = arith.addf %add3A_171, %mul3A_176 : vector<16xf32>
      %get3A_178 = arith.index_cast %add3A_133 : i32 to index
      %get3A_179 = arith.constant 112 : index
      %get3A_180 = tpu.vector_load %arg4[%get3A_178, %get3A_179] {strides = array<i32>} : memref<512x128xf32, #tpu.memory_space<vmem>>, vector<1x16xf32>,
      %get3A_181 = vector.shape_cast %get3A_180 : vector<1x16xf32> to vector<16xf32>
      %mul3A_182 = arith.mulf %get3A_181, %get3A_181 : vector<16xf32>
      %add3A_183 = arith.addf %add3A_177, %mul3A_182 : vector<16xf32>
      %add3A_184 = arith.constant 8 : i32
      %add3A_185 = vector.broadcast %add3A_184 : i32 to vector<16xi32>
      %add3A_186 = arith.addi %iota3A, %add3A_185 : vector<16xi32>
      %and3A_187 = arith.constant 15 : i32
      %and3A_188 = vector.broadcast %and3A_187 : i32 to vector<16xi32>
      %and3A_189 = arith.andi %add3A_186, %and3A_188 : vector<16xi32>
      %lt3A_190 = arith.constant 0 : i32
      %lt3A_191 = vector.broadcast %lt3A_190 : i32 to vector<16xi32>
      %lt3A_192 = arith.cmpi slt, %and3A_189, %lt3A_191 : vector<16xi32>
      %add3A_193 = arith.constant 16 : i32
      %add3A_194 = vector.broadcast %add3A_193 : i32 to vector<16xi32>
      %add3A_195 = arith.addi %and3A_189, %add3A_194 : vector<16xi32>
      %select_n3A_196 = arith.select %lt3A_192, %add3A_195, %and3A_189 : vector<16xi1>, vector<16xi32>
      %broadcast_in_dim3A_197 = vector.shape_cast %select_n3A_196 : vector<16xi32> to vector<16x1xi32>
      %gather3A_198 = vector.shape_cast %broadcast_in_dim3A_197 : vector<16x1xi32> to vector<16xi32>
      %gather3A_199 = tpu.dynamic_gather %add3A_183[%gather3A_198] in [0] : vector<16xf32>, vector<16xi32> -> vector<16xf32>
      %add3A_200 = arith.addf %add3A_183, %gather3A_199 : vector<16xf32>
      %add3A_201 = arith.constant 4 : i32
      %add3A_202 = vector.broadcast %add3A_201 : i32 to vector<16xi32>
      %add3A_203 = arith.addi %iota3A, %add3A_202 : vector<16xi32>
      %and3A_204 = arith.constant 15 : i32
      %and3A_205 = vector.broadcast %and3A_204 : i32 to vector<16xi32>
      %and3A_206 = arith.andi %add3A_203, %and3A_205 : vector<16xi32>
      %lt3A_207 = arith.constant 0 : i32
      %lt3A_208 = vector.broadcast %lt3A_207 : i32 to vector<16xi32>
      %lt3A_209 = arith.cmpi slt, %and3A_206, %lt3A_208 : vector<16xi32>
      %add3A_210 = arith.constant 16 : i32
      %add3A_211 = vector.broadcast %add3A_210 : i32 to vector<16xi32>
      %add3A_212 = arith.addi %and3A_206, %add3A_211 : vector<16xi32>
      %select_n3A_213 = arith.select %lt3A_209, %add3A_212, %and3A_206 : vector<16xi1>, vector<16xi32>
      %broadcast_in_dim3A_214 = vector.shape_cast %select_n3A_213 : vector<16xi32> to vector<16x1xi32>
      %gather3A_215 = vector.shape_cast %broadcast_in_dim3A_214 : vector<16x1xi32> to vector<16xi32>
      %gather3A_216 = tpu.dynamic_gather %add3A_200[%gather3A_215] in [0] : vector<16xf32>, vector<16xi32> -> vector<16xf32>
      %add3A_217 = arith.addf %add3A_200, %gather3A_216 : vector<16xf32>
      %add3A_218 = arith.constant 2 : i32
      %add3A_219 = vector.broadcast %add3A_218 : i32 to vector<16xi32>
      %add3A_220 = arith.addi %iota3A, %add3A_219 : vector<16xi32>
      %and3A_221 = arith.constant 15 : i32
      %and3A_222 = vector.broadcast %and3A_221 : i32 to vector<16xi32>
      %and3A_223 = arith.andi %add3A_220, %and3A_222 : vector<16xi32>
      %lt3A_224 = arith.constant 0 : i32
      %lt3A_225 = vector.broadcast %lt3A_224 : i32 to vector<16xi32>
      %lt3A_226 = arith.cmpi slt, %and3A_223, %lt3A_225 : vector<16xi32>
      %add3A_227 = arith.constant 16 : i32
      %add3A_228 = vector.broadcast %add3A_227 : i32 to vector<16xi32>
      %add3A_229 = arith.addi %and3A_223, %add3A_228 : vector<16xi32>
      %select_n3A_230 = arith.select %lt3A_226, %add3A_229, %and3A_223 : vector<16xi1>, vector<16xi32>
      %broadcast_in_dim3A_231 = vector.shape_cast %select_n3A_230 : vector<16xi32> to vector<16x1xi32>
      %gather3A_232 = vector.shape_cast %broadcast_in_dim3A_231 : vector<16x1xi32> to vector<16xi32>
      %gather3A_233 = tpu.dynamic_gather %add3A_217[%gather3A_232] in [0] : vector<16xf32>, vector<16xi32> -> vector<16xf32>
      %add3A_234 = arith.addf %add3A_217, %gather3A_233 : vector<16xf32>
      %add3A_235 = arith.constant 1 : i32
      %add3A_236 = vector.broadcast %add3A_235 : i32 to vector<16xi32>
      %add3A_237 = arith.addi %iota3A, %add3A_236 : vector<16xi32>
      %and3A_238 = arith.constant 15 : i32
      %and3A_239 = vector.broadcast %and3A_238 : i32 to vector<16xi32>
      %and3A_240 = arith.andi %add3A_237, %and3A_239 : vector<16xi32>
      %lt3A_241 = arith.constant 0 : i32
      %lt3A_242 = vector.broadcast %lt3A_241 : i32 to vector<16xi32>
      %lt3A_243 = arith.cmpi slt, %and3A_240, %lt3A_242 : vector<16xi32>
      %add3A_244 = arith.constant 16 : i32
      %add3A_245 = vector.broadcast %add3A_244 : i32 to vector<16xi32>
      %add3A_246 = arith.addi %and3A_240, %add3A_245 : vector<16xi32>
      %select_n3A_247 = arith.select %lt3A_243, %add3A_246, %and3A_240 : vector<16xi1>, vector<16xi32>
      %broadcast_in_dim3A_248 = vector.shape_cast %select_n3A_247 : vector<16xi32> to vector<16x1xi32>
      %gather3A_249 = vector.shape_cast %broadcast_in_dim3A_248 : vector<16x1xi32> to vector<16xi32>
      %gather3A_250 = tpu.dynamic_gather %add3A_234[%gather3A_249] in [0] : vector<16xf32>, vector<16xi32> -> vector<16xf32>
      %add3A_251 = arith.addf %add3A_234, %gather3A_250 : vector<16xf32>
      %eq3A_252 = arith.constant 1 : i32
      %eq3A_253 = vector.broadcast %eq3A_252 : i32 to vector<16xi32>
      %eq3A_254 = arith.cmpi eq, %iota3A, %eq3A_253 : vector<16xi32>
      %select_n3A_255 = arith.select %eq3A_254, %add3A_251, %select_n3A_129 : vector<16xi1>, vector<16xf32>
      %mul3A_256 = arith.constant 16 : i32
      %mul3A_257 = arith.muli %scan3A_8, %mul3A_256 : i32
      %add3A_258 = arith.constant 2 : i32
      %add3A_259 = arith.addi %mul3A_257, %add3A_258 : i32
      %broadcast_in_dim3A_260 = arith.constant 0.000000e+00 : f32
      %broadcast_in_dim3A_261 = vector.broadcast %broadcast_in_dim3A_260 : f32 to vector<16xf32>
      %get3A_262 = arith.index_cast %add3A_259 : i32 to index
      %get3A_263 = arith.constant 0 : index
      %get3A_264 = tpu.vector_load %arg4[%get3A_262, %get3A_263] {strides = array<i32>} : memref<512x128xf32, #tpu.memory_space<vmem>>, vector<1x16xf32>,
      %get3A_265 = vector.shape_cast %get3A_264 : vector<1x16xf32> to vector<16xf32>
      %mul3A_266 = arith.mulf %get3A_265, %get3A_265 : vector<16xf32>
      %add3A_267 = arith.addf %broadcast_in_dim3A_261, %mul3A_266 : vector<16xf32>
      %get3A_268 = arith.index_cast %add3A_259 : i32 to index
      %get3A_269 = arith.constant 16 : index
      %get3A_270 = tpu.vector_load %arg4[%get3A_268, %get3A_269] {strides = array<i32>} : memref<512x128xf32, #tpu.memory_space<vmem>>, vector<1x16xf32>,
      %get3A_271 = vector.shape_cast %get3A_270 : vector<1x16xf32> to vector<16xf32>
      %mul3A_272 = arith.mulf %get3A_271, %get3A_271 : vector<16xf32>
      %add3A_273 = arith.addf %add3A_267, %mul3A_272 : vector<16xf32>
      %get3A_274 = arith.index_cast %add3A_259 : i32 to index
      %get3A_275 = arith.constant 32 : index
      %get3A_276 = tpu.vector_load %arg4[%get3A_274, %get3A_275] {strides = array<i32>} : memref<512x128xf32, #tpu.memory_space<vmem>>, vector<1x16xf32>,
      %get3A_277 = vector.shape_cast %get3A_276 : vector<1x16xf32> to vector<16xf32>
      %mul3A_278 = arith.mulf %get3A_277, %get3A_277 : vector<16xf32>
      %add3A_279 = arith.addf %add3A_273, %mul3A_278 : vector<16xf32>
      %get3A_280 = arith.index_cast %add3A_259 : i32 to index
      %get3A_281 = arith.constant 48 : index
      %get3A_282 = tpu.vector_load %arg4[%get3A_280, %get3A_281] {strides = array<i32>} : memref<512x128xf32, #tpu.memory_space<vmem>>, vector<1x16xf32>,
      %get3A_283 = vector.shape_cast %get3A_282 : vector<1x16xf32> to vector<16xf32>
      %mul3A_284 = arith.mulf %get3A_283, %get3A_283 : vector<16xf32>
      %add3A_285 = arith.addf %add3A_279, %mul3A_284 : vector<16xf32>
      %get3A_286 = arith.index_cast %add3A_259 : i32 to index
      %get3A_287 = arith.constant 64 : index
      %get3A_288 = tpu.vector_load %arg4[%get3A_286, %get3A_287] {strides = array<i32>} : memref<512x128xf32, #tpu.memory_space<vmem>>, vector<1x16xf32>,
      %get3A_289 = vector.shape_cast %get3A_288 : vector<1x16xf32> to vector<16xf32>
      %mul3A_290 = arith.mulf %get3A_289, %get3A_289 : vector<16xf32>
      %add3A_291 = arith.addf %add3A_285, %mul3A_290 : vector<16xf32>
      %get3A_292 = arith.index_cast %add3A_259 : i32 to index
      %get3A_293 = arith.constant 80 : index
      %get3A_294 = tpu.vector_load %arg4[%get3A_292, %get3A_293] {strides = array<i32>} : memref<512x128xf32, #tpu.memory_space<vmem>>, vector<1x16xf32>,
      %get3A_295 = vector.shape_cast %get3A_294 : vector<1x16xf32> to vector<16xf32>
      %mul3A_296 = arith.mulf %get3A_295, %get3A_295 : vector<16xf32>
      %add3A_297 = arith.addf %add3A_291, %mul3A_296 : vector<16xf32>
      %get3A_298 = arith.index_cast %add3A_259 : i32 to index
      %get3A_299 = arith.constant 96 : index
      %get3A_300 = tpu.vector_load %arg4[%get3A_298, %get3A_299] {strides = array<i32>} : memref<512x128xf32, #tpu.memory_space<vmem>>, vector<1x16xf32>,
      %get3A_301 = vector.shape_cast %get3A_300 : vector<1x16xf32> to vector<16xf32>
      %mul3A_302 = arith.mulf %get3A_301, %get3A_301 : vector<16xf32>
      %add3A_303 = arith.addf %add3A_297, %mul3A_302 : vector<16xf32>
      %get3A_304 = arith.index_cast %add3A_259 : i32 to index
      %get3A_305 = arith.constant 112 : index
      %get3A_306 = tpu.vector_load %arg4[%get3A_304, %get3A_305] {strides = array<i32>} : memref<512x128xf32, #tpu.memory_space<vmem>>, vector<1x16xf32>,
      %get3A_307 = vector.shape_cast %get3A_306 : vector<1x16xf32> to vector<16xf32>
      %mul3A_308 = arith.mulf %get3A_307, %get3A_307 : vector<16xf32>
      %add3A_309 = arith.addf %add3A_303, %mul3A_308 : vector<16xf32>
      %add3A_310 = arith.constant 8 : i32
      %add3A_311 = vector.broadcast %add3A_310 : i32 to vector<16xi32>
      %add3A_312 = arith.addi %iota3A, %add3A_311 : vector<16xi32>
      %and3A_313 = arith.constant 15 : i32
      %and3A_314 = vector.broadcast %and3A_313 : i32 to vector<16xi32>
      %and3A_315 = arith.andi %add3A_312, %and3A_314 : vector<16xi32>
      %lt3A_316 = arith.constant 0 : i32
      %lt3A_317 = vector.broadcast %lt3A_316 : i32 to vector<16xi32>
      %lt3A_318 = arith.cmpi slt, %and3A_315, %lt3A_317 : vector<16xi32>
      %add3A_319 = arith.constant 16 : i32
      %add3A_320 = vector.broadcast %add3A_319 : i32 to vector<16xi32>
      %add3A_321 = arith.addi %and3A_315, %add3A_320 : vector<16xi32>
      %select_n3A_322 = arith.select %lt3A_318, %add3A_321, %and3A_315 : vector<16xi1>, vector<16xi32>
      %broadcast_in_dim3A_323 = vector.shape_cast %select_n3A_322 : vector<16xi32> to vector<16x1xi32>
      %gather3A_324 = vector.shape_cast %broadcast_in_dim3A_323 : vector<16x1xi32> to vector<16xi32>
      %gather3A_325 = tpu.dynamic_gather %add3A_309[%gather3A_324] in [0] : vector<16xf32>, vector<16xi32> -> vector<16xf32>
      %add3A_326 = arith.addf %add3A_309, %gather3A_325 : vector<16xf32>
      %add3A_327 = arith.constant 4 : i32
      %add3A_328 = vector.broadcast %add3A_327 : i32 to vector<16xi32>
      %add3A_329 = arith.addi %iota3A, %add3A_328 : vector<16xi32>
      %and3A_330 = arith.constant 15 : i32
      %and3A_331 = vector.broadcast %and3A_330 : i32 to vector<16xi32>
      %and3A_332 = arith.andi %add3A_329, %and3A_331 : vector<16xi32>
      %lt3A_333 = arith.constant 0 : i32
      %lt3A_334 = vector.broadcast %lt3A_333 : i32 to vector<16xi32>
      %lt3A_335 = arith.cmpi slt, %and3A_332, %lt3A_334 : vector<16xi32>
      %add3A_336 = arith.constant 16 : i32
      %add3A_337 = vector.broadcast %add3A_336 : i32 to vector<16xi32>
      %add3A_338 = arith.addi %and3A_332, %add3A_337 : vector<16xi32>
      %select_n3A_339 = arith.select %lt3A_335, %add3A_338, %and3A_332 : vector<16xi1>, vector<16xi32>
      %broadcast_in_dim3A_340 = vector.shape_cast %select_n3A_339 : vector<16xi32> to vector<16x1xi32>
      %gather3A_341 = vector.shape_cast %broadcast_in_dim3A_340 : vector<16x1xi32> to vector<16xi32>
      %gather3A_342 = tpu.dynamic_gather %add3A_326[%gather3A_341] in [0] : vector<16xf32>, vector<16xi32> -> vector<16xf32>
      %add3A_343 = arith.addf %add3A_326, %gather3A_342 : vector<16xf32>
      %add3A_344 = arith.constant 2 : i32
      %add3A_345 = vector.broadcast %add3A_344 : i32 to vector<16xi32>
      %add3A_346 = arith.addi %iota3A, %add3A_345 : vector<16xi32>
      %and3A_347 = arith.constant 15 : i32
      %and3A_348 = vector.broadcast %and3A_347 : i32 to vector<16xi32>
      %and3A_349 = arith.andi %add3A_346, %and3A_348 : vector<16xi32>
      %lt3A_350 = arith.constant 0 : i32
      %lt3A_351 = vector.broadcast %lt3A_350 : i32 to vector<16xi32>
      %lt3A_352 = arith.cmpi slt, %and3A_349, %lt3A_351 : vector<16xi32>
      %add3A_353 = arith.constant 16 : i32
      %add3A_354 = vector.broadcast %add3A_353 : i32 to vector<16xi32>
      %add3A_355 = arith.addi %and3A_349, %add3A_354 : vector<16xi32>
      %select_n3A_356 = arith.select %lt3A_352, %add3A_355, %and3A_349 : vector<16xi1>, vector<16xi32>
      %broadcast_in_dim3A_357 = vector.shape_cast %select_n3A_356 : vector<16xi32> to vector<16x1xi32>
      %gather3A_358 = vector.shape_cast %broadcast_in_dim3A_357 : vector<16x1xi32> to vector<16xi32>
      %gather3A_359 = tpu.dynamic_gather %add3A_343[%gather3A_358] in [0] : vector<16xf32>, vector<16xi32> -> vector<16xf32>
      %add3A_360 = arith.addf %add3A_343, %gather3A_359 : vector<16xf32>
      %add3A_361 = arith.constant 1 : i32
      %add3A_362 = vector.broadcast %add3A_361 : i32 to vector<16xi32>
      %add3A_363 = arith.addi %iota3A, %add3A_362 : vector<16xi32>
      %and3A_364 = arith.constant 15 : i32
      %and3A_365 = vector.broadcast %and3A_364 : i32 to vector<16xi32>
      %and3A_366 = arith.andi %add3A_363, %and3A_365 : vector<16xi32>
      %lt3A_367 = arith.constant 0 : i32
      %lt3A_368 = vector.broadcast %lt3A_367 : i32 to vector<16xi32>
      %lt3A_369 = arith.cmpi slt, %and3A_366, %lt3A_368 : vector<16xi32>
      %add3A_370 = arith.constant 16 : i32
      %add3A_371 = vector.broadcast %add3A_370 : i32 to vector<16xi32>
      %add3A_372 = arith.addi %and3A_366, %add3A_371 : vector<16xi32>
      %select_n3A_373 = arith.select %lt3A_369, %add3A_372, %and3A_366 : vector<16xi1>, vector<16xi32>
      %broadcast_in_dim3A_374 = vector.shape_cast %select_n3A_373 : vector<16xi32> to vector<16x1xi32>
      %gather3A_375 = vector.shape_cast %broadcast_in_dim3A_374 : vector<16x1xi32> to vector<16xi32>
      %gather3A_376 = tpu.dynamic_gather %add3A_360[%gather3A_375] in [0] : vector<16xf32>, vector<16xi32> -> vector<16xf32>
      %add3A_377 = arith.addf %add3A_360, %gather3A_376 : vector<16xf32>
      %eq3A_378 = arith.constant 2 : i32
      %eq3A_379 = vector.broadcast %eq3A_378 : i32 to vector<16xi32>
      %eq3A_380 = arith.cmpi eq, %iota3A, %eq3A_379 : vector<16xi32>
      %select_n3A_381 = arith.select %eq3A_380, %add3A_377, %select_n3A_255 : vector<16xi1>, vector<16xf32>
      %mul3A_382 = arith.constant 16 : i32
      %mul3A_383 = arith.muli %scan3A_8, %mul3A_382 : i32
      %add3A_384 = arith.constant 3 : i32
      %add3A_385 = arith.addi %mul3A_383, %add3A_384 : i32
      %broadcast_in_dim3A_386 = arith.constant 0.000000e+00 : f32
      %broadcast_in_dim3A_387 = vector.broadcast %broadcast_in_dim3A_386 : f32 to vector<16xf32>
      %get3A_388 = arith.index_cast %add3A_385 : i32 to index
      %get3A_389 = arith.constant 0 : index
      %get3A_390 = tpu.vector_load %arg4[%get3A_388, %get3A_389] {strides = array<i32>} : memref<512x128xf32, #tpu.memory_space<vmem>>, vector<1x16xf32>,
      %get3A_391 = vector.shape_cast %get3A_390 : vector<1x16xf32> to vector<16xf32>
      %mul3A_392 = arith.mulf %get3A_391, %get3A_391 : vector<16xf32>
      %add3A_393 = arith.addf %broadcast_in_dim3A_387, %mul3A_392 : vector<16xf32>
      %get3A_394 = arith.index_cast %add3A_385 : i32 to index
      %get3A_395 = arith.constant 16 : index
      %get3A_396 = tpu.vector_load %arg4[%get3A_394, %get3A_395] {strides = array<i32>} : memref<512x128xf32, #tpu.memory_space<vmem>>, vector<1x16xf32>,
      %get3A_397 = vector.shape_cast %get3A_396 : vector<1x16xf32> to vector<16xf32>
      %mul3A_398 = arith.mulf %get3A_397, %get3A_397 : vector<16xf32>
      %add3A_399 = arith.addf %add3A_393, %mul3A_398 : vector<16xf32>
      %get3A_400 = arith.index_cast %add3A_385 : i32 to index
      %get3A_401 = arith.constant 32 : index
      %get3A_402 = tpu.vector_load %arg4[%get3A_400, %get3A_401] {strides = array<i32>} : memref<512x128xf32, #tpu.memory_space<vmem>>, vector<1x16xf32>,
      %get3A_403 = vector.shape_cast %get3A_402 : vector<1x16xf32> to vector<16xf32>
      %mul3A_404 = arith.mulf %get3A_403, %get3A_403 : vector<16xf32>
      %add3A_405 = arith.addf %add3A_399, %mul3A_404 : vector<16xf32>
      %get3A_406 = arith.index_cast %add3A_385 : i32 to index
      %get3A_407 = arith.constant 48 : index
      %get3A_408 = tpu.vector_load %arg4[%get3A_406, %get3A_407] {strides = array<i32>} : memref<512x128xf32, #tpu.memory_space<vmem>>, vector<1x16xf32>,
      %get3A_409 = vector.shape_cast %get3A_408 : vector<1x16xf32> to vector<16xf32>
      %mul3A_410 = arith.mulf %get3A_409, %get3A_409 : vector<16xf32>
      %add3A_411 = arith.addf %add3A_405, %mul3A_410 : vector<16xf32>
      %get3A_412 = arith.index_cast %add3A_385 : i32 to index
      %get3A_413 = arith.constant 64 : index
      %get3A_414 = tpu.vector_load %arg4[%get3A_412, %get3A_413] {strides = array<i32>} : memref<512x128xf32, #tpu.memory_space<vmem>>, vector<1x16xf32>,
      %get3A_415 = vector.shape_cast %get3A_414 : vector<1x16xf32> to vector<16xf32>
      %mul3A_416 = arith.mulf %get3A_415, %get3A_415 : vector<16xf32>
      %add3A_417 = arith.addf %add3A_411, %mul3A_416 : vector<16xf32>
      %get3A_418 = arith.index_cast %add3A_385 : i32 to index
      %get3A_419 = arith.constant 80 : index
      %get3A_420 = tpu.vector_load %arg4[%get3A_418, %get3A_419] {strides = array<i32>} : memref<512x128xf32, #tpu.memory_space<vmem>>, vector<1x16xf32>,
      %get3A_421 = vector.shape_cast %get3A_420 : vector<1x16xf32> to vector<16xf32>
      %mul3A_422 = arith.mulf %get3A_421, %get3A_421 : vector<16xf32>
      %add3A_423 = arith.addf %add3A_417, %mul3A_422 : vector<16xf32>
      %get3A_424 = arith.index_cast %add3A_385 : i32 to index
      %get3A_425 = arith.constant 96 : index
      %get3A_426 = tpu.vector_load %arg4[%get3A_424, %get3A_425] {strides = array<i32>} : memref<512x128xf32, #tpu.memory_space<vmem>>, vector<1x16xf32>,
      %get3A_427 = vector.shape_cast %get3A_426 : vector<1x16xf32> to vector<16xf32>
      %mul3A_428 = arith.mulf %get3A_427, %get3A_427 : vector<16xf32>
      %add3A_429 = arith.addf %add3A_423, %mul3A_428 : vector<16xf32>
      %get3A_430 = arith.index_cast %add3A_385 : i32 to index
      %get3A_431 = arith.constant 112 : index
      %get3A_432 = tpu.vector_load %arg4[%get3A_430, %get3A_431] {strides = array<i32>} : memref<512x128xf32, #tpu.memory_space<vmem>>, vector<1x16xf32>,
      %get3A_433 = vector.shape_cast %get3A_432 : vector<1x16xf32> to vector<16xf32>
      %mul3A_434 = arith.mulf %get3A_433, %get3A_433 : vector<16xf32>
      %add3A_435 = arith.addf %add3A_429, %mul3A_434 : vector<16xf32>
      %add3A_436 = arith.constant 8 : i32
      %add3A_437 = vector.broadcast %add3A_436 : i32 to vector<16xi32>
      %add3A_438 = arith.addi %iota3A, %add3A_437 : vector<16xi32>
      %and3A_439 = arith.constant 15 : i32
      %and3A_440 = vector.broadcast %and3A_439 : i32 to vector<16xi32>
      %and3A_441 = arith.andi %add3A_438, %and3A_440 : vector<16xi32>
      %lt3A_442 = arith.constant 0 : i32
      %lt3A_443 = vector.broadcast %lt3A_442 : i32 to vector<16xi32>
      %lt3A_444 = arith.cmpi slt, %and3A_441, %lt3A_443 : vector<16xi32>
      %add3A_445 = arith.constant 16 : i32
      %add3A_446 = vector.broadcast %add3A_445 : i32 to vector<16xi32>
      %add3A_447 = arith.addi %and3A_441, %add3A_446 : vector<16xi32>
      %select_n3A_448 = arith.select %lt3A_444, %add3A_447, %and3A_441 : vector<16xi1>, vector<16xi32>
      %broadcast_in_dim3A_449 = vector.shape_cast %select_n3A_448 : vector<16xi32> to vector<16x1xi32>
      %gather3A_450 = vector.shape_cast %broadcast_in_dim3A_449 : vector<16x1xi32> to vector<16xi32>
      %gather3A_451 = tpu.dynamic_gather %add3A_435[%gather3A_450] in [0] : vector<16xf32>, vector<16xi32> -> vector<16xf32>
      %add3A_452 = arith.addf %add3A_435, %gather3A_451 : vector<16xf32>
      %add3A_453 = arith.constant 4 : i32
      %add3A_454 = vector.broadcast %add3A_453 : i32 to vector<16xi32>
      %add3A_455 = arith.addi %iota3A, %add3A_454 : vector<16xi32>
      %and3A_456 = arith.constant 15 : i32
      %and3A_457 = vector.broadcast %and3A_456 : i32 to vector<16xi32>
      %and3A_458 = arith.andi %add3A_455, %and3A_457 : vector<16xi32>
      %lt3A_459 = arith.constant 0 : i32
      %lt3A_460 = vector.broadcast %lt3A_459 : i32 to vector<16xi32>
      %lt3A_461 = arith.cmpi slt, %and3A_458, %lt3A_460 : vector<16xi32>
      %add3A_462 = arith.constant 16 : i32
      %add3A_463 = vector.broadcast %add3A_462 : i32 to vector<16xi32>
      %add3A_464 = arith.addi %and3A_458, %add3A_463 : vector<16xi32>
      %select_n3A_465 = arith.select %lt3A_461, %add3A_464, %and3A_458 : vector<16xi1>, vector<16xi32>
      %broadcast_in_dim3A_466 = vector.shape_cast %select_n3A_465 : vector<16xi32> to vector<16x1xi32>
      %gather3A_467 = vector.shape_cast %broadcast_in_dim3A_466 : vector<16x1xi32> to vector<16xi32>
      %gather3A_468 = tpu.dynamic_gather %add3A_452[%gather3A_467] in [0] : vector<16xf32>, vector<16xi32> -> vector<16xf32>
      %add3A_469 = arith.addf %add3A_452, %gather3A_468 : vector<16xf32>
      %add3A_470 = arith.constant 2 : i32
      %add3A_471 = vector.broadcast %add3A_470 : i32 to vector<16xi32>
      %add3A_472 = arith.addi %iota3A, %add3A_471 : vector<16xi32>
      %and3A_473 = arith.constant 15 : i32
      %and3A_474 = vector.broadcast %and3A_473 : i32 to vector<16xi32>
      %and3A_475 = arith.andi %add3A_472, %and3A_474 : vector<16xi32>
      %lt3A_476 = arith.constant 0 : i32
      %lt3A_477 = vector.broadcast %lt3A_476 : i32 to vector<16xi32>
      %lt3A_478 = arith.cmpi slt, %and3A_475, %lt3A_477 : vector<16xi32>
      %add3A_479 = arith.constant 16 : i32
      %add3A_480 = vector.broadcast %add3A_479 : i32 to vector<16xi32>
      %add3A_481 = arith.addi %and3A_475, %add3A_480 : vector<16xi32>
      %select_n3A_482 = arith.select %lt3A_478, %add3A_481, %and3A_475 : vector<16xi1>, vector<16xi32>
      %broadcast_in_dim3A_483 = vector.shape_cast %select_n3A_482 : vector<16xi32> to vector<16x1xi32>
      %gather3A_484 = vector.shape_cast %broadcast_in_dim3A_483 : vector<16x1xi32> to vector<16xi32>
      %gather3A_485 = tpu.dynamic_gather %add3A_469[%gather3A_484] in [0] : vector<16xf32>, vector<16xi32> -> vector<16xf32>
      %add3A_486 = arith.addf %add3A_469, %gather3A_485 : vector<16xf32>
      %add3A_487 = arith.constant 1 : i32
      %add3A_488 = vector.broadcast %add3A_487 : i32 to vector<16xi32>
      %add3A_489 = arith.addi %iota3A, %add3A_488 : vector<16xi32>
      %and3A_490 = arith.constant 15 : i32
      %and3A_491 = vector.broadcast %and3A_490 : i32 to vector<16xi32>
      %and3A_492 = arith.andi %add3A_489, %and3A_491 : vector<16xi32>
      %lt3A_493 = arith.constant 0 : i32
      %lt3A_494 = vector.broadcast %lt3A_493 : i32 to vector<16xi32>
      %lt3A_495 = arith.cmpi slt, %and3A_492, %lt3A_494 : vector<16xi32>
      %add3A_496 = arith.constant 16 : i32
      %add3A_497 = vector.broadcast %add3A_496 : i32 to vector<16xi32>
      %add3A_498 = arith.addi %and3A_492, %add3A_497 : vector<16xi32>
      %select_n3A_499 = arith.select %lt3A_495, %add3A_498, %and3A_492 : vector<16xi1>, vector<16xi32>
      %broadcast_in_dim3A_500 = vector.shape_cast %select_n3A_499 : vector<16xi32> to vector<16x1xi32>
      %gather3A_501 = vector.shape_cast %broadcast_in_dim3A_500 : vector<16x1xi32> to vector<16xi32>
      %gather3A_502 = tpu.dynamic_gather %add3A_486[%gather3A_501] in [0] : vector<16xf32>, vector<16xi32> -> vector<16xf32>
      %add3A_503 = arith.addf %add3A_486, %gather3A_502 : vector<16xf32>
      %eq3A_504 = arith.constant 3 : i32
      %eq3A_505 = vector.broadcast %eq3A_504 : i32 to vector<16xi32>
      %eq3A_506 = arith.cmpi eq, %iota3A, %eq3A_505 : vector<16xi32>
      %select_n3A_507 = arith.select %eq3A_506, %add3A_503, %select_n3A_381 : vector<16xi1>, vector<16xf32>
      %mul3A_508 = arith.constant 16 : i32
      %mul3A_509 = arith.muli %scan3A_8, %mul3A_508 : i32
      %add3A_510 = arith.constant 4 : i32
      %add3A_511 = arith.addi %mul3A_509, %add3A_510 : i32
      %broadcast_in_dim3A_512 = arith.constant 0.000000e+00 : f32
      %broadcast_in_dim3A_513 = vector.broadcast %broadcast_in_dim3A_512 : f32 to vector<16xf32>
      %get3A_514 = arith.index_cast %add3A_511 : i32 to index
      %get3A_515 = arith.constant 0 : index
      %get3A_516 = tpu.vector_load %arg4[%get3A_514, %get3A_515] {strides = array<i32>} : memref<512x128xf32, #tpu.memory_space<vmem>>, vector<1x16xf32>,
      %get3A_517 = vector.shape_cast %get3A_516 : vector<1x16xf32> to vector<16xf32>
      %mul3A_518 = arith.mulf %get3A_517, %get3A_517 : vector<16xf32>
      %add3A_519 = arith.addf %broadcast_in_dim3A_513, %mul3A_518 : vector<16xf32>
      %get3A_520 = arith.index_cast %add3A_511 : i32 to index
      %get3A_521 = arith.constant 16 : index
      %get3A_522 = tpu.vector_load %arg4[%get3A_520, %get3A_521] {strides = array<i32>} : memref<512x128xf32, #tpu.memory_space<vmem>>, vector<1x16xf32>,
      %get3A_523 = vector.shape_cast %get3A_522 : vector<1x16xf32> to vector<16xf32>
      %mul3A_524 = arith.mulf %get3A_523, %get3A_523 : vector<16xf32>
      %add3A_525 = arith.addf %add3A_519, %mul3A_524 : vector<16xf32>
      %get3A_526 = arith.index_cast %add3A_511 : i32 to index
      %get3A_527 = arith.constant 32 : index
      %get3A_528 = tpu.vector_load %arg4[%get3A_526, %get3A_527] {strides = array<i32>} : memref<512x128xf32, #tpu.memory_space<vmem>>, vector<1x16xf32>,
      %get3A_529 = vector.shape_cast %get3A_528 : vector<1x16xf32> to vector<16xf32>
      %mul3A_530 = arith.mulf %get3A_529, %get3A_529 : vector<16xf32>
      %add3A_531 = arith.addf %add3A_525, %mul3A_530 : vector<16xf32>
      %get3A_532 = arith.index_cast %add3A_511 : i32 to index
      %get3A_533 = arith.constant 48 : index
      %get3A_534 = tpu.vector_load %arg4[%get3A_532, %get3A_533] {strides = array<i32>} : memref<512x128xf32, #tpu.memory_space<vmem>>, vector<1x16xf32>,
      %get3A_535 = vector.shape_cast %get3A_534 : vector<1x16xf32> to vector<16xf32>
      %mul3A_536 = arith.mulf %get3A_535, %get3A_535 : vector<16xf32>
      %add3A_537 = arith.addf %add3A_531, %mul3A_536 : vector<16xf32>
      %get3A_538 = arith.index_cast %add3A_511 : i32 to index
      %get3A_539 = arith.constant 64 : index
      %get3A_540 = tpu.vector_load %arg4[%get3A_538, %get3A_539] {strides = array<i32>} : memref<512x128xf32, #tpu.memory_space<vmem>>, vector<1x16xf32>,
      %get3A_541 = vector.shape_cast %get3A_540 : vector<1x16xf32> to vector<16xf32>
      %mul3A_542 = arith.mulf %get3A_541, %get3A_541 : vector<16xf32>
      %add3A_543 = arith.addf %add3A_537, %mul3A_542 : vector<16xf32>
      %get3A_544 = arith.index_cast %add3A_511 : i32 to index
      %get3A_545 = arith.constant 80 : index
      %get3A_546 = tpu.vector_load %arg4[%get3A_544, %get3A_545] {strides = array<i32>} : memref<512x128xf32, #tpu.memory_space<vmem>>, vector<1x16xf32>,
      %get3A_547 = vector.shape_cast %get3A_546 : vector<1x16xf32> to vector<16xf32>
      %mul3A_548 = arith.mulf %get3A_547, %get3A_547 : vector<16xf32>
      %add3A_549 = arith.addf %add3A_543, %mul3A_548 : vector<16xf32>
      %get3A_550 = arith.index_cast %add3A_511 : i32 to index
      %get3A_551 = arith.constant 96 : index
      %get3A_552 = tpu.vector_load %arg4[%get3A_550, %get3A_551] {strides = array<i32>} : memref<512x128xf32, #tpu.memory_space<vmem>>, vector<1x16xf32>,
      %get3A_553 = vector.shape_cast %get3A_552 : vector<1x16xf32> to vector<16xf32>
      %mul3A_554 = arith.mulf %get3A_553, %get3A_553 : vector<16xf32>
      %add3A_555 = arith.addf %add3A_549, %mul3A_554 : vector<16xf32>
      %get3A_556 = arith.index_cast %add3A_511 : i32 to index
      %get3A_557 = arith.constant 112 : index
      %get3A_558 = tpu.vector_load %arg4[%get3A_556, %get3A_557] {strides = array<i32>} : memref<512x128xf32, #tpu.memory_space<vmem>>, vector<1x16xf32>,
      %get3A_559 = vector.shape_cast %get3A_558 : vector<1x16xf32> to vector<16xf32>
      %mul3A_560 = arith.mulf %get3A_559, %get3A_559 : vector<16xf32>
      %add3A_561 = arith.addf %add3A_555, %mul3A_560 : vector<16xf32>
      %add3A_562 = arith.constant 8 : i32
      %add3A_563 = vector.broadcast %add3A_562 : i32 to vector<16xi32>
      %add3A_564 = arith.addi %iota3A, %add3A_563 : vector<16xi32>
      %and3A_565 = arith.constant 15 : i32
      %and3A_566 = vector.broadcast %and3A_565 : i32 to vector<16xi32>
      %and3A_567 = arith.andi %add3A_564, %and3A_566 : vector<16xi32>
      %lt3A_568 = arith.constant 0 : i32
      %lt3A_569 = vector.broadcast %lt3A_568 : i32 to vector<16xi32>
      %lt3A_570 = arith.cmpi slt, %and3A_567, %lt3A_569 : vector<16xi32>
      %add3A_571 = arith.constant 16 : i32
      %add3A_572 = vector.broadcast %add3A_571 : i32 to vector<16xi32>
      %add3A_573 = arith.addi %and3A_567, %add3A_572 : vector<16xi32>
      %select_n3A_574 = arith.select %lt3A_570, %add3A_573, %and3A_567 : vector<16xi1>, vector<16xi32>
      %broadcast_in_dim3A_575 = vector.shape_cast %select_n3A_574 : vector<16xi32> to vector<16x1xi32>
      %gather3A_576 = vector.shape_cast %broadcast_in_dim3A_575 : vector<16x1xi32> to vector<16xi32>
      %gather3A_577 = tpu.dynamic_gather %add3A_561[%gather3A_576] in [0] : vector<16xf32>, vector<16xi32> -> vector<16xf32>
      %add3A_578 = arith.addf %add3A_561, %gather3A_577 : vector<16xf32>
      %add3A_579 = arith.constant 4 : i32
      %add3A_580 = vector.broadcast %add3A_579 : i32 to vector<16xi32>
      %add3A_581 = arith.addi %iota3A, %add3A_580 : vector<16xi32>
      %and3A_582 = arith.constant 15 : i32
      %and3A_583 = vector.broadcast %and3A_582 : i32 to vector<16xi32>
      %and3A_584 = arith.andi %add3A_581, %and3A_583 : vector<16xi32>
      %lt3A_585 = arith.constant 0 : i32
      %lt3A_586 = vector.broadcast %lt3A_585 : i32 to vector<16xi32>
      %lt3A_587 = arith.cmpi slt, %and3A_584, %lt3A_586 : vector<16xi32>
      %add3A_588 = arith.constant 16 : i32
      %add3A_589 = vector.broadcast %add3A_588 : i32 to vector<16xi32>
      %add3A_590 = arith.addi %and3A_584, %add3A_589 : vector<16xi32>
      %select_n3A_591 = arith.select %lt3A_587, %add3A_590, %and3A_584 : vector<16xi1>, vector<16xi32>
      %broadcast_in_dim3A_592 = vector.shape_cast %select_n3A_591 : vector<16xi32> to vector<16x1xi32>
      %gather3A_593 = vector.shape_cast %broadcast_in_dim3A_592 : vector<16x1xi32> to vector<16xi32>
      %gather3A_594 = tpu.dynamic_gather %add3A_578[%gather3A_593] in [0] : vector<16xf32>, vector<16xi32> -> vector<16xf32>
      %add3A_595 = arith.addf %add3A_578, %gather3A_594 : vector<16xf32>
      %add3A_596 = arith.constant 2 : i32
      %add3A_597 = vector.broadcast %add3A_596 : i32 to vector<16xi32>
      %add3A_598 = arith.addi %iota3A, %add3A_597 : vector<16xi32>
      %and3A_599 = arith.constant 15 : i32
      %and3A_600 = vector.broadcast %and3A_599 : i32 to vector<16xi32>
      %and3A_601 = arith.andi %add3A_598, %and3A_600 : vector<16xi32>
      %lt3A_602 = arith.constant 0 : i32
      %lt3A_603 = vector.broadcast %lt3A_602 : i32 to vector<16xi32>
      %lt3A_604 = arith.cmpi slt, %and3A_601, %lt3A_603 : vector<16xi32>
      %add3A_605 = arith.constant 16 : i32
      %add3A_606 = vector.broadcast %add3A_605 : i32 to vector<16xi32>
      %add3A_607 = arith.addi %and3A_601, %add3A_606 : vector<16xi32>
      %select_n3A_608 = arith.select %lt3A_604, %add3A_607, %and3A_601 : vector<16xi1>, vector<16xi32>
      %broadcast_in_dim3A_609 = vector.shape_cast %select_n3A_608 : vector<16xi32> to vector<16x1xi32>
      %gather3A_610 = vector.shape_cast %broadcast_in_dim3A_609 : vector<16x1xi32> to vector<16xi32>
      %gather3A_611 = tpu.dynamic_gather %add3A_595[%gather3A_610] in [0] : vector<16xf32>, vector<16xi32> -> vector<16xf32>
      %add3A_612 = arith.addf %add3A_595, %gather3A_611 : vector<16xf32>
      %add3A_613 = arith.constant 1 : i32
      %add3A_614 = vector.broadcast %add3A_613 : i32 to vector<16xi32>
      %add3A_615 = arith.addi %iota3A, %add3A_614 : vector<16xi32>
      %and3A_616 = arith.constant 15 : i32
      %and3A_617 = vector.broadcast %and3A_616 : i32 to vector<16xi32>
      %and3A_618 = arith.andi %add3A_615, %and3A_617 : vector<16xi32>
      %lt3A_619 = arith.constant 0 : i32
      %lt3A_620 = vector.broadcast %lt3A_619 : i32 to vector<16xi32>
      %lt3A_621 = arith.cmpi slt, %and3A_618, %lt3A_620 : vector<16xi32>
      %add3A_622 = arith.constant 16 : i32
      %add3A_623 = vector.broadcast %add3A_622 : i32 to vector<16xi32>
      %add3A_624 = arith.addi %and3A_618, %add3A_623 : vector<16xi32>
      %select_n3A_625 = arith.select %lt3A_621, %add3A_624, %and3A_618 : vector<16xi1>, vector<16xi32>
      %broadcast_in_dim3A_626 = vector.shape_cast %select_n3A_625 : vector<16xi32> to vector<16x1xi32>
      %gather3A_627 = vector.shape_cast %broadcast_in_dim3A_626 : vector<16x1xi32> to vector<16xi32>
      %gather3A_628 = tpu.dynamic_gather %add3A_612[%gather3A_627] in [0] : vector<16xf32>, vector<16xi32> -> vector<16xf32>
      %add3A_629 = arith.addf %add3A_612, %gather3A_628 : vector<16xf32>
      %eq3A_630 = arith.constant 4 : i32
      %eq3A_631 = vector.broadcast %eq3A_630 : i32 to vector<16xi32>
      %eq3A_632 = arith.cmpi eq, %iota3A, %eq3A_631 : vector<16xi32>
      %select_n3A_633 = arith.select %eq3A_632, %add3A_629, %select_n3A_507 : vector<16xi1>, vector<16xf32>
      %mul3A_634 = arith.constant 16 : i32
      %mul3A_635 = arith.muli %scan3A_8, %mul3A_634 : i32
      %add3A_636 = arith.constant 5 : i32
      %add3A_637 = arith.addi %mul3A_635, %add3A_636 : i32
      %broadcast_in_dim3A_638 = arith.constant 0.000000e+00 : f32
      %broadcast_in_dim3A_639 = vector.broadcast %broadcast_in_dim3A_638 : f32 to vector<16xf32>
      %get3A_640 = arith.index_cast %add3A_637 : i32 to index
      %get3A_641 = arith.constant 0 : index
      %get3A_642 = tpu.vector_load %arg4[%get3A_640, %get3A_641] {strides = array<i32>} : memref<512x128xf32, #tpu.memory_space<vmem>>, vector<1x16xf32>,
      %get3A_643 = vector.shape_cast %get3A_642 : vector<1x16xf32> to vector<16xf32>
      %mul3A_644 = arith.mulf %get3A_643, %get3A_643 : vector<16xf32>
      %add3A_645 = arith.addf %broadcast_in_dim3A_639, %mul3A_644 : vector<16xf32>
      %get3A_646 = arith.index_cast %add3A_637 : i32 to index
      %get3A_647 = arith.constant 16 : index
      %get3A_648 = tpu.vector_load %arg4[%get3A_646, %get3A_647] {strides = array<i32>} : memref<512x128xf32, #tpu.memory_space<vmem>>, vector<1x16xf32>,
      %get3A_649 = vector.shape_cast %get3A_648 : vector<1x16xf32> to vector<16xf32>
      %mul3A_650 = arith.mulf %get3A_649, %get3A_649 : vector<16xf32>
      %add3A_651 = arith.addf %add3A_645, %mul3A_650 : vector<16xf32>
      %get3A_652 = arith.index_cast %add3A_637 : i32 to index
      %get3A_653 = arith.constant 32 : index
      %get3A_654 = tpu.vector_load %arg4[%get3A_652, %get3A_653] {strides = array<i32>} : memref<512x128xf32, #tpu.memory_space<vmem>>, vector<1x16xf32>,
      %get3A_655 = vector.shape_cast %get3A_654 : vector<1x16xf32> to vector<16xf32>
      %mul3A_656 = arith.mulf %get3A_655, %get3A_655 : vector<16xf32>
      %add3A_657 = arith.addf %add3A_651, %mul3A_656 : vector<16xf32>
      %get3A_658 = arith.index_cast %add3A_637 : i32 to index
      %get3A_659 = arith.constant 48 : index
      %get3A_660 = tpu.vector_load %arg4[%get3A_658, %get3A_659] {strides = array<i32>} : memref<512x128xf32, #tpu.memory_space<vmem>>, vector<1x16xf32>,
      %get3A_661 = vector.shape_cast %get3A_660 : vector<1x16xf32> to vector<16xf32>
      %mul3A_662 = arith.mulf %get3A_661, %get3A_661 : vector<16xf32>
      %add3A_663 = arith.addf %add3A_657, %mul3A_662 : vector<16xf32>
      %get3A_664 = arith.index_cast %add3A_637 : i32 to index
      %get3A_665 = arith.constant 64 : index
      %get3A_666 = tpu.vector_load %arg4[%get3A_664, %get3A_665] {strides = array<i32>} : memref<512x128xf32, #tpu.memory_space<vmem>>, vector<1x16xf32>,
      %get3A_667 = vector.shape_cast %get3A_666 : vector<1x16xf32> to vector<16xf32>
      %mul3A_668 = arith.mulf %get3A_667, %get3A_667 : vector<16xf32>
      %add3A_669 = arith.addf %add3A_663, %mul3A_668 : vector<16xf32>
      %get3A_670 = arith.index_cast %add3A_637 : i32 to index
      %get3A_671 = arith.constant 80 : index
      %get3A_672 = tpu.vector_load %arg4[%get3A_670, %get3A_671] {strides = array<i32>} : memref<512x128xf32, #tpu.memory_space<vmem>>, vector<1x16xf32>,
      %get3A_673 = vector.shape_cast %get3A_672 : vector<1x16xf32> to vector<16xf32>
      %mul3A_674 = arith.mulf %get3A_673, %get3A_673 : vector<16xf32>
      %add3A_675 = arith.addf %add3A_669, %mul3A_674 : vector<16xf32>
      %get3A_676 = arith.index_cast %add3A_637 : i32 to index
      %get3A_677 = arith.constant 96 : index
      %get3A_678 = tpu.vector_load %arg4[%get3A_676, %get3A_677] {strides = array<i32>} : memref<512x128xf32, #tpu.memory_space<vmem>>, vector<1x16xf32>,
      %get3A_679 = vector.shape_cast %get3A_678 : vector<1x16xf32> to vector<16xf32>
      %mul3A_680 = arith.mulf %get3A_679, %get3A_679 : vector<16xf32>
      %add3A_681 = arith.addf %add3A_675, %mul3A_680 : vector<16xf32>
      %get3A_682 = arith.index_cast %add3A_637 : i32 to index
      %get3A_683 = arith.constant 112 : index
      %get3A_684 = tpu.vector_load %arg4[%get3A_682, %get3A_683] {strides = array<i32>} : memref<512x128xf32, #tpu.memory_space<vmem>>, vector<1x16xf32>,
      %get3A_685 = vector.shape_cast %get3A_684 : vector<1x16xf32> to vector<16xf32>
      %mul3A_686 = arith.mulf %get3A_685, %get3A_685 : vector<16xf32>
      %add3A_687 = arith.addf %add3A_681, %mul3A_686 : vector<16xf32>
      %add3A_688 = arith.constant 8 : i32
      %add3A_689 = vector.broadcast %add3A_688 : i32 to vector<16xi32>
      %add3A_690 = arith.addi %iota3A, %add3A_689 : vector<16xi32>
      %and3A_691 = arith.constant 15 : i32
      %and3A_692 = vector.broadcast %and3A_691 : i32 to vector<16xi32>
      %and3A_693 = arith.andi %add3A_690, %and3A_692 : vector<16xi32>
      %lt3A_694 = arith.constant 0 : i32
      %lt3A_695 = vector.broadcast %lt3A_694 : i32 to vector<16xi32>
      %lt3A_696 = arith.cmpi slt, %and3A_693, %lt3A_695 : vector<16xi32>
      %add3A_697 = arith.constant 16 : i32
      %add3A_698 = vector.broadcast %add3A_697 : i32 to vector<16xi32>
      %add3A_699 = arith.addi %and3A_693, %add3A_698 : vector<16xi32>
      %select_n3A_700 = arith.select %lt3A_696, %add3A_699, %and3A_693 : vector<16xi1>, vector<16xi32>
      %broadcast_in_dim3A_701 = vector.shape_cast %select_n3A_700 : vector<16xi32> to vector<16x1xi32>
      %gather3A_702 = vector.shape_cast %broadcast_in_dim3A_701 : vector<16x1xi32> to vector<16xi32>
      %gather3A_703 = tpu.dynamic_gather %add3A_687[%gather3A_702] in [0] : vector<16xf32>, vector<16xi32> -> vector<16xf32>
      %add3A_704 = arith.addf %add3A_687, %gather3A_703 : vector<16xf32>
      %add3A_705 = arith.constant 4 : i32
      %add3A_706 = vector.broadcast %add3A_705 : i32 to vector<16xi32>
      %add3A_707 = arith.addi %iota3A, %add3A_706 : vector<16xi32>
      %and3A_708 = arith.constant 15 : i32
      %and3A_709 = vector.broadcast %and3A_708 : i32 to vector<16xi32>
      %and3A_710 = arith.andi %add3A_707, %and3A_709 : vector<16xi32>
      %lt3A_711 = arith.constant 0 : i32
      %lt3A_712 = vector.broadcast %lt3A_711 : i32 to vector<16xi32>
      %lt3A_713 = arith.cmpi slt, %and3A_710, %lt3A_712 : vector<16xi32>
      %add3A_714 = arith.constant 16 : i32
      %add3A_715 = vector.broadcast %add3A_714 : i32 to vector<16xi32>
      %add3A_716 = arith.addi %and3A_710, %add3A_715 : vector<16xi32>
      %select_n3A_717 = arith.select %lt3A_713, %add3A_716, %and3A_710 : vector<16xi1>, vector<16xi32>
      %broadcast_in_dim3A_718 = vector.shape_cast %select_n3A_717 : vector<16xi32> to vector<16x1xi32>
      %gather3A_719 = vector.shape_cast %broadcast_in_dim3A_718 : vector<16x1xi32> to vector<16xi32>
      %gather3A_720 = tpu.dynamic_gather %add3A_704[%gather3A_719] in [0] : vector<16xf32>, vector<16xi32> -> vector<16xf32>
      %add3A_721 = arith.addf %add3A_704, %gather3A_720 : vector<16xf32>
      %add3A_722 = arith.constant 2 : i32
      %add3A_723 = vector.broadcast %add3A_722 : i32 to vector<16xi32>
      %add3A_724 = arith.addi %iota3A, %add3A_723 : vector<16xi32>
      %and3A_725 = arith.constant 15 : i32
      %and3A_726 = vector.broadcast %and3A_725 : i32 to vector<16xi32>
      %and3A_727 = arith.andi %add3A_724, %and3A_726 : vector<16xi32>
      %lt3A_728 = arith.constant 0 : i32
      %lt3A_729 = vector.broadcast %lt3A_728 : i32 to vector<16xi32>
      %lt3A_730 = arith.cmpi slt, %and3A_727, %lt3A_729 : vector<16xi32>
      %add3A_731 = arith.constant 16 : i32
      %add3A_732 = vector.broadcast %add3A_731 : i32 to vector<16xi32>
      %add3A_733 = arith.addi %and3A_727, %add3A_732 : vector<16xi32>
      %select_n3A_734 = arith.select %lt3A_730, %add3A_733, %and3A_727 : vector<16xi1>, vector<16xi32>
      %broadcast_in_dim3A_735 = vector.shape_cast %select_n3A_734 : vector<16xi32> to vector<16x1xi32>
      %gather3A_736 = vector.shape_cast %broadcast_in_dim3A_735 : vector<16x1xi32> to vector<16xi32>
      %gather3A_737 = tpu.dynamic_gather %add3A_721[%gather3A_736] in [0] : vector<16xf32>, vector<16xi32> -> vector<16xf32>
      %add3A_738 = arith.addf %add3A_721, %gather3A_737 : vector<16xf32>
      %add3A_739 = arith.constant 1 : i32
      %add3A_740 = vector.broadcast %add3A_739 : i32 to vector<16xi32>
      %add3A_741 = arith.addi %iota3A, %add3A_740 : vector<16xi32>
      %and3A_742 = arith.constant 15 : i32
      %and3A_743 = vector.broadcast %and3A_742 : i32 to vector<16xi32>
      %and3A_744 = arith.andi %add3A_741, %and3A_743 : vector<16xi32>
      %lt3A_745 = arith.constant 0 : i32
      %lt3A_746 = vector.broadcast %lt3A_745 : i32 to vector<16xi32>
      %lt3A_747 = arith.cmpi slt, %and3A_744, %lt3A_746 : vector<16xi32>
      %add3A_748 = arith.constant 16 : i32
      %add3A_749 = vector.broadcast %add3A_748 : i32 to vector<16xi32>
      %add3A_750 = arith.addi %and3A_744, %add3A_749 : vector<16xi32>
      %select_n3A_751 = arith.select %lt3A_747, %add3A_750, %and3A_744 : vector<16xi1>, vector<16xi32>
      %broadcast_in_dim3A_752 = vector.shape_cast %select_n3A_751 : vector<16xi32> to vector<16x1xi32>
      %gather3A_753 = vector.shape_cast %broadcast_in_dim3A_752 : vector<16x1xi32> to vector<16xi32>
      %gather3A_754 = tpu.dynamic_gather %add3A_738[%gather3A_753] in [0] : vector<16xf32>, vector<16xi32> -> vector<16xf32>
      %add3A_755 = arith.addf %add3A_738, %gather3A_754 : vector<16xf32>
      %eq3A_756 = arith.constant 5 : i32
      %eq3A_757 = vector.broadcast %eq3A_756 : i32 to vector<16xi32>
      %eq3A_758 = arith.cmpi eq, %iota3A, %eq3A_757 : vector<16xi32>
      %select_n3A_759 = arith.select %eq3A_758, %add3A_755, %select_n3A_633 : vector<16xi1>, vector<16xf32>
      %mul3A_760 = arith.constant 16 : i32
      %mul3A_761 = arith.muli %scan3A_8, %mul3A_760 : i32
      %add3A_762 = arith.constant 6 : i32
      %add3A_763 = arith.addi %mul3A_761, %add3A_762 : i32
      %broadcast_in_dim3A_764 = arith.constant 0.000000e+00 : f32
      %broadcast_in_dim3A_765 = vector.broadcast %broadcast_in_dim3A_764 : f32 to vector<16xf32>
      %get3A_766 = arith.index_cast %add3A_763 : i32 to index
      %get3A_767 = arith.constant 0 : index
      %get3A_768 = tpu.vector_load %arg4[%get3A_766, %get3A_767] {strides = array<i32>} : memref<512x128xf32, #tpu.memory_space<vmem>>, vector<1x16xf32>,
      %get3A_769 = vector.shape_cast %get3A_768 : vector<1x16xf32> to vector<16xf32>
      %mul3A_770 = arith.mulf %get3A_769, %get3A_769 : vector<16xf32>
      %add3A_771 = arith.addf %broadcast_in_dim3A_765, %mul3A_770 : vector<16xf32>
      %get3A_772 = arith.index_cast %add3A_763 : i32 to index
      %get3A_773 = arith.constant 16 : index
      %get3A_774 = tpu.vector_load %arg4[%get3A_772, %get3A_773] {strides = array<i32>} : memref<512x128xf32, #tpu.memory_space<vmem>>, vector<1x16xf32>,
      %get3A_775 = vector.shape_cast %get3A_774 : vector<1x16xf32> to vector<16xf32>
      %mul3A_776 = arith.mulf %get3A_775, %get3A_775 : vector<16xf32>
      %add3A_777 = arith.addf %add3A_771, %mul3A_776 : vector<16xf32>
      %get3A_778 = arith.index_cast %add3A_763 : i32 to index
      %get3A_779 = arith.constant 32 : index
      %get3A_780 = tpu.vector_load %arg4[%get3A_778, %get3A_779] {strides = array<i32>} : memref<512x128xf32, #tpu.memory_space<vmem>>, vector<1x16xf32>,
      %get3A_781 = vector.shape_cast %get3A_780 : vector<1x16xf32> to vector<16xf32>
      %mul3A_782 = arith.mulf %get3A_781, %get3A_781 : vector<16xf32>
      %add3A_783 = arith.addf %add3A_777, %mul3A_782 : vector<16xf32>
      %get3A_784 = arith.index_cast %add3A_763 : i32 to index
      %get3A_785 = arith.constant 48 : index
      %get3A_786 = tpu.vector_load %arg4[%get3A_784, %get3A_785] {strides = array<i32>} : memref<512x128xf32, #tpu.memory_space<vmem>>, vector<1x16xf32>,
      %get3A_787 = vector.shape_cast %get3A_786 : vector<1x16xf32> to vector<16xf32>
      %mul3A_788 = arith.mulf %get3A_787, %get3A_787 : vector<16xf32>
      %add3A_789 = arith.addf %add3A_783, %mul3A_788 : vector<16xf32>
      %get3A_790 = arith.index_cast %add3A_763 : i32 to index
      %get3A_791 = arith.constant 64 : index
      %get3A_792 = tpu.vector_load %arg4[%get3A_790, %get3A_791] {strides = array<i32>} : memref<512x128xf32, #tpu.memory_space<vmem>>, vector<1x16xf32>,
      %get3A_793 = vector.shape_cast %get3A_792 : vector<1x16xf32> to vector<16xf32>
      %mul3A_794 = arith.mulf %get3A_793, %get3A_793 : vector<16xf32>
      %add3A_795 = arith.addf %add3A_789, %mul3A_794 : vector<16xf32>
      %get3A_796 = arith.index_cast %add3A_763 : i32 to index
      %get3A_797 = arith.constant 80 : index
      %get3A_798 = tpu.vector_load %arg4[%get3A_796, %get3A_797] {strides = array<i32>} : memref<512x128xf32, #tpu.memory_space<vmem>>, vector<1x16xf32>,
      %get3A_799 = vector.shape_cast %get3A_798 : vector<1x16xf32> to vector<16xf32>
      %mul3A_800 = arith.mulf %get3A_799, %get3A_799 : vector<16xf32>
      %add3A_801 = arith.addf %add3A_795, %mul3A_800 : vector<16xf32>
      %get3A_802 = arith.index_cast %add3A_763 : i32 to index
      %get3A_803 = arith.constant 96 : index
      %get3A_804 = tpu.vector_load %arg4[%get3A_802, %get3A_803] {strides = array<i32>} : memref<512x128xf32, #tpu.memory_space<vmem>>, vector<1x16xf32>,
      %get3A_805 = vector.shape_cast %get3A_804 : vector<1x16xf32> to vector<16xf32>
      %mul3A_806 = arith.mulf %get3A_805, %get3A_805 : vector<16xf32>
      %add3A_807 = arith.addf %add3A_801, %mul3A_806 : vector<16xf32>
      %get3A_808 = arith.index_cast %add3A_763 : i32 to index
      %get3A_809 = arith.constant 112 : index
      %get3A_810 = tpu.vector_load %arg4[%get3A_808, %get3A_809] {strides = array<i32>} : memref<512x128xf32, #tpu.memory_space<vmem>>, vector<1x16xf32>,
      %get3A_811 = vector.shape_cast %get3A_810 : vector<1x16xf32> to vector<16xf32>
      %mul3A_812 = arith.mulf %get3A_811, %get3A_811 : vector<16xf32>
      %add3A_813 = arith.addf %add3A_807, %mul3A_812 : vector<16xf32>
      %add3A_814 = arith.constant 8 : i32
      %add3A_815 = vector.broadcast %add3A_814 : i32 to vector<16xi32>
      %add3A_816 = arith.addi %iota3A, %add3A_815 : vector<16xi32>
      %and3A_817 = arith.constant 15 : i32
      %and3A_818 = vector.broadcast %and3A_817 : i32 to vector<16xi32>
      %and3A_819 = arith.andi %add3A_816, %and3A_818 : vector<16xi32>
      %lt3A_820 = arith.constant 0 : i32
      %lt3A_821 = vector.broadcast %lt3A_820 : i32 to vector<16xi32>
      %lt3A_822 = arith.cmpi slt, %and3A_819, %lt3A_821 : vector<16xi32>
      %add3A_823 = arith.constant 16 : i32
      %add3A_824 = vector.broadcast %add3A_823 : i32 to vector<16xi32>
      %add3A_825 = arith.addi %and3A_819, %add3A_824 : vector<16xi32>
      %select_n3A_826 = arith.select %lt3A_822, %add3A_825, %and3A_819 : vector<16xi1>, vector<16xi32>
      %broadcast_in_dim3A_827 = vector.shape_cast %select_n3A_826 : vector<16xi32> to vector<16x1xi32>
      %gather3A_828 = vector.shape_cast %broadcast_in_dim3A_827 : vector<16x1xi32> to vector<16xi32>
      %gather3A_829 = tpu.dynamic_gather %add3A_813[%gather3A_828] in [0] : vector<16xf32>, vector<16xi32> -> vector<16xf32>
      %add3A_830 = arith.addf %add3A_813, %gather3A_829 : vector<16xf32>
      %add3A_831 = arith.constant 4 : i32
      %add3A_832 = vector.broadcast %add3A_831 : i32 to vector<16xi32>
      %add3A_833 = arith.addi %iota3A, %add3A_832 : vector<16xi32>
      %and3A_834 = arith.constant 15 : i32
      %and3A_835 = vector.broadcast %and3A_834 : i32 to vector<16xi32>
      %and3A_836 = arith.andi %add3A_833, %and3A_835 : vector<16xi32>
      %lt3A_837 = arith.constant 0 : i32
      %lt3A_838 = vector.broadcast %lt3A_837 : i32 to vector<16xi32>
      %lt3A_839 = arith.cmpi slt, %and3A_836, %lt3A_838 : vector<16xi32>
      %add3A_840 = arith.constant 16 : i32
      %add3A_841 = vector.broadcast %add3A_840 : i32 to vector<16xi32>
      %add3A_842 = arith.addi %and3A_836, %add3A_841 : vector<16xi32>
      %select_n3A_843 = arith.select %lt3A_839, %add3A_842, %and3A_836 : vector<16xi1>, vector<16xi32>
      %broadcast_in_dim3A_844 = vector.shape_cast %select_n3A_843 : vector<16xi32> to vector<16x1xi32>
      %gather3A_845 = vector.shape_cast %broadcast_in_dim3A_844 : vector<16x1xi32> to vector<16xi32>
      %gather3A_846 = tpu.dynamic_gather %add3A_830[%gather3A_845] in [0] : vector<16xf32>, vector<16xi32> -> vector<16xf32>
      %add3A_847 = arith.addf %add3A_830, %gather3A_846 : vector<16xf32>
      %add3A_848 = arith.constant 2 : i32
      %add3A_849 = vector.broadcast %add3A_848 : i32 to vector<16xi32>
      %add3A_850 = arith.addi %iota3A, %add3A_849 : vector<16xi32>
      %and3A_851 = arith.constant 15 : i32
      %and3A_852 = vector.broadcast %and3A_851 : i32 to vector<16xi32>
      %and3A_853 = arith.andi %add3A_850, %and3A_852 : vector<16xi32>
      %lt3A_854 = arith.constant 0 : i32
      %lt3A_855 = vector.broadcast %lt3A_854 : i32 to vector<16xi32>
      %lt3A_856 = arith.cmpi slt, %and3A_853, %lt3A_855 : vector<16xi32>
      %add3A_857 = arith.constant 16 : i32
      %add3A_858 = vector.broadcast %add3A_857 : i32 to vector<16xi32>
      %add3A_859 = arith.addi %and3A_853, %add3A_858 : vector<16xi32>
      %select_n3A_860 = arith.select %lt3A_856, %add3A_859, %and3A_853 : vector<16xi1>, vector<16xi32>
      %broadcast_in_dim3A_861 = vector.shape_cast %select_n3A_860 : vector<16xi32> to vector<16x1xi32>
      %gather3A_862 = vector.shape_cast %broadcast_in_dim3A_861 : vector<16x1xi32> to vector<16xi32>
      %gather3A_863 = tpu.dynamic_gather %add3A_847[%gather3A_862] in [0] : vector<16xf32>, vector<16xi32> -> vector<16xf32>
      %add3A_864 = arith.addf %add3A_847, %gather3A_863 : vector<16xf32>
      %add3A_865 = arith.constant 1 : i32
      %add3A_866 = vector.broadcast %add3A_865 : i32 to vector<16xi32>
      %add3A_867 = arith.addi %iota3A, %add3A_866 : vector<16xi32>
      %and3A_868 = arith.constant 15 : i32
      %and3A_869 = vector.broadcast %and3A_868 : i32 to vector<16xi32>
      %and3A_870 = arith.andi %add3A_867, %and3A_869 : vector<16xi32>
      %lt3A_871 = arith.constant 0 : i32
      %lt3A_872 = vector.broadcast %lt3A_871 : i32 to vector<16xi32>
      %lt3A_873 = arith.cmpi slt, %and3A_870, %lt3A_872 : vector<16xi32>
      %add3A_874 = arith.constant 16 : i32
      %add3A_875 = vector.broadcast %add3A_874 : i32 to vector<16xi32>
      %add3A_876 = arith.addi %and3A_870, %add3A_875 : vector<16xi32>
      %select_n3A_877 = arith.select %lt3A_873, %add3A_876, %and3A_870 : vector<16xi1>, vector<16xi32>
      %broadcast_in_dim3A_878 = vector.shape_cast %select_n3A_877 : vector<16xi32> to vector<16x1xi32>
      %gather3A_879 = vector.shape_cast %broadcast_in_dim3A_878 : vector<16x1xi32> to vector<16xi32>
      %gather3A_880 = tpu.dynamic_gather %add3A_864[%gather3A_879] in [0] : vector<16xf32>, vector<16xi32> -> vector<16xf32>
      %add3A_881 = arith.addf %add3A_864, %gather3A_880 : vector<16xf32>
      %eq3A_882 = arith.constant 6 : i32
      %eq3A_883 = vector.broadcast %eq3A_882 : i32 to vector<16xi32>
      %eq3A_884 = arith.cmpi eq, %iota3A, %eq3A_883 : vector<16xi32>
      %select_n3A_885 = arith.select %eq3A_884, %add3A_881, %select_n3A_759 : vector<16xi1>, vector<16xf32>
      %mul3A_886 = arith.constant 16 : i32
      %mul3A_887 = arith.muli %scan3A_8, %mul3A_886 : i32
      %add3A_888 = arith.constant 7 : i32
      %add3A_889 = arith.addi %mul3A_887, %add3A_888 : i32
      %broadcast_in_dim3A_890 = arith.constant 0.000000e+00 : f32
      %broadcast_in_dim3A_891 = vector.broadcast %broadcast_in_dim3A_890 : f32 to vector<16xf32>
      %get3A_892 = arith.index_cast %add3A_889 : i32 to index
      %get3A_893 = arith.constant 0 : index
      %get3A_894 = tpu.vector_load %arg4[%get3A_892, %get3A_893] {strides = array<i32>} : memref<512x128xf32, #tpu.memory_space<vmem>>, vector<1x16xf32>,
      %get3A_895 = vector.shape_cast %get3A_894 : vector<1x16xf32> to vector<16xf32>
      %mul3A_896 = arith.mulf %get3A_895, %get3A_895 : vector<16xf32>
      %add3A_897 = arith.addf %broadcast_in_dim3A_891, %mul3A_896 : vector<16xf32>
      %get3A_898 = arith.index_cast %add3A_889 : i32 to index
      %get3A_899 = arith.constant 16 : index
      %get3A_900 = tpu.vector_load %arg4[%get3A_898, %get3A_899] {strides = array<i32>} : memref<512x128xf32, #tpu.memory_space<vmem>>, vector<1x16xf32>,
      %get3A_901 = vector.shape_cast %get3A_900 : vector<1x16xf32> to vector<16xf32>
      %mul3A_902 = arith.mulf %get3A_901, %get3A_901 : vector<16xf32>
      %add3A_903 = arith.addf %add3A_897, %mul3A_902 : vector<16xf32>
      %get3A_904 = arith.index_cast %add3A_889 : i32 to index
      %get3A_905 = arith.constant 32 : index
      %get3A_906 = tpu.vector_load %arg4[%get3A_904, %get3A_905] {strides = array<i32>} : memref<512x128xf32, #tpu.memory_space<vmem>>, vector<1x16xf32>,
      %get3A_907 = vector.shape_cast %get3A_906 : vector<1x16xf32> to vector<16xf32>
      %mul3A_908 = arith.mulf %get3A_907, %get3A_907 : vector<16xf32>
      %add3A_909 = arith.addf %add3A_903, %mul3A_908 : vector<16xf32>
      %get3A_910 = arith.index_cast %add3A_889 : i32 to index
      %get3A_911 = arith.constant 48 : index
      %get3A_912 = tpu.vector_load %arg4[%get3A_910, %get3A_911] {strides = array<i32>} : memref<512x128xf32, #tpu.memory_space<vmem>>, vector<1x16xf32>,
      %get3A_913 = vector.shape_cast %get3A_912 : vector<1x16xf32> to vector<16xf32>
      %mul3A_914 = arith.mulf %get3A_913, %get3A_913 : vector<16xf32>
      %add3A_915 = arith.addf %add3A_909, %mul3A_914 : vector<16xf32>
      %get3A_916 = arith.index_cast %add3A_889 : i32 to index
      %get3A_917 = arith.constant 64 : index
      %get3A_918 = tpu.vector_load %arg4[%get3A_916, %get3A_917] {strides = array<i32>} : memref<512x128xf32, #tpu.memory_space<vmem>>, vector<1x16xf32>,
      %get3A_919 = vector.shape_cast %get3A_918 : vector<1x16xf32> to vector<16xf32>
      %mul3A_920 = arith.mulf %get3A_919, %get3A_919 : vector<16xf32>
      %add3A_921 = arith.addf %add3A_915, %mul3A_920 : vector<16xf32>
      %get3A_922 = arith.index_cast %add3A_889 : i32 to index
      %get3A_923 = arith.constant 80 : index
      %get3A_924 = tpu.vector_load %arg4[%get3A_922, %get3A_923] {strides = array<i32>} : memref<512x128xf32, #tpu.memory_space<vmem>>, vector<1x16xf32>,
      %get3A_925 = vector.shape_cast %get3A_924 : vector<1x16xf32> to vector<16xf32>
      %mul3A_926 = arith.mulf %get3A_925, %get3A_925 : vector<16xf32>
      %add3A_927 = arith.addf %add3A_921, %mul3A_926 : vector<16xf32>
      %get3A_928 = arith.index_cast %add3A_889 : i32 to index
      %get3A_929 = arith.constant 96 : index
      %get3A_930 = tpu.vector_load %arg4[%get3A_928, %get3A_929] {strides = array<i32>} : memref<512x128xf32, #tpu.memory_space<vmem>>, vector<1x16xf32>,
      %get3A_931 = vector.shape_cast %get3A_930 : vector<1x16xf32> to vector<16xf32>
      %mul3A_932 = arith.mulf %get3A_931, %get3A_931 : vector<16xf32>
      %add3A_933 = arith.addf %add3A_927, %mul3A_932 : vector<16xf32>
      %get3A_934 = arith.index_cast %add3A_889 : i32 to index
      %get3A_935 = arith.constant 112 : index
      %get3A_936 = tpu.vector_load %arg4[%get3A_934, %get3A_935] {strides = array<i32>} : memref<512x128xf32, #tpu.memory_space<vmem>>, vector<1x16xf32>,
      %get3A_937 = vector.shape_cast %get3A_936 : vector<1x16xf32> to vector<16xf32>
      %mul3A_938 = arith.mulf %get3A_937, %get3A_937 : vector<16xf32>
      %add3A_939 = arith.addf %add3A_933, %mul3A_938 : vector<16xf32>
      %add3A_940 = arith.constant 8 : i32
      %add3A_941 = vector.broadcast %add3A_940 : i32 to vector<16xi32>
      %add3A_942 = arith.addi %iota3A, %add3A_941 : vector<16xi32>
      %and3A_943 = arith.constant 15 : i32
      %and3A_944 = vector.broadcast %and3A_943 : i32 to vector<16xi32>
      %and3A_945 = arith.andi %add3A_942, %and3A_944 : vector<16xi32>
      %lt3A_946 = arith.constant 0 : i32
      %lt3A_947 = vector.broadcast %lt3A_946 : i32 to vector<16xi32>
      %lt3A_948 = arith.cmpi slt, %and3A_945, %lt3A_947 : vector<16xi32>
      %add3A_949 = arith.constant 16 : i32
      %add3A_950 = vector.broadcast %add3A_949 : i32 to vector<16xi32>
      %add3A_951 = arith.addi %and3A_945, %add3A_950 : vector<16xi32>
      %select_n3A_952 = arith.select %lt3A_948, %add3A_951, %and3A_945 : vector<16xi1>, vector<16xi32>
      %broadcast_in_dim3A_953 = vector.shape_cast %select_n3A_952 : vector<16xi32> to vector<16x1xi32>
      %gather3A_954 = vector.shape_cast %broadcast_in_dim3A_953 : vector<16x1xi32> to vector<16xi32>
      %gather3A_955 = tpu.dynamic_gather %add3A_939[%gather3A_954] in [0] : vector<16xf32>, vector<16xi32> -> vector<16xf32>
      %add3A_956 = arith.addf %add3A_939, %gather3A_955 : vector<16xf32>
      %add3A_957 = arith.constant 4 : i32
      %add3A_958 = vector.broadcast %add3A_957 : i32 to vector<16xi32>
      %add3A_959 = arith.addi %iota3A, %add3A_958 : vector<16xi32>
      %and3A_960 = arith.constant 15 : i32
      %and3A_961 = vector.broadcast %and3A_960 : i32 to vector<16xi32>
      %and3A_962 = arith.andi %add3A_959, %and3A_961 : vector<16xi32>
      %lt3A_963 = arith.constant 0 : i32
      %lt3A_964 = vector.broadcast %lt3A_963 : i32 to vector<16xi32>
      %lt3A_965 = arith.cmpi slt, %and3A_962, %lt3A_964 : vector<16xi32>
      %add3A_966 = arith.constant 16 : i32
      %add3A_967 = vector.broadcast %add3A_966 : i32 to vector<16xi32>
      %add3A_968 = arith.addi %and3A_962, %add3A_967 : vector<16xi32>
      %select_n3A_969 = arith.select %lt3A_965, %add3A_968, %and3A_962 : vector<16xi1>, vector<16xi32>
      %broadcast_in_dim3A_970 = vector.shape_cast %select_n3A_969 : vector<16xi32> to vector<16x1xi32>
      %gather3A_971 = vector.shape_cast %broadcast_in_dim3A_970 : vector<16x1xi32> to vector<16xi32>
      %gather3A_972 = tpu.dynamic_gather %add3A_956[%gather3A_971] in [0] : vector<16xf32>, vector<16xi32> -> vector<16xf32>
      %add3A_973 = arith.addf %add3A_956, %gather3A_972 : vector<16xf32>
      %add3A_974 = arith.constant 2 : i32
      %add3A_975 = vector.broadcast %add3A_974 : i32 to vector<16xi32>
      %add3A_976 = arith.addi %iota3A, %add3A_975 : vector<16xi32>
      %and3A_977 = arith.constant 15 : i32
      %and3A_978 = vector.broadcast %and3A_977 : i32 to vector<16xi32>
      %and3A_979 = arith.andi %add3A_976, %and3A_978 : vector<16xi32>
      %lt3A_980 = arith.constant 0 : i32
      %lt3A_981 = vector.broadcast %lt3A_980 : i32 to vector<16xi32>
      %lt3A_982 = arith.cmpi slt, %and3A_979, %lt3A_981 : vector<16xi32>
      %add3A_983 = arith.constant 16 : i32
      %add3A_984 = vector.broadcast %add3A_983 : i32 to vector<16xi32>
      %add3A_985 = arith.addi %and3A_979, %add3A_984 : vector<16xi32>
      %select_n3A_986 = arith.select %lt3A_982, %add3A_985, %and3A_979 : vector<16xi1>, vector<16xi32>
      %broadcast_in_dim3A_987 = vector.shape_cast %select_n3A_986 : vector<16xi32> to vector<16x1xi32>
      %gather3A_988 = vector.shape_cast %broadcast_in_dim3A_987 : vector<16x1xi32> to vector<16xi32>
      %gather3A_989 = tpu.dynamic_gather %add3A_973[%gather3A_988] in [0] : vector<16xf32>, vector<16xi32> -> vector<16xf32>
      %add3A_990 = arith.addf %add3A_973, %gather3A_989 : vector<16xf32>
      %add3A_991 = arith.constant 1 : i32
      %add3A_992 = vector.broadcast %add3A_991 : i32 to vector<16xi32>
      %add3A_993 = arith.addi %iota3A, %add3A_992 : vector<16xi32>
      %and3A_994 = arith.constant 15 : i32
      %and3A_995 = vector.broadcast %and3A_994 : i32 to vector<16xi32>
      %and3A_996 = arith.andi %add3A_993, %and3A_995 : vector<16xi32>
      %lt3A_997 = arith.constant 0 : i32
      %lt3A_998 = vector.broadcast %lt3A_997 : i32 to vector<16xi32>
      %lt3A_999 = arith.cmpi slt, %and3A_996, %lt3A_998 : vector<16xi32>
      %add3A_1000 = arith.constant 16 : i32
      %add3A_1001 = vector.broadcast %add3A_1000 : i32 to vector<16xi32>
      %add3A_1002 = arith.addi %and3A_996, %add3A_1001 : vector<16xi32>
      %select_n3A_1003 = arith.select %lt3A_999, %add3A_1002, %and3A_996 : vector<16xi1>, vector<16xi32>
      %broadcast_in_dim3A_1004 = vector.shape_cast %select_n3A_1003 : vector<16xi32> to vector<16x1xi32>
      %gather3A_1005 = vector.shape_cast %broadcast_in_dim3A_1004 : vector<16x1xi32> to vector<16xi32>
      %gather3A_1006 = tpu.dynamic_gather %add3A_990[%gather3A_1005] in [0] : vector<16xf32>, vector<16xi32> -> vector<16xf32>
      %add3A_1007 = arith.addf %add3A_990, %gather3A_1006 : vector<16xf32>
      %eq3A_1008 = arith.constant 7 : i32
      %eq3A_1009 = vector.broadcast %eq3A_1008 : i32 to vector<16xi32>
      %eq3A_1010 = arith.cmpi eq, %iota3A, %eq3A_1009 : vector<16xi32>
      %select_n3A_1011 = arith.select %eq3A_1010, %add3A_1007, %select_n3A_885 : vector<16xi1>, vector<16xf32>
      %mul3A_1012 = arith.constant 16 : i32
      %mul3A_1013 = arith.muli %scan3A_8, %mul3A_1012 : i32
      %add3A_1014 = arith.constant 8 : i32
      %add3A_1015 = arith.addi %mul3A_1013, %add3A_1014 : i32
      %broadcast_in_dim3A_1016 = arith.constant 0.000000e+00 : f32
      %broadcast_in_dim3A_1017 = vector.broadcast %broadcast_in_dim3A_1016 : f32 to vector<16xf32>
      %get3A_1018 = arith.index_cast %add3A_1015 : i32 to index
      %get3A_1019 = arith.constant 0 : index
      %get3A_1020 = tpu.vector_load %arg4[%get3A_1018, %get3A_1019] {strides = array<i32>} : memref<512x128xf32, #tpu.memory_space<vmem>>, vector<1x16xf32>,
      %get3A_1021 = vector.shape_cast %get3A_1020 : vector<1x16xf32> to vector<16xf32>
      %mul3A_1022 = arith.mulf %get3A_1021, %get3A_1021 : vector<16xf32>
      %add3A_1023 = arith.addf %broadcast_in_dim3A_1017, %mul3A_1022 : vector<16xf32>
      %get3A_1024 = arith.index_cast %add3A_1015 : i32 to index
      %get3A_1025 = arith.constant 16 : index
      %get3A_1026 = tpu.vector_load %arg4[%get3A_1024, %get3A_1025] {strides = array<i32>} : memref<512x128xf32, #tpu.memory_space<vmem>>, vector<1x16xf32>,
      %get3A_1027 = vector.shape_cast %get3A_1026 : vector<1x16xf32> to vector<16xf32>
      %mul3A_1028 = arith.mulf %get3A_1027, %get3A_1027 : vector<16xf32>
      %add3A_1029 = arith.addf %add3A_1023, %mul3A_1028 : vector<16xf32>
      %get3A_1030 = arith.index_cast %add3A_1015 : i32 to index
      %get3A_1031 = arith.constant 32 : index
      %get3A_1032 = tpu.vector_load %arg4[%get3A_1030, %get3A_1031] {strides = array<i32>} : memref<512x128xf32, #tpu.memory_space<vmem>>, vector<1x16xf32>,
      %get3A_1033 = vector.shape_cast %get3A_1032 : vector<1x16xf32> to vector<16xf32>
      %mul3A_1034 = arith.mulf %get3A_1033, %get3A_1033 : vector<16xf32>
      %add3A_1035 = arith.addf %add3A_1029, %mul3A_1034 : vector<16xf32>
      %get3A_1036 = arith.index_cast %add3A_1015 : i32 to index
      %get3A_1037 = arith.constant 48 : index
      %get3A_1038 = tpu.vector_load %arg4[%get3A_1036, %get3A_1037] {strides = array<i32>} : memref<512x128xf32, #tpu.memory_space<vmem>>, vector<1x16xf32>,
      %get3A_1039 = vector.shape_cast %get3A_1038 : vector<1x16xf32> to vector<16xf32>
      %mul3A_1040 = arith.mulf %get3A_1039, %get3A_1039 : vector<16xf32>
      %add3A_1041 = arith.addf %add3A_1035, %mul3A_1040 : vector<16xf32>
      %get3A_1042 = arith.index_cast %add3A_1015 : i32 to index
      %get3A_1043 = arith.constant 64 : index
      %get3A_1044 = tpu.vector_load %arg4[%get3A_1042, %get3A_1043] {strides = array<i32>} : memref<512x128xf32, #tpu.memory_space<vmem>>, vector<1x16xf32>,
      %get3A_1045 = vector.shape_cast %get3A_1044 : vector<1x16xf32> to vector<16xf32>
      %mul3A_1046 = arith.mulf %get3A_1045, %get3A_1045 : vector<16xf32>
      %add3A_1047 = arith.addf %add3A_1041, %mul3A_1046 : vector<16xf32>
      %get3A_1048 = arith.index_cast %add3A_1015 : i32 to index
      %get3A_1049 = arith.constant 80 : index
      %get3A_1050 = tpu.vector_load %arg4[%get3A_1048, %get3A_1049] {strides = array<i32>} : memref<512x128xf32, #tpu.memory_space<vmem>>, vector<1x16xf32>,
      %get3A_1051 = vector.shape_cast %get3A_1050 : vector<1x16xf32> to vector<16xf32>
      %mul3A_1052 = arith.mulf %get3A_1051, %get3A_1051 : vector<16xf32>
      %add3A_1053 = arith.addf %add3A_1047, %mul3A_1052 : vector<16xf32>
      %get3A_1054 = arith.index_cast %add3A_1015 : i32 to index
      %get3A_1055 = arith.constant 96 : index
      %get3A_1056 = tpu.vector_load %arg4[%get3A_1054, %get3A_1055] {strides = array<i32>} : memref<512x128xf32, #tpu.memory_space<vmem>>, vector<1x16xf32>,
      %get3A_1057 = vector.shape_cast %get3A_1056 : vector<1x16xf32> to vector<16xf32>
      %mul3A_1058 = arith.mulf %get3A_1057, %get3A_1057 : vector<16xf32>
      %add3A_1059 = arith.addf %add3A_1053, %mul3A_1058 : vector<16xf32>
      %get3A_1060 = arith.index_cast %add3A_1015 : i32 to index
      %get3A_1061 = arith.constant 112 : index
      %get3A_1062 = tpu.vector_load %arg4[%get3A_1060, %get3A_1061] {strides = array<i32>} : memref<512x128xf32, #tpu.memory_space<vmem>>, vector<1x16xf32>,
      %get3A_1063 = vector.shape_cast %get3A_1062 : vector<1x16xf32> to vector<16xf32>
      %mul3A_1064 = arith.mulf %get3A_1063, %get3A_1063 : vector<16xf32>
      %add3A_1065 = arith.addf %add3A_1059, %mul3A_1064 : vector<16xf32>
      %add3A_1066 = arith.constant 8 : i32
      %add3A_1067 = vector.broadcast %add3A_1066 : i32 to vector<16xi32>
      %add3A_1068 = arith.addi %iota3A, %add3A_1067 : vector<16xi32>
      %and3A_1069 = arith.constant 15 : i32
      %and3A_1070 = vector.broadcast %and3A_1069 : i32 to vector<16xi32>
      %and3A_1071 = arith.andi %add3A_1068, %and3A_1070 : vector<16xi32>
      %lt3A_1072 = arith.constant 0 : i32
      %lt3A_1073 = vector.broadcast %lt3A_1072 : i32 to vector<16xi32>
      %lt3A_1074 = arith.cmpi slt, %and3A_1071, %lt3A_1073 : vector<16xi32>
      %add3A_1075 = arith.constant 16 : i32
      %add3A_1076 = vector.broadcast %add3A_1075 : i32 to vector<16xi32>
      %add3A_1077 = arith.addi %and3A_1071, %add3A_1076 : vector<16xi32>
      %select_n3A_1078 = arith.select %lt3A_1074, %add3A_1077, %and3A_1071 : vector<16xi1>, vector<16xi32>
      %broadcast_in_dim3A_1079 = vector.shape_cast %select_n3A_1078 : vector<16xi32> to vector<16x1xi32>
      %gather3A_1080 = vector.shape_cast %broadcast_in_dim3A_1079 : vector<16x1xi32> to vector<16xi32>
      %gather3A_1081 = tpu.dynamic_gather %add3A_1065[%gather3A_1080] in [0] : vector<16xf32>, vector<16xi32> -> vector<16xf32>
      %add3A_1082 = arith.addf %add3A_1065, %gather3A_1081 : vector<16xf32>
      %add3A_1083 = arith.constant 4 : i32
      %add3A_1084 = vector.broadcast %add3A_1083 : i32 to vector<16xi32>
      %add3A_1085 = arith.addi %iota3A, %add3A_1084 : vector<16xi32>
      %and3A_1086 = arith.constant 15 : i32
      %and3A_1087 = vector.broadcast %and3A_1086 : i32 to vector<16xi32>
      %and3A_1088 = arith.andi %add3A_1085, %and3A_1087 : vector<16xi32>
      %lt3A_1089 = arith.constant 0 : i32
      %lt3A_1090 = vector.broadcast %lt3A_1089 : i32 to vector<16xi32>
      %lt3A_1091 = arith.cmpi slt, %and3A_1088, %lt3A_1090 : vector<16xi32>
      %add3A_1092 = arith.constant 16 : i32
      %add3A_1093 = vector.broadcast %add3A_1092 : i32 to vector<16xi32>
      %add3A_1094 = arith.addi %and3A_1088, %add3A_1093 : vector<16xi32>
      %select_n3A_1095 = arith.select %lt3A_1091, %add3A_1094, %and3A_1088 : vector<16xi1>, vector<16xi32>
      %broadcast_in_dim3A_1096 = vector.shape_cast %select_n3A_1095 : vector<16xi32> to vector<16x1xi32>
      %gather3A_1097 = vector.shape_cast %broadcast_in_dim3A_1096 : vector<16x1xi32> to vector<16xi32>
      %gather3A_1098 = tpu.dynamic_gather %add3A_1082[%gather3A_1097] in [0] : vector<16xf32>, vector<16xi32> -> vector<16xf32>
      %add3A_1099 = arith.addf %add3A_1082, %gather3A_1098 : vector<16xf32>
      %add3A_1100 = arith.constant 2 : i32
      %add3A_1101 = vector.broadcast %add3A_1100 : i32 to vector<16xi32>
      %add3A_1102 = arith.addi %iota3A, %add3A_1101 : vector<16xi32>
      %and3A_1103 = arith.constant 15 : i32
      %and3A_1104 = vector.broadcast %and3A_1103 : i32 to vector<16xi32>
      %and3A_1105 = arith.andi %add3A_1102, %and3A_1104 : vector<16xi32>
      %lt3A_1106 = arith.constant 0 : i32
      %lt3A_1107 = vector.broadcast %lt3A_1106 : i32 to vector<16xi32>
      %lt3A_1108 = arith.cmpi slt, %and3A_1105, %lt3A_1107 : vector<16xi32>
      %add3A_1109 = arith.constant 16 : i32
      %add3A_1110 = vector.broadcast %add3A_1109 : i32 to vector<16xi32>
      %add3A_1111 = arith.addi %and3A_1105, %add3A_1110 : vector<16xi32>
      %select_n3A_1112 = arith.select %lt3A_1108, %add3A_1111, %and3A_1105 : vector<16xi1>, vector<16xi32>
      %broadcast_in_dim3A_1113 = vector.shape_cast %select_n3A_1112 : vector<16xi32> to vector<16x1xi32>
      %gather3A_1114 = vector.shape_cast %broadcast_in_dim3A_1113 : vector<16x1xi32> to vector<16xi32>
      %gather3A_1115 = tpu.dynamic_gather %add3A_1099[%gather3A_1114] in [0] : vector<16xf32>, vector<16xi32> -> vector<16xf32>
      %add3A_1116 = arith.addf %add3A_1099, %gather3A_1115 : vector<16xf32>
      %add3A_1117 = arith.constant 1 : i32
      %add3A_1118 = vector.broadcast %add3A_1117 : i32 to vector<16xi32>
      %add3A_1119 = arith.addi %iota3A, %add3A_1118 : vector<16xi32>
      %and3A_1120 = arith.constant 15 : i32
      %and3A_1121 = vector.broadcast %and3A_1120 : i32 to vector<16xi32>
      %and3A_1122 = arith.andi %add3A_1119, %and3A_1121 : vector<16xi32>
      %lt3A_1123 = arith.constant 0 : i32
      %lt3A_1124 = vector.broadcast %lt3A_1123 : i32 to vector<16xi32>
      %lt3A_1125 = arith.cmpi slt, %and3A_1122, %lt3A_1124 : vector<16xi32>
      %add3A_1126 = arith.constant 16 : i32
      %add3A_1127 = vector.broadcast %add3A_1126 : i32 to vector<16xi32>
      %add3A_1128 = arith.addi %and3A_1122, %add3A_1127 : vector<16xi32>
      %select_n3A_1129 = arith.select %lt3A_1125, %add3A_1128, %and3A_1122 : vector<16xi1>, vector<16xi32>
      %broadcast_in_dim3A_1130 = vector.shape_cast %select_n3A_1129 : vector<16xi32> to vector<16x1xi32>
      %gather3A_1131 = vector.shape_cast %broadcast_in_dim3A_1130 : vector<16x1xi32> to vector<16xi32>
      %gather3A_1132 = tpu.dynamic_gather %add3A_1116[%gather3A_1131] in [0] : vector<16xf32>, vector<16xi32> -> vector<16xf32>
      %add3A_1133 = arith.addf %add3A_1116, %gather3A_1132 : vector<16xf32>
      %eq3A_1134 = arith.constant 8 : i32
      %eq3A_1135 = vector.broadcast %eq3A_1134 : i32 to vector<16xi32>
      %eq3A_1136 = arith.cmpi eq, %iota3A, %eq3A_1135 : vector<16xi32>
      %select_n3A_1137 = arith.select %eq3A_1136, %add3A_1133, %select_n3A_1011 : vector<16xi1>, vector<16xf32>
      %mul3A_1138 = arith.constant 16 : i32
      %mul3A_1139 = arith.muli %scan3A_8, %mul3A_1138 : i32
      %add3A_1140 = arith.constant 9 : i32
      %add3A_1141 = arith.addi %mul3A_1139, %add3A_1140 : i32
      %broadcast_in_dim3A_1142 = arith.constant 0.000000e+00 : f32
      %broadcast_in_dim3A_1143 = vector.broadcast %broadcast_in_dim3A_1142 : f32 to vector<16xf32>
      %get3A_1144 = arith.index_cast %add3A_1141 : i32 to index
      %get3A_1145 = arith.constant 0 : index
      %get3A_1146 = tpu.vector_load %arg4[%get3A_1144, %get3A_1145] {strides = array<i32>} : memref<512x128xf32, #tpu.memory_space<vmem>>, vector<1x16xf32>,
      %get3A_1147 = vector.shape_cast %get3A_1146 : vector<1x16xf32> to vector<16xf32>
      %mul3A_1148 = arith.mulf %get3A_1147, %get3A_1147 : vector<16xf32>
      %add3A_1149 = arith.addf %broadcast_in_dim3A_1143, %mul3A_1148 : vector<16xf32>
      %get3A_1150 = arith.index_cast %add3A_1141 : i32 to index
      %get3A_1151 = arith.constant 16 : index
      %get3A_1152 = tpu.vector_load %arg4[%get3A_1150, %get3A_1151] {strides = array<i32>} : memref<512x128xf32, #tpu.memory_space<vmem>>, vector<1x16xf32>,
      %get3A_1153 = vector.shape_cast %get3A_1152 : vector<1x16xf32> to vector<16xf32>
      %mul3A_1154 = arith.mulf %get3A_1153, %get3A_1153 : vector<16xf32>
      %add3A_1155 = arith.addf %add3A_1149, %mul3A_1154 : vector<16xf32>
      %get3A_1156 = arith.index_cast %add3A_1141 : i32 to index
      %get3A_1157 = arith.constant 32 : index
      %get3A_1158 = tpu.vector_load %arg4[%get3A_1156, %get3A_1157] {strides = array<i32>} : memref<512x128xf32, #tpu.memory_space<vmem>>, vector<1x16xf32>,
      %get3A_1159 = vector.shape_cast %get3A_1158 : vector<1x16xf32> to vector<16xf32>
      %mul3A_1160 = arith.mulf %get3A_1159, %get3A_1159 : vector<16xf32>
      %add3A_1161 = arith.addf %add3A_1155, %mul3A_1160 : vector<16xf32>
      %get3A_1162 = arith.index_cast %add3A_1141 : i32 to index
      %get3A_1163 = arith.constant 48 : index
      %get3A_1164 = tpu.vector_load %arg4[%get3A_1162, %get3A_1163] {strides = array<i32>} : memref<512x128xf32, #tpu.memory_space<vmem>>, vector<1x16xf32>,
      %get3A_1165 = vector.shape_cast %get3A_1164 : vector<1x16xf32> to vector<16xf32>
      %mul3A_1166 = arith.mulf %get3A_1165, %get3A_1165 : vector<16xf32>
      %add3A_1167 = arith.addf %add3A_1161, %mul3A_1166 : vector<16xf32>
      %get3A_1168 = arith.index_cast %add3A_1141 : i32 to index
      %get3A_1169 = arith.constant 64 : index
      %get3A_1170 = tpu.vector_load %arg4[%get3A_1168, %get3A_1169] {strides = array<i32>} : memref<512x128xf32, #tpu.memory_space<vmem>>, vector<1x16xf32>,
      %get3A_1171 = vector.shape_cast %get3A_1170 : vector<1x16xf32> to vector<16xf32>
      %mul3A_1172 = arith.mulf %get3A_1171, %get3A_1171 : vector<16xf32>
      %add3A_1173 = arith.addf %add3A_1167, %mul3A_1172 : vector<16xf32>
      %get3A_1174 = arith.index_cast %add3A_1141 : i32 to index
      %get3A_1175 = arith.constant 80 : index
      %get3A_1176 = tpu.vector_load %arg4[%get3A_1174, %get3A_1175] {strides = array<i32>} : memref<512x128xf32, #tpu.memory_space<vmem>>, vector<1x16xf32>,
      %get3A_1177 = vector.shape_cast %get3A_1176 : vector<1x16xf32> to vector<16xf32>
      %mul3A_1178 = arith.mulf %get3A_1177, %get3A_1177 : vector<16xf32>
      %add3A_1179 = arith.addf %add3A_1173, %mul3A_1178 : vector<16xf32>
      %get3A_1180 = arith.index_cast %add3A_1141 : i32 to index
      %get3A_1181 = arith.constant 96 : index
      %get3A_1182 = tpu.vector_load %arg4[%get3A_1180, %get3A_1181] {strides = array<i32>} : memref<512x128xf32, #tpu.memory_space<vmem>>, vector<1x16xf32>,
      %get3A_1183 = vector.shape_cast %get3A_1182 : vector<1x16xf32> to vector<16xf32>
      %mul3A_1184 = arith.mulf %get3A_1183, %get3A_1183 : vector<16xf32>
      %add3A_1185 = arith.addf %add3A_1179, %mul3A_1184 : vector<16xf32>
      %get3A_1186 = arith.index_cast %add3A_1141 : i32 to index
      %get3A_1187 = arith.constant 112 : index
      %get3A_1188 = tpu.vector_load %arg4[%get3A_1186, %get3A_1187] {strides = array<i32>} : memref<512x128xf32, #tpu.memory_space<vmem>>, vector<1x16xf32>,
      %get3A_1189 = vector.shape_cast %get3A_1188 : vector<1x16xf32> to vector<16xf32>
      %mul3A_1190 = arith.mulf %get3A_1189, %get3A_1189 : vector<16xf32>
      %add3A_1191 = arith.addf %add3A_1185, %mul3A_1190 : vector<16xf32>
      %add3A_1192 = arith.constant 8 : i32
      %add3A_1193 = vector.broadcast %add3A_1192 : i32 to vector<16xi32>
      %add3A_1194 = arith.addi %iota3A, %add3A_1193 : vector<16xi32>
      %and3A_1195 = arith.constant 15 : i32
      %and3A_1196 = vector.broadcast %and3A_1195 : i32 to vector<16xi32>
      %and3A_1197 = arith.andi %add3A_1194, %and3A_1196 : vector<16xi32>
      %lt3A_1198 = arith.constant 0 : i32
      %lt3A_1199 = vector.broadcast %lt3A_1198 : i32 to vector<16xi32>
      %lt3A_1200 = arith.cmpi slt, %and3A_1197, %lt3A_1199 : vector<16xi32>
      %add3A_1201 = arith.constant 16 : i32
      %add3A_1202 = vector.broadcast %add3A_1201 : i32 to vector<16xi32>
      %add3A_1203 = arith.addi %and3A_1197, %add3A_1202 : vector<16xi32>
      %select_n3A_1204 = arith.select %lt3A_1200, %add3A_1203, %and3A_1197 : vector<16xi1>, vector<16xi32>
      %broadcast_in_dim3A_1205 = vector.shape_cast %select_n3A_1204 : vector<16xi32> to vector<16x1xi32>
      %gather3A_1206 = vector.shape_cast %broadcast_in_dim3A_1205 : vector<16x1xi32> to vector<16xi32>
      %gather3A_1207 = tpu.dynamic_gather %add3A_1191[%gather3A_1206] in [0] : vector<16xf32>, vector<16xi32> -> vector<16xf32>
      %add3A_1208 = arith.addf %add3A_1191, %gather3A_1207 : vector<16xf32>
      %add3A_1209 = arith.constant 4 : i32
      %add3A_1210 = vector.broadcast %add3A_1209 : i32 to vector<16xi32>
      %add3A_1211 = arith.addi %iota3A, %add3A_1210 : vector<16xi32>
      %and3A_1212 = arith.constant 15 : i32
      %and3A_1213 = vector.broadcast %and3A_1212 : i32 to vector<16xi32>
      %and3A_1214 = arith.andi %add3A_1211, %and3A_1213 : vector<16xi32>
      %lt3A_1215 = arith.constant 0 : i32
      %lt3A_1216 = vector.broadcast %lt3A_1215 : i32 to vector<16xi32>
      %lt3A_1217 = arith.cmpi slt, %and3A_1214, %lt3A_1216 : vector<16xi32>
      %add3A_1218 = arith.constant 16 : i32
      %add3A_1219 = vector.broadcast %add3A_1218 : i32 to vector<16xi32>
      %add3A_1220 = arith.addi %and3A_1214, %add3A_1219 : vector<16xi32>
      %select_n3A_1221 = arith.select %lt3A_1217, %add3A_1220, %and3A_1214 : vector<16xi1>, vector<16xi32>
      %broadcast_in_dim3A_1222 = vector.shape_cast %select_n3A_1221 : vector<16xi32> to vector<16x1xi32>
      %gather3A_1223 = vector.shape_cast %broadcast_in_dim3A_1222 : vector<16x1xi32> to vector<16xi32>
      %gather3A_1224 = tpu.dynamic_gather %add3A_1208[%gather3A_1223] in [0] : vector<16xf32>, vector<16xi32> -> vector<16xf32>
      %add3A_1225 = arith.addf %add3A_1208, %gather3A_1224 : vector<16xf32>
      %add3A_1226 = arith.constant 2 : i32
      %add3A_1227 = vector.broadcast %add3A_1226 : i32 to vector<16xi32>
      %add3A_1228 = arith.addi %iota3A, %add3A_1227 : vector<16xi32>
      %and3A_1229 = arith.constant 15 : i32
      %and3A_1230 = vector.broadcast %and3A_1229 : i32 to vector<16xi32>
      %and3A_1231 = arith.andi %add3A_1228, %and3A_1230 : vector<16xi32>
      %lt3A_1232 = arith.constant 0 : i32
      %lt3A_1233 = vector.broadcast %lt3A_1232 : i32 to vector<16xi32>
      %lt3A_1234 = arith.cmpi slt, %and3A_1231, %lt3A_1233 : vector<16xi32>
      %add3A_1235 = arith.constant 16 : i32
      %add3A_1236 = vector.broadcast %add3A_1235 : i32 to vector<16xi32>
      %add3A_1237 = arith.addi %and3A_1231, %add3A_1236 : vector<16xi32>
      %select_n3A_1238 = arith.select %lt3A_1234, %add3A_1237, %and3A_1231 : vector<16xi1>, vector<16xi32>
      %broadcast_in_dim3A_1239 = vector.shape_cast %select_n3A_1238 : vector<16xi32> to vector<16x1xi32>
      %gather3A_1240 = vector.shape_cast %broadcast_in_dim3A_1239 : vector<16x1xi32> to vector<16xi32>
      %gather3A_1241 = tpu.dynamic_gather %add3A_1225[%gather3A_1240] in [0] : vector<16xf32>, vector<16xi32> -> vector<16xf32>
      %add3A_1242 = arith.addf %add3A_1225, %gather3A_1241 : vector<16xf32>
      %add3A_1243 = arith.constant 1 : i32
      %add3A_1244 = vector.broadcast %add3A_1243 : i32 to vector<16xi32>
      %add3A_1245 = arith.addi %iota3A, %add3A_1244 : vector<16xi32>
      %and3A_1246 = arith.constant 15 : i32
      %and3A_1247 = vector.broadcast %and3A_1246 : i32 to vector<16xi32>
      %and3A_1248 = arith.andi %add3A_1245, %and3A_1247 : vector<16xi32>
      %lt3A_1249 = arith.constant 0 : i32
      %lt3A_1250 = vector.broadcast %lt3A_1249 : i32 to vector<16xi32>
      %lt3A_1251 = arith.cmpi slt, %and3A_1248, %lt3A_1250 : vector<16xi32>
      %add3A_1252 = arith.constant 16 : i32
      %add3A_1253 = vector.broadcast %add3A_1252 : i32 to vector<16xi32>
      %add3A_1254 = arith.addi %and3A_1248, %add3A_1253 : vector<16xi32>
      %select_n3A_1255 = arith.select %lt3A_1251, %add3A_1254, %and3A_1248 : vector<16xi1>, vector<16xi32>
      %broadcast_in_dim3A_1256 = vector.shape_cast %select_n3A_1255 : vector<16xi32> to vector<16x1xi32>
      %gather3A_1257 = vector.shape_cast %broadcast_in_dim3A_1256 : vector<16x1xi32> to vector<16xi32>
      %gather3A_1258 = tpu.dynamic_gather %add3A_1242[%gather3A_1257] in [0] : vector<16xf32>, vector<16xi32> -> vector<16xf32>
      %add3A_1259 = arith.addf %add3A_1242, %gather3A_1258 : vector<16xf32>
      %eq3A_1260 = arith.constant 9 : i32
      %eq3A_1261 = vector.broadcast %eq3A_1260 : i32 to vector<16xi32>
      %eq3A_1262 = arith.cmpi eq, %iota3A, %eq3A_1261 : vector<16xi32>
      %select_n3A_1263 = arith.select %eq3A_1262, %add3A_1259, %select_n3A_1137 : vector<16xi1>, vector<16xf32>
      %mul3A_1264 = arith.constant 16 : i32
      %mul3A_1265 = arith.muli %scan3A_8, %mul3A_1264 : i32
      %add3A_1266 = arith.constant 10 : i32
      %add3A_1267 = arith.addi %mul3A_1265, %add3A_1266 : i32
      %broadcast_in_dim3A_1268 = arith.constant 0.000000e+00 : f32
      %broadcast_in_dim3A_1269 = vector.broadcast %broadcast_in_dim3A_1268 : f32 to vector<16xf32>
      %get3A_1270 = arith.index_cast %add3A_1267 : i32 to index
      %get3A_1271 = arith.constant 0 : index
      %get3A_1272 = tpu.vector_load %arg4[%get3A_1270, %get3A_1271] {strides = array<i32>} : memref<512x128xf32, #tpu.memory_space<vmem>>, vector<1x16xf32>,
      %get3A_1273 = vector.shape_cast %get3A_1272 : vector<1x16xf32> to vector<16xf32>
      %mul3A_1274 = arith.mulf %get3A_1273, %get3A_1273 : vector<16xf32>
      %add3A_1275 = arith.addf %broadcast_in_dim3A_1269, %mul3A_1274 : vector<16xf32>
      %get3A_1276 = arith.index_cast %add3A_1267 : i32 to index
      %get3A_1277 = arith.constant 16 : index
      %get3A_1278 = tpu.vector_load %arg4[%get3A_1276, %get3A_1277] {strides = array<i32>} : memref<512x128xf32, #tpu.memory_space<vmem>>, vector<1x16xf32>,
      %get3A_1279 = vector.shape_cast %get3A_1278 : vector<1x16xf32> to vector<16xf32>
      %mul3A_1280 = arith.mulf %get3A_1279, %get3A_1279 : vector<16xf32>
      %add3A_1281 = arith.addf %add3A_1275, %mul3A_1280 : vector<16xf32>
      %get3A_1282 = arith.index_cast %add3A_1267 : i32 to index
      %get3A_1283 = arith.constant 32 : index
      %get3A_1284 = tpu.vector_load %arg4[%get3A_1282, %get3A_1283] {strides = array<i32>} : memref<512x128xf32, #tpu.memory_space<vmem>>, vector<1x16xf32>,
      %get3A_1285 = vector.shape_cast %get3A_1284 : vector<1x16xf32> to vector<16xf32>
      %mul3A_1286 = arith.mulf %get3A_1285, %get3A_1285 : vector<16xf32>
      %add3A_1287 = arith.addf %add3A_1281, %mul3A_1286 : vector<16xf32>
      %get3A_1288 = arith.index_cast %add3A_1267 : i32 to index
      %get3A_1289 = arith.constant 48 : index
      %get3A_1290 = tpu.vector_load %arg4[%get3A_1288, %get3A_1289] {strides = array<i32>} : memref<512x128xf32, #tpu.memory_space<vmem>>, vector<1x16xf32>,
      %get3A_1291 = vector.shape_cast %get3A_1290 : vector<1x16xf32> to vector<16xf32>
      %mul3A_1292 = arith.mulf %get3A_1291, %get3A_1291 : vector<16xf32>
      %add3A_1293 = arith.addf %add3A_1287, %mul3A_1292 : vector<16xf32>
      %get3A_1294 = arith.index_cast %add3A_1267 : i32 to index
      %get3A_1295 = arith.constant 64 : index
      %get3A_1296 = tpu.vector_load %arg4[%get3A_1294, %get3A_1295] {strides = array<i32>} : memref<512x128xf32, #tpu.memory_space<vmem>>, vector<1x16xf32>,
      %get3A_1297 = vector.shape_cast %get3A_1296 : vector<1x16xf32> to vector<16xf32>
      %mul3A_1298 = arith.mulf %get3A_1297, %get3A_1297 : vector<16xf32>
      %add3A_1299 = arith.addf %add3A_1293, %mul3A_1298 : vector<16xf32>
      %get3A_1300 = arith.index_cast %add3A_1267 : i32 to index
      %get3A_1301 = arith.constant 80 : index
      %get3A_1302 = tpu.vector_load %arg4[%get3A_1300, %get3A_1301] {strides = array<i32>} : memref<512x128xf32, #tpu.memory_space<vmem>>, vector<1x16xf32>,
      %get3A_1303 = vector.shape_cast %get3A_1302 : vector<1x16xf32> to vector<16xf32>
      %mul3A_1304 = arith.mulf %get3A_1303, %get3A_1303 : vector<16xf32>
      %add3A_1305 = arith.addf %add3A_1299, %mul3A_1304 : vector<16xf32>
      %get3A_1306 = arith.index_cast %add3A_1267 : i32 to index
      %get3A_1307 = arith.constant 96 : index
      %get3A_1308 = tpu.vector_load %arg4[%get3A_1306, %get3A_1307] {strides = array<i32>} : memref<512x128xf32, #tpu.memory_space<vmem>>, vector<1x16xf32>,
      %get3A_1309 = vector.shape_cast %get3A_1308 : vector<1x16xf32> to vector<16xf32>
      %mul3A_1310 = arith.mulf %get3A_1309, %get3A_1309 : vector<16xf32>
      %add3A_1311 = arith.addf %add3A_1305, %mul3A_1310 : vector<16xf32>
      %get3A_1312 = arith.index_cast %add3A_1267 : i32 to index
      %get3A_1313 = arith.constant 112 : index
      %get3A_1314 = tpu.vector_load %arg4[%get3A_1312, %get3A_1313] {strides = array<i32>} : memref<512x128xf32, #tpu.memory_space<vmem>>, vector<1x16xf32>,
      %get3A_1315 = vector.shape_cast %get3A_1314 : vector<1x16xf32> to vector<16xf32>
      %mul3A_1316 = arith.mulf %get3A_1315, %get3A_1315 : vector<16xf32>
      %add3A_1317 = arith.addf %add3A_1311, %mul3A_1316 : vector<16xf32>
      %add3A_1318 = arith.constant 8 : i32
      %add3A_1319 = vector.broadcast %add3A_1318 : i32 to vector<16xi32>
      %add3A_1320 = arith.addi %iota3A, %add3A_1319 : vector<16xi32>
      %and3A_1321 = arith.constant 15 : i32
      %and3A_1322 = vector.broadcast %and3A_1321 : i32 to vector<16xi32>
      %and3A_1323 = arith.andi %add3A_1320, %and3A_1322 : vector<16xi32>
      %lt3A_1324 = arith.constant 0 : i32
      %lt3A_1325 = vector.broadcast %lt3A_1324 : i32 to vector<16xi32>
      %lt3A_1326 = arith.cmpi slt, %and3A_1323, %lt3A_1325 : vector<16xi32>
      %add3A_1327 = arith.constant 16 : i32
      %add3A_1328 = vector.broadcast %add3A_1327 : i32 to vector<16xi32>
      %add3A_1329 = arith.addi %and3A_1323, %add3A_1328 : vector<16xi32>
      %select_n3A_1330 = arith.select %lt3A_1326, %add3A_1329, %and3A_1323 : vector<16xi1>, vector<16xi32>
      %broadcast_in_dim3A_1331 = vector.shape_cast %select_n3A_1330 : vector<16xi32> to vector<16x1xi32>
      %gather3A_1332 = vector.shape_cast %broadcast_in_dim3A_1331 : vector<16x1xi32> to vector<16xi32>
      %gather3A_1333 = tpu.dynamic_gather %add3A_1317[%gather3A_1332] in [0] : vector<16xf32>, vector<16xi32> -> vector<16xf32>
      %add3A_1334 = arith.addf %add3A_1317, %gather3A_1333 : vector<16xf32>
      %add3A_1335 = arith.constant 4 : i32
      %add3A_1336 = vector.broadcast %add3A_1335 : i32 to vector<16xi32>
      %add3A_1337 = arith.addi %iota3A, %add3A_1336 : vector<16xi32>
      %and3A_1338 = arith.constant 15 : i32
      %and3A_1339 = vector.broadcast %and3A_1338 : i32 to vector<16xi32>
      %and3A_1340 = arith.andi %add3A_1337, %and3A_1339 : vector<16xi32>
      %lt3A_1341 = arith.constant 0 : i32
      %lt3A_1342 = vector.broadcast %lt3A_1341 : i32 to vector<16xi32>
      %lt3A_1343 = arith.cmpi slt, %and3A_1340, %lt3A_1342 : vector<16xi32>
      %add3A_1344 = arith.constant 16 : i32
      %add3A_1345 = vector.broadcast %add3A_1344 : i32 to vector<16xi32>
      %add3A_1346 = arith.addi %and3A_1340, %add3A_1345 : vector<16xi32>
      %select_n3A_1347 = arith.select %lt3A_1343, %add3A_1346, %and3A_1340 : vector<16xi1>, vector<16xi32>
      %broadcast_in_dim3A_1348 = vector.shape_cast %select_n3A_1347 : vector<16xi32> to vector<16x1xi32>
      %gather3A_1349 = vector.shape_cast %broadcast_in_dim3A_1348 : vector<16x1xi32> to vector<16xi32>
      %gather3A_1350 = tpu.dynamic_gather %add3A_1334[%gather3A_1349] in [0] : vector<16xf32>, vector<16xi32> -> vector<16xf32>
      %add3A_1351 = arith.addf %add3A_1334, %gather3A_1350 : vector<16xf32>
      %add3A_1352 = arith.constant 2 : i32
      %add3A_1353 = vector.broadcast %add3A_1352 : i32 to vector<16xi32>
      %add3A_1354 = arith.addi %iota3A, %add3A_1353 : vector<16xi32>
      %and3A_1355 = arith.constant 15 : i32
      %and3A_1356 = vector.broadcast %and3A_1355 : i32 to vector<16xi32>
      %and3A_1357 = arith.andi %add3A_1354, %and3A_1356 : vector<16xi32>
      %lt3A_1358 = arith.constant 0 : i32
      %lt3A_1359 = vector.broadcast %lt3A_1358 : i32 to vector<16xi32>
      %lt3A_1360 = arith.cmpi slt, %and3A_1357, %lt3A_1359 : vector<16xi32>
      %add3A_1361 = arith.constant 16 : i32
      %add3A_1362 = vector.broadcast %add3A_1361 : i32 to vector<16xi32>
      %add3A_1363 = arith.addi %and3A_1357, %add3A_1362 : vector<16xi32>
      %select_n3A_1364 = arith.select %lt3A_1360, %add3A_1363, %and3A_1357 : vector<16xi1>, vector<16xi32>
      %broadcast_in_dim3A_1365 = vector.shape_cast %select_n3A_1364 : vector<16xi32> to vector<16x1xi32>
      %gather3A_1366 = vector.shape_cast %broadcast_in_dim3A_1365 : vector<16x1xi32> to vector<16xi32>
      %gather3A_1367 = tpu.dynamic_gather %add3A_1351[%gather3A_1366] in [0] : vector<16xf32>, vector<16xi32> -> vector<16xf32>
      %add3A_1368 = arith.addf %add3A_1351, %gather3A_1367 : vector<16xf32>
      %add3A_1369 = arith.constant 1 : i32
      %add3A_1370 = vector.broadcast %add3A_1369 : i32 to vector<16xi32>
      %add3A_1371 = arith.addi %iota3A, %add3A_1370 : vector<16xi32>
      %and3A_1372 = arith.constant 15 : i32
      %and3A_1373 = vector.broadcast %and3A_1372 : i32 to vector<16xi32>
      %and3A_1374 = arith.andi %add3A_1371, %and3A_1373 : vector<16xi32>
      %lt3A_1375 = arith.constant 0 : i32
      %lt3A_1376 = vector.broadcast %lt3A_1375 : i32 to vector<16xi32>
      %lt3A_1377 = arith.cmpi slt, %and3A_1374, %lt3A_1376 : vector<16xi32>
      %add3A_1378 = arith.constant 16 : i32
      %add3A_1379 = vector.broadcast %add3A_1378 : i32 to vector<16xi32>
      %add3A_1380 = arith.addi %and3A_1374, %add3A_1379 : vector<16xi32>
      %select_n3A_1381 = arith.select %lt3A_1377, %add3A_1380, %and3A_1374 : vector<16xi1>, vector<16xi32>
      %broadcast_in_dim3A_1382 = vector.shape_cast %select_n3A_1381 : vector<16xi32> to vector<16x1xi32>
      %gather3A_1383 = vector.shape_cast %broadcast_in_dim3A_1382 : vector<16x1xi32> to vector<16xi32>
      %gather3A_1384 = tpu.dynamic_gather %add3A_1368[%gather3A_1383] in [0] : vector<16xf32>, vector<16xi32> -> vector<16xf32>
      %add3A_1385 = arith.addf %add3A_1368, %gather3A_1384 : vector<16xf32>
      %eq3A_1386 = arith.constant 10 : i32
      %eq3A_1387 = vector.broadcast %eq3A_1386 : i32 to vector<16xi32>
      %eq3A_1388 = arith.cmpi eq, %iota3A, %eq3A_1387 : vector<16xi32>
      %select_n3A_1389 = arith.select %eq3A_1388, %add3A_1385, %select_n3A_1263 : vector<16xi1>, vector<16xf32>
      %mul3A_1390 = arith.constant 16 : i32
      %mul3A_1391 = arith.muli %scan3A_8, %mul3A_1390 : i32
      %add3A_1392 = arith.constant 11 : i32
      %add3A_1393 = arith.addi %mul3A_1391, %add3A_1392 : i32
      %broadcast_in_dim3A_1394 = arith.constant 0.000000e+00 : f32
      %broadcast_in_dim3A_1395 = vector.broadcast %broadcast_in_dim3A_1394 : f32 to vector<16xf32>
      %get3A_1396 = arith.index_cast %add3A_1393 : i32 to index
      %get3A_1397 = arith.constant 0 : index
      %get3A_1398 = tpu.vector_load %arg4[%get3A_1396, %get3A_1397] {strides = array<i32>} : memref<512x128xf32, #tpu.memory_space<vmem>>, vector<1x16xf32>,
      %get3A_1399 = vector.shape_cast %get3A_1398 : vector<1x16xf32> to vector<16xf32>
      %mul3A_1400 = arith.mulf %get3A_1399, %get3A_1399 : vector<16xf32>
      %add3A_1401 = arith.addf %broadcast_in_dim3A_1395, %mul3A_1400 : vector<16xf32>
      %get3A_1402 = arith.index_cast %add3A_1393 : i32 to index
      %get3A_1403 = arith.constant 16 : index
      %get3A_1404 = tpu.vector_load %arg4[%get3A_1402, %get3A_1403] {strides = array<i32>} : memref<512x128xf32, #tpu.memory_space<vmem>>, vector<1x16xf32>,
      %get3A_1405 = vector.shape_cast %get3A_1404 : vector<1x16xf32> to vector<16xf32>
      %mul3A_1406 = arith.mulf %get3A_1405, %get3A_1405 : vector<16xf32>
      %add3A_1407 = arith.addf %add3A_1401, %mul3A_1406 : vector<16xf32>
      %get3A_1408 = arith.index_cast %add3A_1393 : i32 to index
      %get3A_1409 = arith.constant 32 : index
      %get3A_1410 = tpu.vector_load %arg4[%get3A_1408, %get3A_1409] {strides = array<i32>} : memref<512x128xf32, #tpu.memory_space<vmem>>, vector<1x16xf32>,
      %get3A_1411 = vector.shape_cast %get3A_1410 : vector<1x16xf32> to vector<16xf32>
      %mul3A_1412 = arith.mulf %get3A_1411, %get3A_1411 : vector<16xf32>
      %add3A_1413 = arith.addf %add3A_1407, %mul3A_1412 : vector<16xf32>
      %get3A_1414 = arith.index_cast %add3A_1393 : i32 to index
      %get3A_1415 = arith.constant 48 : index
      %get3A_1416 = tpu.vector_load %arg4[%get3A_1414, %get3A_1415] {strides = array<i32>} : memref<512x128xf32, #tpu.memory_space<vmem>>, vector<1x16xf32>,
      %get3A_1417 = vector.shape_cast %get3A_1416 : vector<1x16xf32> to vector<16xf32>
      %mul3A_1418 = arith.mulf %get3A_1417, %get3A_1417 : vector<16xf32>
      %add3A_1419 = arith.addf %add3A_1413, %mul3A_1418 : vector<16xf32>
      %get3A_1420 = arith.index_cast %add3A_1393 : i32 to index
      %get3A_1421 = arith.constant 64 : index
      %get3A_1422 = tpu.vector_load %arg4[%get3A_1420, %get3A_1421] {strides = array<i32>} : memref<512x128xf32, #tpu.memory_space<vmem>>, vector<1x16xf32>,
      %get3A_1423 = vector.shape_cast %get3A_1422 : vector<1x16xf32> to vector<16xf32>
      %mul3A_1424 = arith.mulf %get3A_1423, %get3A_1423 : vector<16xf32>
      %add3A_1425 = arith.addf %add3A_1419, %mul3A_1424 : vector<16xf32>
      %get3A_1426 = arith.index_cast %add3A_1393 : i32 to index
      %get3A_1427 = arith.constant 80 : index
      %get3A_1428 = tpu.vector_load %arg4[%get3A_1426, %get3A_1427] {strides = array<i32>} : memref<512x128xf32, #tpu.memory_space<vmem>>, vector<1x16xf32>,
      %get3A_1429 = vector.shape_cast %get3A_1428 : vector<1x16xf32> to vector<16xf32>
      %mul3A_1430 = arith.mulf %get3A_1429, %get3A_1429 : vector<16xf32>
      %add3A_1431 = arith.addf %add3A_1425, %mul3A_1430 : vector<16xf32>
      %get3A_1432 = arith.index_cast %add3A_1393 : i32 to index
      %get3A_1433 = arith.constant 96 : index
      %get3A_1434 = tpu.vector_load %arg4[%get3A_1432, %get3A_1433] {strides = array<i32>} : memref<512x128xf32, #tpu.memory_space<vmem>>, vector<1x16xf32>,
      %get3A_1435 = vector.shape_cast %get3A_1434 : vector<1x16xf32> to vector<16xf32>
      %mul3A_1436 = arith.mulf %get3A_1435, %get3A_1435 : vector<16xf32>
      %add3A_1437 = arith.addf %add3A_1431, %mul3A_1436 : vector<16xf32>
      %get3A_1438 = arith.index_cast %add3A_1393 : i32 to index
      %get3A_1439 = arith.constant 112 : index
      %get3A_1440 = tpu.vector_load %arg4[%get3A_1438, %get3A_1439] {strides = array<i32>} : memref<512x128xf32, #tpu.memory_space<vmem>>, vector<1x16xf32>,
      %get3A_1441 = vector.shape_cast %get3A_1440 : vector<1x16xf32> to vector<16xf32>
      %mul3A_1442 = arith.mulf %get3A_1441, %get3A_1441 : vector<16xf32>
      %add3A_1443 = arith.addf %add3A_1437, %mul3A_1442 : vector<16xf32>
      %add3A_1444 = arith.constant 8 : i32
      %add3A_1445 = vector.broadcast %add3A_1444 : i32 to vector<16xi32>
      %add3A_1446 = arith.addi %iota3A, %add3A_1445 : vector<16xi32>
      %and3A_1447 = arith.constant 15 : i32
      %and3A_1448 = vector.broadcast %and3A_1447 : i32 to vector<16xi32>
      %and3A_1449 = arith.andi %add3A_1446, %and3A_1448 : vector<16xi32>
      %lt3A_1450 = arith.constant 0 : i32
      %lt3A_1451 = vector.broadcast %lt3A_1450 : i32 to vector<16xi32>
      %lt3A_1452 = arith.cmpi slt, %and3A_1449, %lt3A_1451 : vector<16xi32>
      %add3A_1453 = arith.constant 16 : i32
      %add3A_1454 = vector.broadcast %add3A_1453 : i32 to vector<16xi32>
      %add3A_1455 = arith.addi %and3A_1449, %add3A_1454 : vector<16xi32>
      %select_n3A_1456 = arith.select %lt3A_1452, %add3A_1455, %and3A_1449 : vector<16xi1>, vector<16xi32>
      %broadcast_in_dim3A_1457 = vector.shape_cast %select_n3A_1456 : vector<16xi32> to vector<16x1xi32>
      %gather3A_1458 = vector.shape_cast %broadcast_in_dim3A_1457 : vector<16x1xi32> to vector<16xi32>
      %gather3A_1459 = tpu.dynamic_gather %add3A_1443[%gather3A_1458] in [0] : vector<16xf32>, vector<16xi32> -> vector<16xf32>
      %add3A_1460 = arith.addf %add3A_1443, %gather3A_1459 : vector<16xf32>
      %add3A_1461 = arith.constant 4 : i32
      %add3A_1462 = vector.broadcast %add3A_1461 : i32 to vector<16xi32>
      %add3A_1463 = arith.addi %iota3A, %add3A_1462 : vector<16xi32>
      %and3A_1464 = arith.constant 15 : i32
      %and3A_1465 = vector.broadcast %and3A_1464 : i32 to vector<16xi32>
      %and3A_1466 = arith.andi %add3A_1463, %and3A_1465 : vector<16xi32>
      %lt3A_1467 = arith.constant 0 : i32
      %lt3A_1468 = vector.broadcast %lt3A_1467 : i32 to vector<16xi32>
      %lt3A_1469 = arith.cmpi slt, %and3A_1466, %lt3A_1468 : vector<16xi32>
      %add3A_1470 = arith.constant 16 : i32
      %add3A_1471 = vector.broadcast %add3A_1470 : i32 to vector<16xi32>
      %add3A_1472 = arith.addi %and3A_1466, %add3A_1471 : vector<16xi32>
      %select_n3A_1473 = arith.select %lt3A_1469, %add3A_1472, %and3A_1466 : vector<16xi1>, vector<16xi32>
      %broadcast_in_dim3A_1474 = vector.shape_cast %select_n3A_1473 : vector<16xi32> to vector<16x1xi32>
      %gather3A_1475 = vector.shape_cast %broadcast_in_dim3A_1474 : vector<16x1xi32> to vector<16xi32>
      %gather3A_1476 = tpu.dynamic_gather %add3A_1460[%gather3A_1475] in [0] : vector<16xf32>, vector<16xi32> -> vector<16xf32>
      %add3A_1477 = arith.addf %add3A_1460, %gather3A_1476 : vector<16xf32>
      %add3A_1478 = arith.constant 2 : i32
      %add3A_1479 = vector.broadcast %add3A_1478 : i32 to vector<16xi32>
      %add3A_1480 = arith.addi %iota3A, %add3A_1479 : vector<16xi32>
      %and3A_1481 = arith.constant 15 : i32
      %and3A_1482 = vector.broadcast %and3A_1481 : i32 to vector<16xi32>
      %and3A_1483 = arith.andi %add3A_1480, %and3A_1482 : vector<16xi32>
      %lt3A_1484 = arith.constant 0 : i32
      %lt3A_1485 = vector.broadcast %lt3A_1484 : i32 to vector<16xi32>
      %lt3A_1486 = arith.cmpi slt, %and3A_1483, %lt3A_1485 : vector<16xi32>
      %add3A_1487 = arith.constant 16 : i32
      %add3A_1488 = vector.broadcast %add3A_1487 : i32 to vector<16xi32>
      %add3A_1489 = arith.addi %and3A_1483, %add3A_1488 : vector<16xi32>
      %select_n3A_1490 = arith.select %lt3A_1486, %add3A_1489, %and3A_1483 : vector<16xi1>, vector<16xi32>
      %broadcast_in_dim3A_1491 = vector.shape_cast %select_n3A_1490 : vector<16xi32> to vector<16x1xi32>
      %gather3A_1492 = vector.shape_cast %broadcast_in_dim3A_1491 : vector<16x1xi32> to vector<16xi32>
      %gather3A_1493 = tpu.dynamic_gather %add3A_1477[%gather3A_1492] in [0] : vector<16xf32>, vector<16xi32> -> vector<16xf32>
      %add3A_1494 = arith.addf %add3A_1477, %gather3A_1493 : vector<16xf32>
      %add3A_1495 = arith.constant 1 : i32
      %add3A_1496 = vector.broadcast %add3A_1495 : i32 to vector<16xi32>
      %add3A_1497 = arith.addi %iota3A, %add3A_1496 : vector<16xi32>
      %and3A_1498 = arith.constant 15 : i32
      %and3A_1499 = vector.broadcast %and3A_1498 : i32 to vector<16xi32>
      %and3A_1500 = arith.andi %add3A_1497, %and3A_1499 : vector<16xi32>
      %lt3A_1501 = arith.constant 0 : i32
      %lt3A_1502 = vector.broadcast %lt3A_1501 : i32 to vector<16xi32>
      %lt3A_1503 = arith.cmpi slt, %and3A_1500, %lt3A_1502 : vector<16xi32>
      %add3A_1504 = arith.constant 16 : i32
      %add3A_1505 = vector.broadcast %add3A_1504 : i32 to vector<16xi32>
      %add3A_1506 = arith.addi %and3A_1500, %add3A_1505 : vector<16xi32>
      %select_n3A_1507 = arith.select %lt3A_1503, %add3A_1506, %and3A_1500 : vector<16xi1>, vector<16xi32>
      %broadcast_in_dim3A_1508 = vector.shape_cast %select_n3A_1507 : vector<16xi32> to vector<16x1xi32>
      %gather3A_1509 = vector.shape_cast %broadcast_in_dim3A_1508 : vector<16x1xi32> to vector<16xi32>
      %gather3A_1510 = tpu.dynamic_gather %add3A_1494[%gather3A_1509] in [0] : vector<16xf32>, vector<16xi32> -> vector<16xf32>
      %add3A_1511 = arith.addf %add3A_1494, %gather3A_1510 : vector<16xf32>
      %eq3A_1512 = arith.constant 11 : i32
      %eq3A_1513 = vector.broadcast %eq3A_1512 : i32 to vector<16xi32>
      %eq3A_1514 = arith.cmpi eq, %iota3A, %eq3A_1513 : vector<16xi32>
      %select_n3A_1515 = arith.select %eq3A_1514, %add3A_1511, %select_n3A_1389 : vector<16xi1>, vector<16xf32>
      %mul3A_1516 = arith.constant 16 : i32
      %mul3A_1517 = arith.muli %scan3A_8, %mul3A_1516 : i32
      %add3A_1518 = arith.constant 12 : i32
      %add3A_1519 = arith.addi %mul3A_1517, %add3A_1518 : i32
      %broadcast_in_dim3A_1520 = arith.constant 0.000000e+00 : f32
      %broadcast_in_dim3A_1521 = vector.broadcast %broadcast_in_dim3A_1520 : f32 to vector<16xf32>
      %get3A_1522 = arith.index_cast %add3A_1519 : i32 to index
      %get3A_1523 = arith.constant 0 : index
      %get3A_1524 = tpu.vector_load %arg4[%get3A_1522, %get3A_1523] {strides = array<i32>} : memref<512x128xf32, #tpu.memory_space<vmem>>, vector<1x16xf32>,
      %get3A_1525 = vector.shape_cast %get3A_1524 : vector<1x16xf32> to vector<16xf32>
      %mul3A_1526 = arith.mulf %get3A_1525, %get3A_1525 : vector<16xf32>
      %add3A_1527 = arith.addf %broadcast_in_dim3A_1521, %mul3A_1526 : vector<16xf32>
      %get3A_1528 = arith.index_cast %add3A_1519 : i32 to index
      %get3A_1529 = arith.constant 16 : index
      %get3A_1530 = tpu.vector_load %arg4[%get3A_1528, %get3A_1529] {strides = array<i32>} : memref<512x128xf32, #tpu.memory_space<vmem>>, vector<1x16xf32>,
      %get3A_1531 = vector.shape_cast %get3A_1530 : vector<1x16xf32> to vector<16xf32>
      %mul3A_1532 = arith.mulf %get3A_1531, %get3A_1531 : vector<16xf32>
      %add3A_1533 = arith.addf %add3A_1527, %mul3A_1532 : vector<16xf32>
      %get3A_1534 = arith.index_cast %add3A_1519 : i32 to index
      %get3A_1535 = arith.constant 32 : index
      %get3A_1536 = tpu.vector_load %arg4[%get3A_1534, %get3A_1535] {strides = array<i32>} : memref<512x128xf32, #tpu.memory_space<vmem>>, vector<1x16xf32>,
      %get3A_1537 = vector.shape_cast %get3A_1536 : vector<1x16xf32> to vector<16xf32>
      %mul3A_1538 = arith.mulf %get3A_1537, %get3A_1537 : vector<16xf32>
      %add3A_1539 = arith.addf %add3A_1533, %mul3A_1538 : vector<16xf32>
      %get3A_1540 = arith.index_cast %add3A_1519 : i32 to index
      %get3A_1541 = arith.constant 48 : index
      %get3A_1542 = tpu.vector_load %arg4[%get3A_1540, %get3A_1541] {strides = array<i32>} : memref<512x128xf32, #tpu.memory_space<vmem>>, vector<1x16xf32>,
      %get3A_1543 = vector.shape_cast %get3A_1542 : vector<1x16xf32> to vector<16xf32>
      %mul3A_1544 = arith.mulf %get3A_1543, %get3A_1543 : vector<16xf32>
      %add3A_1545 = arith.addf %add3A_1539, %mul3A_1544 : vector<16xf32>
      %get3A_1546 = arith.index_cast %add3A_1519 : i32 to index
      %get3A_1547 = arith.constant 64 : index
      %get3A_1548 = tpu.vector_load %arg4[%get3A_1546, %get3A_1547] {strides = array<i32>} : memref<512x128xf32, #tpu.memory_space<vmem>>, vector<1x16xf32>,
      %get3A_1549 = vector.shape_cast %get3A_1548 : vector<1x16xf32> to vector<16xf32>
      %mul3A_1550 = arith.mulf %get3A_1549, %get3A_1549 : vector<16xf32>
      %add3A_1551 = arith.addf %add3A_1545, %mul3A_1550 : vector<16xf32>
      %get3A_1552 = arith.index_cast %add3A_1519 : i32 to index
      %get3A_1553 = arith.constant 80 : index
      %get3A_1554 = tpu.vector_load %arg4[%get3A_1552, %get3A_1553] {strides = array<i32>} : memref<512x128xf32, #tpu.memory_space<vmem>>, vector<1x16xf32>,
      %get3A_1555 = vector.shape_cast %get3A_1554 : vector<1x16xf32> to vector<16xf32>
      %mul3A_1556 = arith.mulf %get3A_1555, %get3A_1555 : vector<16xf32>
      %add3A_1557 = arith.addf %add3A_1551, %mul3A_1556 : vector<16xf32>
      %get3A_1558 = arith.index_cast %add3A_1519 : i32 to index
      %get3A_1559 = arith.constant 96 : index
      %get3A_1560 = tpu.vector_load %arg4[%get3A_1558, %get3A_1559] {strides = array<i32>} : memref<512x128xf32, #tpu.memory_space<vmem>>, vector<1x16xf32>,
      %get3A_1561 = vector.shape_cast %get3A_1560 : vector<1x16xf32> to vector<16xf32>
      %mul3A_1562 = arith.mulf %get3A_1561, %get3A_1561 : vector<16xf32>
      %add3A_1563 = arith.addf %add3A_1557, %mul3A_1562 : vector<16xf32>
      %get3A_1564 = arith.index_cast %add3A_1519 : i32 to index
      %get3A_1565 = arith.constant 112 : index
      %get3A_1566 = tpu.vector_load %arg4[%get3A_1564, %get3A_1565] {strides = array<i32>} : memref<512x128xf32, #tpu.memory_space<vmem>>, vector<1x16xf32>,
      %get3A_1567 = vector.shape_cast %get3A_1566 : vector<1x16xf32> to vector<16xf32>
      %mul3A_1568 = arith.mulf %get3A_1567, %get3A_1567 : vector<16xf32>
      %add3A_1569 = arith.addf %add3A_1563, %mul3A_1568 : vector<16xf32>
      %add3A_1570 = arith.constant 8 : i32
      %add3A_1571 = vector.broadcast %add3A_1570 : i32 to vector<16xi32>
      %add3A_1572 = arith.addi %iota3A, %add3A_1571 : vector<16xi32>
      %and3A_1573 = arith.constant 15 : i32
      %and3A_1574 = vector.broadcast %and3A_1573 : i32 to vector<16xi32>
      %and3A_1575 = arith.andi %add3A_1572, %and3A_1574 : vector<16xi32>
      %lt3A_1576 = arith.constant 0 : i32
      %lt3A_1577 = vector.broadcast %lt3A_1576 : i32 to vector<16xi32>
      %lt3A_1578 = arith.cmpi slt, %and3A_1575, %lt3A_1577 : vector<16xi32>
      %add3A_1579 = arith.constant 16 : i32
      %add3A_1580 = vector.broadcast %add3A_1579 : i32 to vector<16xi32>
      %add3A_1581 = arith.addi %and3A_1575, %add3A_1580 : vector<16xi32>
      %select_n3A_1582 = arith.select %lt3A_1578, %add3A_1581, %and3A_1575 : vector<16xi1>, vector<16xi32>
      %broadcast_in_dim3A_1583 = vector.shape_cast %select_n3A_1582 : vector<16xi32> to vector<16x1xi32>
      %gather3A_1584 = vector.shape_cast %broadcast_in_dim3A_1583 : vector<16x1xi32> to vector<16xi32>
      %gather3A_1585 = tpu.dynamic_gather %add3A_1569[%gather3A_1584] in [0] : vector<16xf32>, vector<16xi32> -> vector<16xf32>
      %add3A_1586 = arith.addf %add3A_1569, %gather3A_1585 : vector<16xf32>
      %add3A_1587 = arith.constant 4 : i32
      %add3A_1588 = vector.broadcast %add3A_1587 : i32 to vector<16xi32>
      %add3A_1589 = arith.addi %iota3A, %add3A_1588 : vector<16xi32>
      %and3A_1590 = arith.constant 15 : i32
      %and3A_1591 = vector.broadcast %and3A_1590 : i32 to vector<16xi32>
      %and3A_1592 = arith.andi %add3A_1589, %and3A_1591 : vector<16xi32>
      %lt3A_1593 = arith.constant 0 : i32
      %lt3A_1594 = vector.broadcast %lt3A_1593 : i32 to vector<16xi32>
      %lt3A_1595 = arith.cmpi slt, %and3A_1592, %lt3A_1594 : vector<16xi32>
      %add3A_1596 = arith.constant 16 : i32
      %add3A_1597 = vector.broadcast %add3A_1596 : i32 to vector<16xi32>
      %add3A_1598 = arith.addi %and3A_1592, %add3A_1597 : vector<16xi32>
      %select_n3A_1599 = arith.select %lt3A_1595, %add3A_1598, %and3A_1592 : vector<16xi1>, vector<16xi32>
      %broadcast_in_dim3A_1600 = vector.shape_cast %select_n3A_1599 : vector<16xi32> to vector<16x1xi32>
      %gather3A_1601 = vector.shape_cast %broadcast_in_dim3A_1600 : vector<16x1xi32> to vector<16xi32>
      %gather3A_1602 = tpu.dynamic_gather %add3A_1586[%gather3A_1601] in [0] : vector<16xf32>, vector<16xi32> -> vector<16xf32>
      %add3A_1603 = arith.addf %add3A_1586, %gather3A_1602 : vector<16xf32>
      %add3A_1604 = arith.constant 2 : i32
      %add3A_1605 = vector.broadcast %add3A_1604 : i32 to vector<16xi32>
      %add3A_1606 = arith.addi %iota3A, %add3A_1605 : vector<16xi32>
      %and3A_1607 = arith.constant 15 : i32
      %and3A_1608 = vector.broadcast %and3A_1607 : i32 to vector<16xi32>
      %and3A_1609 = arith.andi %add3A_1606, %and3A_1608 : vector<16xi32>
      %lt3A_1610 = arith.constant 0 : i32
      %lt3A_1611 = vector.broadcast %lt3A_1610 : i32 to vector<16xi32>
      %lt3A_1612 = arith.cmpi slt, %and3A_1609, %lt3A_1611 : vector<16xi32>
      %add3A_1613 = arith.constant 16 : i32
      %add3A_1614 = vector.broadcast %add3A_1613 : i32 to vector<16xi32>
      %add3A_1615 = arith.addi %and3A_1609, %add3A_1614 : vector<16xi32>
      %select_n3A_1616 = arith.select %lt3A_1612, %add3A_1615, %and3A_1609 : vector<16xi1>, vector<16xi32>
      %broadcast_in_dim3A_1617 = vector.shape_cast %select_n3A_1616 : vector<16xi32> to vector<16x1xi32>
      %gather3A_1618 = vector.shape_cast %broadcast_in_dim3A_1617 : vector<16x1xi32> to vector<16xi32>
      %gather3A_1619 = tpu.dynamic_gather %add3A_1603[%gather3A_1618] in [0] : vector<16xf32>, vector<16xi32> -> vector<16xf32>
      %add3A_1620 = arith.addf %add3A_1603, %gather3A_1619 : vector<16xf32>
      %add3A_1621 = arith.constant 1 : i32
      %add3A_1622 = vector.broadcast %add3A_1621 : i32 to vector<16xi32>
      %add3A_1623 = arith.addi %iota3A, %add3A_1622 : vector<16xi32>
      %and3A_1624 = arith.constant 15 : i32
      %and3A_1625 = vector.broadcast %and3A_1624 : i32 to vector<16xi32>
      %and3A_1626 = arith.andi %add3A_1623, %and3A_1625 : vector<16xi32>
      %lt3A_1627 = arith.constant 0 : i32
      %lt3A_1628 = vector.broadcast %lt3A_1627 : i32 to vector<16xi32>
      %lt3A_1629 = arith.cmpi slt, %and3A_1626, %lt3A_1628 : vector<16xi32>
      %add3A_1630 = arith.constant 16 : i32
      %add3A_1631 = vector.broadcast %add3A_1630 : i32 to vector<16xi32>
      %add3A_1632 = arith.addi %and3A_1626, %add3A_1631 : vector<16xi32>
      %select_n3A_1633 = arith.select %lt3A_1629, %add3A_1632, %and3A_1626 : vector<16xi1>, vector<16xi32>
      %broadcast_in_dim3A_1634 = vector.shape_cast %select_n3A_1633 : vector<16xi32> to vector<16x1xi32>
      %gather3A_1635 = vector.shape_cast %broadcast_in_dim3A_1634 : vector<16x1xi32> to vector<16xi32>
      %gather3A_1636 = tpu.dynamic_gather %add3A_1620[%gather3A_1635] in [0] : vector<16xf32>, vector<16xi32> -> vector<16xf32>
      %add3A_1637 = arith.addf %add3A_1620, %gather3A_1636 : vector<16xf32>
      %eq3A_1638 = arith.constant 12 : i32
      %eq3A_1639 = vector.broadcast %eq3A_1638 : i32 to vector<16xi32>
      %eq3A_1640 = arith.cmpi eq, %iota3A, %eq3A_1639 : vector<16xi32>
      %select_n3A_1641 = arith.select %eq3A_1640, %add3A_1637, %select_n3A_1515 : vector<16xi1>, vector<16xf32>
      %mul3A_1642 = arith.constant 16 : i32
      %mul3A_1643 = arith.muli %scan3A_8, %mul3A_1642 : i32
      %add3A_1644 = arith.constant 13 : i32
      %add3A_1645 = arith.addi %mul3A_1643, %add3A_1644 : i32
      %broadcast_in_dim3A_1646 = arith.constant 0.000000e+00 : f32
      %broadcast_in_dim3A_1647 = vector.broadcast %broadcast_in_dim3A_1646 : f32 to vector<16xf32>
      %get3A_1648 = arith.index_cast %add3A_1645 : i32 to index
      %get3A_1649 = arith.constant 0 : index
      %get3A_1650 = tpu.vector_load %arg4[%get3A_1648, %get3A_1649] {strides = array<i32>} : memref<512x128xf32, #tpu.memory_space<vmem>>, vector<1x16xf32>,
      %get3A_1651 = vector.shape_cast %get3A_1650 : vector<1x16xf32> to vector<16xf32>
      %mul3A_1652 = arith.mulf %get3A_1651, %get3A_1651 : vector<16xf32>
      %add3A_1653 = arith.addf %broadcast_in_dim3A_1647, %mul3A_1652 : vector<16xf32>
      %get3A_1654 = arith.index_cast %add3A_1645 : i32 to index
      %get3A_1655 = arith.constant 16 : index
      %get3A_1656 = tpu.vector_load %arg4[%get3A_1654, %get3A_1655] {strides = array<i32>} : memref<512x128xf32, #tpu.memory_space<vmem>>, vector<1x16xf32>,
      %get3A_1657 = vector.shape_cast %get3A_1656 : vector<1x16xf32> to vector<16xf32>
      %mul3A_1658 = arith.mulf %get3A_1657, %get3A_1657 : vector<16xf32>
      %add3A_1659 = arith.addf %add3A_1653, %mul3A_1658 : vector<16xf32>
      %get3A_1660 = arith.index_cast %add3A_1645 : i32 to index
      %get3A_1661 = arith.constant 32 : index
      %get3A_1662 = tpu.vector_load %arg4[%get3A_1660, %get3A_1661] {strides = array<i32>} : memref<512x128xf32, #tpu.memory_space<vmem>>, vector<1x16xf32>,
      %get3A_1663 = vector.shape_cast %get3A_1662 : vector<1x16xf32> to vector<16xf32>
      %mul3A_1664 = arith.mulf %get3A_1663, %get3A_1663 : vector<16xf32>
      %add3A_1665 = arith.addf %add3A_1659, %mul3A_1664 : vector<16xf32>
      %get3A_1666 = arith.index_cast %add3A_1645 : i32 to index
      %get3A_1667 = arith.constant 48 : index
      %get3A_1668 = tpu.vector_load %arg4[%get3A_1666, %get3A_1667] {strides = array<i32>} : memref<512x128xf32, #tpu.memory_space<vmem>>, vector<1x16xf32>,
      %get3A_1669 = vector.shape_cast %get3A_1668 : vector<1x16xf32> to vector<16xf32>
      %mul3A_1670 = arith.mulf %get3A_1669, %get3A_1669 : vector<16xf32>
      %add3A_1671 = arith.addf %add3A_1665, %mul3A_1670 : vector<16xf32>
      %get3A_1672 = arith.index_cast %add3A_1645 : i32 to index
      %get3A_1673 = arith.constant 64 : index
      %get3A_1674 = tpu.vector_load %arg4[%get3A_1672, %get3A_1673] {strides = array<i32>} : memref<512x128xf32, #tpu.memory_space<vmem>>, vector<1x16xf32>,
      %get3A_1675 = vector.shape_cast %get3A_1674 : vector<1x16xf32> to vector<16xf32>
      %mul3A_1676 = arith.mulf %get3A_1675, %get3A_1675 : vector<16xf32>
      %add3A_1677 = arith.addf %add3A_1671, %mul3A_1676 : vector<16xf32>
      %get3A_1678 = arith.index_cast %add3A_1645 : i32 to index
      %get3A_1679 = arith.constant 80 : index
      %get3A_1680 = tpu.vector_load %arg4[%get3A_1678, %get3A_1679] {strides = array<i32>} : memref<512x128xf32, #tpu.memory_space<vmem>>, vector<1x16xf32>,
      %get3A_1681 = vector.shape_cast %get3A_1680 : vector<1x16xf32> to vector<16xf32>
      %mul3A_1682 = arith.mulf %get3A_1681, %get3A_1681 : vector<16xf32>
      %add3A_1683 = arith.addf %add3A_1677, %mul3A_1682 : vector<16xf32>
      %get3A_1684 = arith.index_cast %add3A_1645 : i32 to index
      %get3A_1685 = arith.constant 96 : index
      %get3A_1686 = tpu.vector_load %arg4[%get3A_1684, %get3A_1685] {strides = array<i32>} : memref<512x128xf32, #tpu.memory_space<vmem>>, vector<1x16xf32>,
      %get3A_1687 = vector.shape_cast %get3A_1686 : vector<1x16xf32> to vector<16xf32>
      %mul3A_1688 = arith.mulf %get3A_1687, %get3A_1687 : vector<16xf32>
      %add3A_1689 = arith.addf %add3A_1683, %mul3A_1688 : vector<16xf32>
      %get3A_1690 = arith.index_cast %add3A_1645 : i32 to index
      %get3A_1691 = arith.constant 112 : index
      %get3A_1692 = tpu.vector_load %arg4[%get3A_1690, %get3A_1691] {strides = array<i32>} : memref<512x128xf32, #tpu.memory_space<vmem>>, vector<1x16xf32>,
      %get3A_1693 = vector.shape_cast %get3A_1692 : vector<1x16xf32> to vector<16xf32>
      %mul3A_1694 = arith.mulf %get3A_1693, %get3A_1693 : vector<16xf32>
      %add3A_1695 = arith.addf %add3A_1689, %mul3A_1694 : vector<16xf32>
      %add3A_1696 = arith.constant 8 : i32
      %add3A_1697 = vector.broadcast %add3A_1696 : i32 to vector<16xi32>
      %add3A_1698 = arith.addi %iota3A, %add3A_1697 : vector<16xi32>
      %and3A_1699 = arith.constant 15 : i32
      %and3A_1700 = vector.broadcast %and3A_1699 : i32 to vector<16xi32>
      %and3A_1701 = arith.andi %add3A_1698, %and3A_1700 : vector<16xi32>
      %lt3A_1702 = arith.constant 0 : i32
      %lt3A_1703 = vector.broadcast %lt3A_1702 : i32 to vector<16xi32>
      %lt3A_1704 = arith.cmpi slt, %and3A_1701, %lt3A_1703 : vector<16xi32>
      %add3A_1705 = arith.constant 16 : i32
      %add3A_1706 = vector.broadcast %add3A_1705 : i32 to vector<16xi32>
      %add3A_1707 = arith.addi %and3A_1701, %add3A_1706 : vector<16xi32>
      %select_n3A_1708 = arith.select %lt3A_1704, %add3A_1707, %and3A_1701 : vector<16xi1>, vector<16xi32>
      %broadcast_in_dim3A_1709 = vector.shape_cast %select_n3A_1708 : vector<16xi32> to vector<16x1xi32>
      %gather3A_1710 = vector.shape_cast %broadcast_in_dim3A_1709 : vector<16x1xi32> to vector<16xi32>
      %gather3A_1711 = tpu.dynamic_gather %add3A_1695[%gather3A_1710] in [0] : vector<16xf32>, vector<16xi32> -> vector<16xf32>
      %add3A_1712 = arith.addf %add3A_1695, %gather3A_1711 : vector<16xf32>
      %add3A_1713 = arith.constant 4 : i32
      %add3A_1714 = vector.broadcast %add3A_1713 : i32 to vector<16xi32>
      %add3A_1715 = arith.addi %iota3A, %add3A_1714 : vector<16xi32>
      %and3A_1716 = arith.constant 15 : i32
      %and3A_1717 = vector.broadcast %and3A_1716 : i32 to vector<16xi32>
      %and3A_1718 = arith.andi %add3A_1715, %and3A_1717 : vector<16xi32>
      %lt3A_1719 = arith.constant 0 : i32
      %lt3A_1720 = vector.broadcast %lt3A_1719 : i32 to vector<16xi32>
      %lt3A_1721 = arith.cmpi slt, %and3A_1718, %lt3A_1720 : vector<16xi32>
      %add3A_1722 = arith.constant 16 : i32
      %add3A_1723 = vector.broadcast %add3A_1722 : i32 to vector<16xi32>
      %add3A_1724 = arith.addi %and3A_1718, %add3A_1723 : vector<16xi32>
      %select_n3A_1725 = arith.select %lt3A_1721, %add3A_1724, %and3A_1718 : vector<16xi1>, vector<16xi32>
      %broadcast_in_dim3A_1726 = vector.shape_cast %select_n3A_1725 : vector<16xi32> to vector<16x1xi32>
      %gather3A_1727 = vector.shape_cast %broadcast_in_dim3A_1726 : vector<16x1xi32> to vector<16xi32>
      %gather3A_1728 = tpu.dynamic_gather %add3A_1712[%gather3A_1727] in [0] : vector<16xf32>, vector<16xi32> -> vector<16xf32>
      %add3A_1729 = arith.addf %add3A_1712, %gather3A_1728 : vector<16xf32>
      %add3A_1730 = arith.constant 2 : i32
      %add3A_1731 = vector.broadcast %add3A_1730 : i32 to vector<16xi32>
      %add3A_1732 = arith.addi %iota3A, %add3A_1731 : vector<16xi32>
      %and3A_1733 = arith.constant 15 : i32
      %and3A_1734 = vector.broadcast %and3A_1733 : i32 to vector<16xi32>
      %and3A_1735 = arith.andi %add3A_1732, %and3A_1734 : vector<16xi32>
      %lt3A_1736 = arith.constant 0 : i32
      %lt3A_1737 = vector.broadcast %lt3A_1736 : i32 to vector<16xi32>
      %lt3A_1738 = arith.cmpi slt, %and3A_1735, %lt3A_1737 : vector<16xi32>
      %add3A_1739 = arith.constant 16 : i32
      %add3A_1740 = vector.broadcast %add3A_1739 : i32 to vector<16xi32>
      %add3A_1741 = arith.addi %and3A_1735, %add3A_1740 : vector<16xi32>
      %select_n3A_1742 = arith.select %lt3A_1738, %add3A_1741, %and3A_1735 : vector<16xi1>, vector<16xi32>
      %broadcast_in_dim3A_1743 = vector.shape_cast %select_n3A_1742 : vector<16xi32> to vector<16x1xi32>
      %gather3A_1744 = vector.shape_cast %broadcast_in_dim3A_1743 : vector<16x1xi32> to vector<16xi32>
      %gather3A_1745 = tpu.dynamic_gather %add3A_1729[%gather3A_1744] in [0] : vector<16xf32>, vector<16xi32> -> vector<16xf32>
      %add3A_1746 = arith.addf %add3A_1729, %gather3A_1745 : vector<16xf32>
      %add3A_1747 = arith.constant 1 : i32
      %add3A_1748 = vector.broadcast %add3A_1747 : i32 to vector<16xi32>
      %add3A_1749 = arith.addi %iota3A, %add3A_1748 : vector<16xi32>
      %and3A_1750 = arith.constant 15 : i32
      %and3A_1751 = vector.broadcast %and3A_1750 : i32 to vector<16xi32>
      %and3A_1752 = arith.andi %add3A_1749, %and3A_1751 : vector<16xi32>
      %lt3A_1753 = arith.constant 0 : i32
      %lt3A_1754 = vector.broadcast %lt3A_1753 : i32 to vector<16xi32>
      %lt3A_1755 = arith.cmpi slt, %and3A_1752, %lt3A_1754 : vector<16xi32>
      %add3A_1756 = arith.constant 16 : i32
      %add3A_1757 = vector.broadcast %add3A_1756 : i32 to vector<16xi32>
      %add3A_1758 = arith.addi %and3A_1752, %add3A_1757 : vector<16xi32>
      %select_n3A_1759 = arith.select %lt3A_1755, %add3A_1758, %and3A_1752 : vector<16xi1>, vector<16xi32>
      %broadcast_in_dim3A_1760 = vector.shape_cast %select_n3A_1759 : vector<16xi32> to vector<16x1xi32>
      %gather3A_1761 = vector.shape_cast %broadcast_in_dim3A_1760 : vector<16x1xi32> to vector<16xi32>
      %gather3A_1762 = tpu.dynamic_gather %add3A_1746[%gather3A_1761] in [0] : vector<16xf32>, vector<16xi32> -> vector<16xf32>
      %add3A_1763 = arith.addf %add3A_1746, %gather3A_1762 : vector<16xf32>
      %eq3A_1764 = arith.constant 13 : i32
      %eq3A_1765 = vector.broadcast %eq3A_1764 : i32 to vector<16xi32>
      %eq3A_1766 = arith.cmpi eq, %iota3A, %eq3A_1765 : vector<16xi32>
      %select_n3A_1767 = arith.select %eq3A_1766, %add3A_1763, %select_n3A_1641 : vector<16xi1>, vector<16xf32>
      %mul3A_1768 = arith.constant 16 : i32
      %mul3A_1769 = arith.muli %scan3A_8, %mul3A_1768 : i32
      %add3A_1770 = arith.constant 14 : i32
      %add3A_1771 = arith.addi %mul3A_1769, %add3A_1770 : i32
      %broadcast_in_dim3A_1772 = arith.constant 0.000000e+00 : f32
      %broadcast_in_dim3A_1773 = vector.broadcast %broadcast_in_dim3A_1772 : f32 to vector<16xf32>
      %get3A_1774 = arith.index_cast %add3A_1771 : i32 to index
      %get3A_1775 = arith.constant 0 : index
      %get3A_1776 = tpu.vector_load %arg4[%get3A_1774, %get3A_1775] {strides = array<i32>} : memref<512x128xf32, #tpu.memory_space<vmem>>, vector<1x16xf32>,
      %get3A_1777 = vector.shape_cast %get3A_1776 : vector<1x16xf32> to vector<16xf32>
      %mul3A_1778 = arith.mulf %get3A_1777, %get3A_1777 : vector<16xf32>
      %add3A_1779 = arith.addf %broadcast_in_dim3A_1773, %mul3A_1778 : vector<16xf32>
      %get3A_1780 = arith.index_cast %add3A_1771 : i32 to index
      %get3A_1781 = arith.constant 16 : index
      %get3A_1782 = tpu.vector_load %arg4[%get3A_1780, %get3A_1781] {strides = array<i32>} : memref<512x128xf32, #tpu.memory_space<vmem>>, vector<1x16xf32>,
      %get3A_1783 = vector.shape_cast %get3A_1782 : vector<1x16xf32> to vector<16xf32>
      %mul3A_1784 = arith.mulf %get3A_1783, %get3A_1783 : vector<16xf32>
      %add3A_1785 = arith.addf %add3A_1779, %mul3A_1784 : vector<16xf32>
      %get3A_1786 = arith.index_cast %add3A_1771 : i32 to index
      %get3A_1787 = arith.constant 32 : index
      %get3A_1788 = tpu.vector_load %arg4[%get3A_1786, %get3A_1787] {strides = array<i32>} : memref<512x128xf32, #tpu.memory_space<vmem>>, vector<1x16xf32>,
      %get3A_1789 = vector.shape_cast %get3A_1788 : vector<1x16xf32> to vector<16xf32>
      %mul3A_1790 = arith.mulf %get3A_1789, %get3A_1789 : vector<16xf32>
      %add3A_1791 = arith.addf %add3A_1785, %mul3A_1790 : vector<16xf32>
      %get3A_1792 = arith.index_cast %add3A_1771 : i32 to index
      %get3A_1793 = arith.constant 48 : index
      %get3A_1794 = tpu.vector_load %arg4[%get3A_1792, %get3A_1793] {strides = array<i32>} : memref<512x128xf32, #tpu.memory_space<vmem>>, vector<1x16xf32>,
      %get3A_1795 = vector.shape_cast %get3A_1794 : vector<1x16xf32> to vector<16xf32>
      %mul3A_1796 = arith.mulf %get3A_1795, %get3A_1795 : vector<16xf32>
      %add3A_1797 = arith.addf %add3A_1791, %mul3A_1796 : vector<16xf32>
      %get3A_1798 = arith.index_cast %add3A_1771 : i32 to index
      %get3A_1799 = arith.constant 64 : index
      %get3A_1800 = tpu.vector_load %arg4[%get3A_1798, %get3A_1799] {strides = array<i32>} : memref<512x128xf32, #tpu.memory_space<vmem>>, vector<1x16xf32>,
      %get3A_1801 = vector.shape_cast %get3A_1800 : vector<1x16xf32> to vector<16xf32>
      %mul3A_1802 = arith.mulf %get3A_1801, %get3A_1801 : vector<16xf32>
      %add3A_1803 = arith.addf %add3A_1797, %mul3A_1802 : vector<16xf32>
      %get3A_1804 = arith.index_cast %add3A_1771 : i32 to index
      %get3A_1805 = arith.constant 80 : index
      %get3A_1806 = tpu.vector_load %arg4[%get3A_1804, %get3A_1805] {strides = array<i32>} : memref<512x128xf32, #tpu.memory_space<vmem>>, vector<1x16xf32>,
      %get3A_1807 = vector.shape_cast %get3A_1806 : vector<1x16xf32> to vector<16xf32>
      %mul3A_1808 = arith.mulf %get3A_1807, %get3A_1807 : vector<16xf32>
      %add3A_1809 = arith.addf %add3A_1803, %mul3A_1808 : vector<16xf32>
      %get3A_1810 = arith.index_cast %add3A_1771 : i32 to index
      %get3A_1811 = arith.constant 96 : index
      %get3A_1812 = tpu.vector_load %arg4[%get3A_1810, %get3A_1811] {strides = array<i32>} : memref<512x128xf32, #tpu.memory_space<vmem>>, vector<1x16xf32>,
      %get3A_1813 = vector.shape_cast %get3A_1812 : vector<1x16xf32> to vector<16xf32>
      %mul3A_1814 = arith.mulf %get3A_1813, %get3A_1813 : vector<16xf32>
      %add3A_1815 = arith.addf %add3A_1809, %mul3A_1814 : vector<16xf32>
      %get3A_1816 = arith.index_cast %add3A_1771 : i32 to index
      %get3A_1817 = arith.constant 112 : index
      %get3A_1818 = tpu.vector_load %arg4[%get3A_1816, %get3A_1817] {strides = array<i32>} : memref<512x128xf32, #tpu.memory_space<vmem>>, vector<1x16xf32>,
      %get3A_1819 = vector.shape_cast %get3A_1818 : vector<1x16xf32> to vector<16xf32>
      %mul3A_1820 = arith.mulf %get3A_1819, %get3A_1819 : vector<16xf32>
      %add3A_1821 = arith.addf %add3A_1815, %mul3A_1820 : vector<16xf32>
      %add3A_1822 = arith.constant 8 : i32
      %add3A_1823 = vector.broadcast %add3A_1822 : i32 to vector<16xi32>
      %add3A_1824 = arith.addi %iota3A, %add3A_1823 : vector<16xi32>
      %and3A_1825 = arith.constant 15 : i32
      %and3A_1826 = vector.broadcast %and3A_1825 : i32 to vector<16xi32>
      %and3A_1827 = arith.andi %add3A_1824, %and3A_1826 : vector<16xi32>
      %lt3A_1828 = arith.constant 0 : i32
      %lt3A_1829 = vector.broadcast %lt3A_1828 : i32 to vector<16xi32>
      %lt3A_1830 = arith.cmpi slt, %and3A_1827, %lt3A_1829 : vector<16xi32>
      %add3A_1831 = arith.constant 16 : i32
      %add3A_1832 = vector.broadcast %add3A_1831 : i32 to vector<16xi32>
      %add3A_1833 = arith.addi %and3A_1827, %add3A_1832 : vector<16xi32>
      %select_n3A_1834 = arith.select %lt3A_1830, %add3A_1833, %and3A_1827 : vector<16xi1>, vector<16xi32>
      %broadcast_in_dim3A_1835 = vector.shape_cast %select_n3A_1834 : vector<16xi32> to vector<16x1xi32>
      %gather3A_1836 = vector.shape_cast %broadcast_in_dim3A_1835 : vector<16x1xi32> to vector<16xi32>
      %gather3A_1837 = tpu.dynamic_gather %add3A_1821[%gather3A_1836] in [0] : vector<16xf32>, vector<16xi32> -> vector<16xf32>
      %add3A_1838 = arith.addf %add3A_1821, %gather3A_1837 : vector<16xf32>
      %add3A_1839 = arith.constant 4 : i32
      %add3A_1840 = vector.broadcast %add3A_1839 : i32 to vector<16xi32>
      %add3A_1841 = arith.addi %iota3A, %add3A_1840 : vector<16xi32>
      %and3A_1842 = arith.constant 15 : i32
      %and3A_1843 = vector.broadcast %and3A_1842 : i32 to vector<16xi32>
      %and3A_1844 = arith.andi %add3A_1841, %and3A_1843 : vector<16xi32>
      %lt3A_1845 = arith.constant 0 : i32
      %lt3A_1846 = vector.broadcast %lt3A_1845 : i32 to vector<16xi32>
      %lt3A_1847 = arith.cmpi slt, %and3A_1844, %lt3A_1846 : vector<16xi32>
      %add3A_1848 = arith.constant 16 : i32
      %add3A_1849 = vector.broadcast %add3A_1848 : i32 to vector<16xi32>
      %add3A_1850 = arith.addi %and3A_1844, %add3A_1849 : vector<16xi32>
      %select_n3A_1851 = arith.select %lt3A_1847, %add3A_1850, %and3A_1844 : vector<16xi1>, vector<16xi32>
      %broadcast_in_dim3A_1852 = vector.shape_cast %select_n3A_1851 : vector<16xi32> to vector<16x1xi32>
      %gather3A_1853 = vector.shape_cast %broadcast_in_dim3A_1852 : vector<16x1xi32> to vector<16xi32>
      %gather3A_1854 = tpu.dynamic_gather %add3A_1838[%gather3A_1853] in [0] : vector<16xf32>, vector<16xi32> -> vector<16xf32>
      %add3A_1855 = arith.addf %add3A_1838, %gather3A_1854 : vector<16xf32>
      %add3A_1856 = arith.constant 2 : i32
      %add3A_1857 = vector.broadcast %add3A_1856 : i32 to vector<16xi32>
      %add3A_1858 = arith.addi %iota3A, %add3A_1857 : vector<16xi32>
      %and3A_1859 = arith.constant 15 : i32
      %and3A_1860 = vector.broadcast %and3A_1859 : i32 to vector<16xi32>
      %and3A_1861 = arith.andi %add3A_1858, %and3A_1860 : vector<16xi32>
      %lt3A_1862 = arith.constant 0 : i32
      %lt3A_1863 = vector.broadcast %lt3A_1862 : i32 to vector<16xi32>
      %lt3A_1864 = arith.cmpi slt, %and3A_1861, %lt3A_1863 : vector<16xi32>
      %add3A_1865 = arith.constant 16 : i32
      %add3A_1866 = vector.broadcast %add3A_1865 : i32 to vector<16xi32>
      %add3A_1867 = arith.addi %and3A_1861, %add3A_1866 : vector<16xi32>
      %select_n3A_1868 = arith.select %lt3A_1864, %add3A_1867, %and3A_1861 : vector<16xi1>, vector<16xi32>
      %broadcast_in_dim3A_1869 = vector.shape_cast %select_n3A_1868 : vector<16xi32> to vector<16x1xi32>
      %gather3A_1870 = vector.shape_cast %broadcast_in_dim3A_1869 : vector<16x1xi32> to vector<16xi32>
      %gather3A_1871 = tpu.dynamic_gather %add3A_1855[%gather3A_1870] in [0] : vector<16xf32>, vector<16xi32> -> vector<16xf32>
      %add3A_1872 = arith.addf %add3A_1855, %gather3A_1871 : vector<16xf32>
      %add3A_1873 = arith.constant 1 : i32
      %add3A_1874 = vector.broadcast %add3A_1873 : i32 to vector<16xi32>
      %add3A_1875 = arith.addi %iota3A, %add3A_1874 : vector<16xi32>
      %and3A_1876 = arith.constant 15 : i32
      %and3A_1877 = vector.broadcast %and3A_1876 : i32 to vector<16xi32>
      %and3A_1878 = arith.andi %add3A_1875, %and3A_1877 : vector<16xi32>
      %lt3A_1879 = arith.constant 0 : i32
      %lt3A_1880 = vector.broadcast %lt3A_1879 : i32 to vector<16xi32>
      %lt3A_1881 = arith.cmpi slt, %and3A_1878, %lt3A_1880 : vector<16xi32>
      %add3A_1882 = arith.constant 16 : i32
      %add3A_1883 = vector.broadcast %add3A_1882 : i32 to vector<16xi32>
      %add3A_1884 = arith.addi %and3A_1878, %add3A_1883 : vector<16xi32>
      %select_n3A_1885 = arith.select %lt3A_1881, %add3A_1884, %and3A_1878 : vector<16xi1>, vector<16xi32>
      %broadcast_in_dim3A_1886 = vector.shape_cast %select_n3A_1885 : vector<16xi32> to vector<16x1xi32>
      %gather3A_1887 = vector.shape_cast %broadcast_in_dim3A_1886 : vector<16x1xi32> to vector<16xi32>
      %gather3A_1888 = tpu.dynamic_gather %add3A_1872[%gather3A_1887] in [0] : vector<16xf32>, vector<16xi32> -> vector<16xf32>
      %add3A_1889 = arith.addf %add3A_1872, %gather3A_1888 : vector<16xf32>
      %eq3A_1890 = arith.constant 14 : i32
      %eq3A_1891 = vector.broadcast %eq3A_1890 : i32 to vector<16xi32>
      %eq3A_1892 = arith.cmpi eq, %iota3A, %eq3A_1891 : vector<16xi32>
      %select_n3A_1893 = arith.select %eq3A_1892, %add3A_1889, %select_n3A_1767 : vector<16xi1>, vector<16xf32>
      %mul3A_1894 = arith.constant 16 : i32
      %mul3A_1895 = arith.muli %scan3A_8, %mul3A_1894 : i32
      %add3A_1896 = arith.constant 15 : i32
      %add3A_1897 = arith.addi %mul3A_1895, %add3A_1896 : i32
      %broadcast_in_dim3A_1898 = arith.constant 0.000000e+00 : f32
      %broadcast_in_dim3A_1899 = vector.broadcast %broadcast_in_dim3A_1898 : f32 to vector<16xf32>
      %get3A_1900 = arith.index_cast %add3A_1897 : i32 to index
      %get3A_1901 = arith.constant 0 : index
      %get3A_1902 = tpu.vector_load %arg4[%get3A_1900, %get3A_1901] {strides = array<i32>} : memref<512x128xf32, #tpu.memory_space<vmem>>, vector<1x16xf32>,
      %get3A_1903 = vector.shape_cast %get3A_1902 : vector<1x16xf32> to vector<16xf32>
      %mul3A_1904 = arith.mulf %get3A_1903, %get3A_1903 : vector<16xf32>
      %add3A_1905 = arith.addf %broadcast_in_dim3A_1899, %mul3A_1904 : vector<16xf32>
      %get3A_1906 = arith.index_cast %add3A_1897 : i32 to index
      %get3A_1907 = arith.constant 16 : index
      %get3A_1908 = tpu.vector_load %arg4[%get3A_1906, %get3A_1907] {strides = array<i32>} : memref<512x128xf32, #tpu.memory_space<vmem>>, vector<1x16xf32>,
      %get3A_1909 = vector.shape_cast %get3A_1908 : vector<1x16xf32> to vector<16xf32>
      %mul3A_1910 = arith.mulf %get3A_1909, %get3A_1909 : vector<16xf32>
      %add3A_1911 = arith.addf %add3A_1905, %mul3A_1910 : vector<16xf32>
      %get3A_1912 = arith.index_cast %add3A_1897 : i32 to index
      %get3A_1913 = arith.constant 32 : index
      %get3A_1914 = tpu.vector_load %arg4[%get3A_1912, %get3A_1913] {strides = array<i32>} : memref<512x128xf32, #tpu.memory_space<vmem>>, vector<1x16xf32>,
      %get3A_1915 = vector.shape_cast %get3A_1914 : vector<1x16xf32> to vector<16xf32>
      %mul3A_1916 = arith.mulf %get3A_1915, %get3A_1915 : vector<16xf32>
      %add3A_1917 = arith.addf %add3A_1911, %mul3A_1916 : vector<16xf32>
      %get3A_1918 = arith.index_cast %add3A_1897 : i32 to index
      %get3A_1919 = arith.constant 48 : index
      %get3A_1920 = tpu.vector_load %arg4[%get3A_1918, %get3A_1919] {strides = array<i32>} : memref<512x128xf32, #tpu.memory_space<vmem>>, vector<1x16xf32>,
      %get3A_1921 = vector.shape_cast %get3A_1920 : vector<1x16xf32> to vector<16xf32>
      %mul3A_1922 = arith.mulf %get3A_1921, %get3A_1921 : vector<16xf32>
      %add3A_1923 = arith.addf %add3A_1917, %mul3A_1922 : vector<16xf32>
      %get3A_1924 = arith.index_cast %add3A_1897 : i32 to index
      %get3A_1925 = arith.constant 64 : index
      %get3A_1926 = tpu.vector_load %arg4[%get3A_1924, %get3A_1925] {strides = array<i32>} : memref<512x128xf32, #tpu.memory_space<vmem>>, vector<1x16xf32>,
      %get3A_1927 = vector.shape_cast %get3A_1926 : vector<1x16xf32> to vector<16xf32>
      %mul3A_1928 = arith.mulf %get3A_1927, %get3A_1927 : vector<16xf32>
      %add3A_1929 = arith.addf %add3A_1923, %mul3A_1928 : vector<16xf32>
      %get3A_1930 = arith.index_cast %add3A_1897 : i32 to index
      %get3A_1931 = arith.constant 80 : index
      %get3A_1932 = tpu.vector_load %arg4[%get3A_1930, %get3A_1931] {strides = array<i32>} : memref<512x128xf32, #tpu.memory_space<vmem>>, vector<1x16xf32>,
      %get3A_1933 = vector.shape_cast %get3A_1932 : vector<1x16xf32> to vector<16xf32>
      %mul3A_1934 = arith.mulf %get3A_1933, %get3A_1933 : vector<16xf32>
      %add3A_1935 = arith.addf %add3A_1929, %mul3A_1934 : vector<16xf32>
      %get3A_1936 = arith.index_cast %add3A_1897 : i32 to index
      %get3A_1937 = arith.constant 96 : index
      %get3A_1938 = tpu.vector_load %arg4[%get3A_1936, %get3A_1937] {strides = array<i32>} : memref<512x128xf32, #tpu.memory_space<vmem>>, vector<1x16xf32>,
      %get3A_1939 = vector.shape_cast %get3A_1938 : vector<1x16xf32> to vector<16xf32>
      %mul3A_1940 = arith.mulf %get3A_1939, %get3A_1939 : vector<16xf32>
      %add3A_1941 = arith.addf %add3A_1935, %mul3A_1940 : vector<16xf32>
      %get3A_1942 = arith.index_cast %add3A_1897 : i32 to index
      %get3A_1943 = arith.constant 112 : index
      %get3A_1944 = tpu.vector_load %arg4[%get3A_1942, %get3A_1943] {strides = array<i32>} : memref<512x128xf32, #tpu.memory_space<vmem>>, vector<1x16xf32>,
      %get3A_1945 = vector.shape_cast %get3A_1944 : vector<1x16xf32> to vector<16xf32>
      %mul3A_1946 = arith.mulf %get3A_1945, %get3A_1945 : vector<16xf32>
      %add3A_1947 = arith.addf %add3A_1941, %mul3A_1946 : vector<16xf32>
      %add3A_1948 = arith.constant 8 : i32
      %add3A_1949 = vector.broadcast %add3A_1948 : i32 to vector<16xi32>
      %add3A_1950 = arith.addi %iota3A, %add3A_1949 : vector<16xi32>
      %and3A_1951 = arith.constant 15 : i32
      %and3A_1952 = vector.broadcast %and3A_1951 : i32 to vector<16xi32>
      %and3A_1953 = arith.andi %add3A_1950, %and3A_1952 : vector<16xi32>
      %lt3A_1954 = arith.constant 0 : i32
      %lt3A_1955 = vector.broadcast %lt3A_1954 : i32 to vector<16xi32>
      %lt3A_1956 = arith.cmpi slt, %and3A_1953, %lt3A_1955 : vector<16xi32>
      %add3A_1957 = arith.constant 16 : i32
      %add3A_1958 = vector.broadcast %add3A_1957 : i32 to vector<16xi32>
      %add3A_1959 = arith.addi %and3A_1953, %add3A_1958 : vector<16xi32>
      %select_n3A_1960 = arith.select %lt3A_1956, %add3A_1959, %and3A_1953 : vector<16xi1>, vector<16xi32>
      %broadcast_in_dim3A_1961 = vector.shape_cast %select_n3A_1960 : vector<16xi32> to vector<16x1xi32>
      %gather3A_1962 = vector.shape_cast %broadcast_in_dim3A_1961 : vector<16x1xi32> to vector<16xi32>
      %gather3A_1963 = tpu.dynamic_gather %add3A_1947[%gather3A_1962] in [0] : vector<16xf32>, vector<16xi32> -> vector<16xf32>
      %add3A_1964 = arith.addf %add3A_1947, %gather3A_1963 : vector<16xf32>
      %add3A_1965 = arith.constant 4 : i32
      %add3A_1966 = vector.broadcast %add3A_1965 : i32 to vector<16xi32>
      %add3A_1967 = arith.addi %iota3A, %add3A_1966 : vector<16xi32>
      %and3A_1968 = arith.constant 15 : i32
      %and3A_1969 = vector.broadcast %and3A_1968 : i32 to vector<16xi32>
      %and3A_1970 = arith.andi %add3A_1967, %and3A_1969 : vector<16xi32>
      %lt3A_1971 = arith.constant 0 : i32
      %lt3A_1972 = vector.broadcast %lt3A_1971 : i32 to vector<16xi32>
      %lt3A_1973 = arith.cmpi slt, %and3A_1970, %lt3A_1972 : vector<16xi32>
      %add3A_1974 = arith.constant 16 : i32
      %add3A_1975 = vector.broadcast %add3A_1974 : i32 to vector<16xi32>
      %add3A_1976 = arith.addi %and3A_1970, %add3A_1975 : vector<16xi32>
      %select_n3A_1977 = arith.select %lt3A_1973, %add3A_1976, %and3A_1970 : vector<16xi1>, vector<16xi32>
      %broadcast_in_dim3A_1978 = vector.shape_cast %select_n3A_1977 : vector<16xi32> to vector<16x1xi32>
      %gather3A_1979 = vector.shape_cast %broadcast_in_dim3A_1978 : vector<16x1xi32> to vector<16xi32>
      %gather3A_1980 = tpu.dynamic_gather %add3A_1964[%gather3A_1979] in [0] : vector<16xf32>, vector<16xi32> -> vector<16xf32>
      %add3A_1981 = arith.addf %add3A_1964, %gather3A_1980 : vector<16xf32>
      %add3A_1982 = arith.constant 2 : i32
      %add3A_1983 = vector.broadcast %add3A_1982 : i32 to vector<16xi32>
      %add3A_1984 = arith.addi %iota3A, %add3A_1983 : vector<16xi32>
      %and3A_1985 = arith.constant 15 : i32
      %and3A_1986 = vector.broadcast %and3A_1985 : i32 to vector<16xi32>
      %and3A_1987 = arith.andi %add3A_1984, %and3A_1986 : vector<16xi32>
      %lt3A_1988 = arith.constant 0 : i32
      %lt3A_1989 = vector.broadcast %lt3A_1988 : i32 to vector<16xi32>
      %lt3A_1990 = arith.cmpi slt, %and3A_1987, %lt3A_1989 : vector<16xi32>
      %add3A_1991 = arith.constant 16 : i32
      %add3A_1992 = vector.broadcast %add3A_1991 : i32 to vector<16xi32>
      %add3A_1993 = arith.addi %and3A_1987, %add3A_1992 : vector<16xi32>
      %select_n3A_1994 = arith.select %lt3A_1990, %add3A_1993, %and3A_1987 : vector<16xi1>, vector<16xi32>
      %broadcast_in_dim3A_1995 = vector.shape_cast %select_n3A_1994 : vector<16xi32> to vector<16x1xi32>
      %gather3A_1996 = vector.shape_cast %broadcast_in_dim3A_1995 : vector<16x1xi32> to vector<16xi32>
      %gather3A_1997 = tpu.dynamic_gather %add3A_1981[%gather3A_1996] in [0] : vector<16xf32>, vector<16xi32> -> vector<16xf32>
      %add3A_1998 = arith.addf %add3A_1981, %gather3A_1997 : vector<16xf32>
      %add3A_1999 = arith.constant 1 : i32
      %add3A_2000 = vector.broadcast %add3A_1999 : i32 to vector<16xi32>
      %add3A_2001 = arith.addi %iota3A, %add3A_2000 : vector<16xi32>
      %and3A_2002 = arith.constant 15 : i32
      %and3A_2003 = vector.broadcast %and3A_2002 : i32 to vector<16xi32>
      %and3A_2004 = arith.andi %add3A_2001, %and3A_2003 : vector<16xi32>
      %lt3A_2005 = arith.constant 0 : i32
      %lt3A_2006 = vector.broadcast %lt3A_2005 : i32 to vector<16xi32>
      %lt3A_2007 = arith.cmpi slt, %and3A_2004, %lt3A_2006 : vector<16xi32>
      %add3A_2008 = arith.constant 16 : i32
      %add3A_2009 = vector.broadcast %add3A_2008 : i32 to vector<16xi32>
      %add3A_2010 = arith.addi %and3A_2004, %add3A_2009 : vector<16xi32>
      %select_n3A_2011 = arith.select %lt3A_2007, %add3A_2010, %and3A_2004 : vector<16xi1>, vector<16xi32>
      %broadcast_in_dim3A_2012 = vector.shape_cast %select_n3A_2011 : vector<16xi32> to vector<16x1xi32>
      %gather3A_2013 = vector.shape_cast %broadcast_in_dim3A_2012 : vector<16x1xi32> to vector<16xi32>
      %gather3A_2014 = tpu.dynamic_gather %add3A_1998[%gather3A_2013] in [0] : vector<16xf32>, vector<16xi32> -> vector<16xf32>
      %add3A_2015 = arith.addf %add3A_1998, %gather3A_2014 : vector<16xf32>
      %eq3A_2016 = arith.constant 15 : i32
      %eq3A_2017 = vector.broadcast %eq3A_2016 : i32 to vector<16xi32>
      %eq3A_2018 = arith.cmpi eq, %iota3A, %eq3A_2017 : vector<16xi32>
      %select_n3A_2019 = arith.select %eq3A_2018, %add3A_2015, %select_n3A_1893 : vector<16xi1>, vector<16xf32>
      %mul3A_2020 = arith.constant 16 : i32
      %mul3A_2021 = arith.muli %scan3A_8, %mul3A_2020 : i32
      %swap3A = arith.index_cast %mul3A_2021 : i32 to index
      %swap3A_2022 = tpu.vector_load %arg5[%swap3A] {strides = array<i32>} : memref<512xf32, #tpu.memory_space<vmem>>, vector<16xf32>,
      %swap3A_2023 = vector.shape_cast %swap3A_2022 : vector<16xf32> to vector<16xf32>
      %swap3A_2024 = vector.shape_cast %select_n3A_2019 : vector<16xf32> to vector<16xf32>
      tpu.vector_store %arg5[%swap3A], %swap3A_2024 {strides = array<i32>} : memref<512xf32, #tpu.memory_space<vmem>>, vector<16xf32>,
    }
    %scan3A_7 = arith.constant 32 : i32
    "tpu.region"() ({
      %run_scoped3A = tpu.sem_alloc : memref<!tpu.dma_semaphore, #tpu.memory_space<semaphore_mem>>
      %dma_start3A = tpu.memref_slice %arg3[%mul3A_2] : memref<16384xf32, #tpu.memory_space<hbm>> -> memref<512xf32, #tpu.memory_space<hbm>>
      %dma_start3A_8 = tpu.memref_slice %arg3[%mul3A_2] : memref<16384xf32, #tpu.memory_space<hbm>> -> memref<512xf32, #tpu.memory_space<hbm>>
      tpu.enqueue_dma source(%arg5 : memref<512xf32, #tpu.memory_space<vmem>>) target(%dma_start3A_8 : memref<512xf32, #tpu.memory_space<hbm>>) target_semaphore(%run_scoped3A : memref<!tpu.dma_semaphore, #tpu.memory_space<semaphore_mem>>)
      %dma_wait3A = tpu.memref_slice %arg3[%mul3A_2] : memref<16384xf32, #tpu.memory_space<hbm>> -> memref<512xf32, #tpu.memory_space<hbm>>
      %dma_wait3A_9 = tpu.memref_slice %arg3[%mul3A_2] : memref<16384xf32, #tpu.memory_space<hbm>> -> memref<512xf32, #tpu.memory_space<hbm>>
      tpu.wait_dma2 semaphore(%run_scoped3A : memref<!tpu.dma_semaphore, #tpu.memory_space<semaphore_mem>>) src(%arg5 : memref<512xf32, #tpu.memory_space<vmem>>) dst(%dma_wait3A_9 : memref<512xf32, #tpu.memory_space<hbm>>)
      tpu.yield
    }) : () -> ()
    return
  }
}

module attributes {stable_mosaic.version = 14 : i64} {
  func.func @_dense(%arg0: i32, %arg1: memref<1000x2048xf32, #tpu.memory_space<vmem>>, %arg2: memref<1x2048xi32, #tpu.memory_space<vmem>>, %arg3: memref<1x2048xf32, #tpu.memory_space<vmem>>, %arg4: memref<1x2048xf32, #tpu.memory_space<vmem>>) attributes {dimension_semantics = [#tpu.dimension_semantics<arbitrary>], iteration_bounds = array<i64: 8>, scalar_prefetch = 0 : i64, scratch_operands = 0 : i64, tpu.core_type = #tpu.core_type<tc>, window_params = [{transform_indices = @transform_0, window_bounds = array<i64: 1000, 2048>}, {transform_indices = @transform_1, window_bounds = array<i64: 1, 2048>}, {transform_indices = @transform_2, window_bounds = array<i64: 1, 2048>}, {transform_indices = @transform_3, window_bounds = array<i64: 1, 2048>}]} {
    %get3A = arith.constant 0 : index
    %get3A_0 = arith.constant 0 : index
    %get3A_1 = vector.load %arg1[%get3A, %get3A_0] : memref<1000x2048xf32, #tpu.memory_space<vmem>>, vector<1000x2048xf32>
    %get3A_2 = arith.constant 0 : index
    %get3A_3 = arith.constant 0 : index
    %get3A_4 = vector.load %arg2[%get3A_2, %get3A_3] : memref<1x2048xi32, #tpu.memory_space<vmem>>, vector<1x2048xi32>
    %reduce_max3A = arith.constant dense<0xFF800000> : vector<2048xf32>
    %reduce_max3A_5 = vector.multi_reduction <maximumf>, %get3A_1, %reduce_max3A [0] : vector<1000x2048xf32> to vector<2048xf32>
    %broadcast_in_dim3A = vector.shape_cast %reduce_max3A_5 : vector<2048xf32> to vector<1x2048xf32>
    %sub3A = vector.broadcast %broadcast_in_dim3A : vector<1x2048xf32> to vector<1000x2048xf32>
    %sub3A_6 = arith.subf %get3A_1, %sub3A : vector<1000x2048xf32>
    %exp3A = math.exp %sub3A_6 : vector<1000x2048xf32>
    %reduce_sum3A = arith.constant dense<0.000000e+00> : vector<2048xf32>
    %reduce_sum3A_7 = vector.multi_reduction <add>, %exp3A, %reduce_sum3A [0] : vector<1000x2048xf32> to vector<2048xf32>
    %broadcast_in_dim3A_8 = vector.shape_cast %reduce_sum3A_7 : vector<2048xf32> to vector<1x2048xf32>
    %log3A = math.log %broadcast_in_dim3A_8 : vector<1x2048xf32>
    %iota3A = tpu.iota {dimensions = array<i32: 0>} : vector<1000x2048xi32>
    %eq3A = vector.broadcast %get3A_4 : vector<1x2048xi32> to vector<1000x2048xi32>
    %eq3A_9 = arith.cmpi eq, %iota3A, %eq3A : vector<1000x2048xi32>
    %jit3A = arith.constant 0.000000e+00 : f32
    %broadcast_in_dim3A_10 = vector.broadcast %jit3A : f32 to vector<1000x2048xf32>
    %select_n3A = arith.select %eq3A_9, %get3A_1, %broadcast_in_dim3A_10 : vector<1000x2048xi1>, vector<1000x2048xf32>
    %reduce_sum3A_11 = arith.constant dense<0.000000e+00> : vector<2048xf32>
    %reduce_sum3A_12 = vector.multi_reduction <add>, %select_n3A, %reduce_sum3A_11 [0] : vector<1000x2048xf32> to vector<2048xf32>
    %broadcast_in_dim3A_13 = vector.shape_cast %reduce_sum3A_12 : vector<2048xf32> to vector<1x2048xf32>
    %add3A = arith.addf %broadcast_in_dim3A, %log3A : vector<1x2048xf32>
    %sub3A_14 = arith.subf %add3A, %broadcast_in_dim3A_13 : vector<1x2048xf32>
    %swap3A = arith.constant 0 : index
    %swap3A_15 = arith.constant 0 : index
    %swap3A_16 = vector.load %arg3[%swap3A, %swap3A_15] : memref<1x2048xf32, #tpu.memory_space<vmem>>, vector<1x2048xf32>
    tpu.vector_store %arg3[%swap3A, %swap3A_15], %sub3A_14 {strides = array<i32>} : memref<1x2048xf32, #tpu.memory_space<vmem>>, vector<1x2048xf32>,
    %div3A = arith.constant 1.000000e+00 : f32
    %div3A_17 = vector.broadcast %div3A : f32 to vector<1x2048xf32>
    %div3A_18 = arith.divf %div3A_17, %broadcast_in_dim3A_8 : vector<1x2048xf32>
    %sub3A_19 = arith.constant 1.000000e+00 : f32
    %sub3A_20 = vector.broadcast %sub3A_19 : f32 to vector<1x2048xf32>
    %sub3A_21 = arith.subf %sub3A_20, %div3A_18 : vector<1x2048xf32>
    %swap3A_22 = arith.constant 0 : index
    %swap3A_23 = arith.constant 0 : index
    %swap3A_24 = vector.load %arg4[%swap3A_22, %swap3A_23] : memref<1x2048xf32, #tpu.memory_space<vmem>>, vector<1x2048xf32>
    tpu.vector_store %arg4[%swap3A_22, %swap3A_23], %sub3A_21 {strides = array<i32>} : memref<1x2048xf32, #tpu.memory_space<vmem>>, vector<1x2048xf32>,
    return
  }
  func.func @transform_0(%arg0: i32) -> (i32, i32) {
    %c0_i32 = arith.constant 0 : i32
    %c0_i32_0 = arith.constant 0 : i32
    return %c0_i32, %arg0 : i32, i32
  }
  func.func @transform_1(%arg0: i32) -> (i32, i32) {
    %c0_i32 = arith.constant 0 : i32
    %c0_i32_0 = arith.constant 0 : i32
    return %c0_i32, %arg0 : i32, i32
  }
  func.func @transform_2(%arg0: i32) -> (i32, i32) {
    %c0_i32 = arith.constant 0 : i32
    %c0_i32_0 = arith.constant 0 : i32
    return %c0_i32, %arg0 : i32, i32
  }
  func.func @transform_3(%arg0: i32) -> (i32, i32) {
    %c0_i32 = arith.constant 0 : i32
    %c0_i32_0 = arith.constant 0 : i32
    return %c0_i32, %arg0 : i32, i32
  }
}

module attributes {stable_mosaic.version = 14 : i64} {
  func.func @_select(%arg0: memref<128x128xf32, #tpu.memory_space<vmem>>, %arg1: memref<128x128xf32, #tpu.memory_space<vmem>>, %arg2: memref<128x128xf32, #tpu.memory_space<vmem>>, %arg3: memref<1x1xf32, #tpu.memory_space<vmem>>) attributes {dimension_semantics = [], scalar_prefetch = 0 : i64, scratch_operands = 0 : i64, tpu.core_type = #tpu.core_type<tc>} {
    %get3A = arith.constant 0 : index
    %get3A_0 = arith.constant 0 : index
    %get3A_1 = vector.load %arg0[%get3A, %get3A_0] : memref<128x128xf32, #tpu.memory_space<vmem>>, vector<128x128xf32>
    %get3A_2 = arith.constant 0 : index
    %get3A_3 = arith.constant 0 : index
    %get3A_4 = vector.load %arg1[%get3A_2, %get3A_3] : memref<128x128xf32, #tpu.memory_space<vmem>>, vector<128x128xf32>
    %get3A_5 = arith.constant 0 : index
    %get3A_6 = arith.constant 0 : index
    %get3A_7 = vector.load %arg2[%get3A_5, %get3A_6] : memref<128x128xf32, #tpu.memory_space<vmem>>, vector<128x128xf32>
    %sqrt3A = math.sqrt %get3A_7 : vector<128x128xf32>
    %reduce_sum3A = vector.shape_cast %get3A_1 : vector<128x128xf32> to vector<1x128x128xf32>
    %reduce_sum3A_8 = arith.constant dense<0.000000e+00> : vector<1xf32>
    %reduce_sum3A_9 = vector.multi_reduction <add>, %reduce_sum3A, %reduce_sum3A_8 [1, 2] : vector<1x128x128xf32> to vector<1xf32>
    %reduce_sum3A_10 = vector.shape_cast %reduce_sum3A_9 : vector<1xf32> to vector<1x1x1xf32>
    %reduce_sum3A_11 = vector.extract %reduce_sum3A_10[0, 0, 0] : f32 from vector<1x1x1xf32>
    %div3A = arith.constant 1.638400e+04 : f32
    %div3A_12 = arith.divf %reduce_sum3A_11, %div3A : f32
    %sub3A = vector.broadcast %div3A_12 : f32 to vector<128x128xf32>
    %sub3A_13 = arith.subf %get3A_1, %sub3A : vector<128x128xf32>
    %integer_pow3A = arith.mulf %sub3A_13, %sub3A_13 : vector<128x128xf32>
    %reduce_sum3A_14 = vector.shape_cast %integer_pow3A : vector<128x128xf32> to vector<1x128x128xf32>
    %reduce_sum3A_15 = arith.constant dense<0.000000e+00> : vector<1xf32>
    %reduce_sum3A_16 = vector.multi_reduction <add>, %reduce_sum3A_14, %reduce_sum3A_15 [1, 2] : vector<1x128x128xf32> to vector<1xf32>
    %reduce_sum3A_17 = vector.shape_cast %reduce_sum3A_16 : vector<1xf32> to vector<1x1x1xf32>
    %reduce_sum3A_18 = vector.extract %reduce_sum3A_17[0, 0, 0] : f32 from vector<1x1x1xf32>
    %sub3A_19 = arith.constant 1.638400e+04 : f32
    %sub3A_20 = arith.constant 1.000000e+00 : f32
    %sub3A_21 = arith.subf %sub3A_19, %sub3A_20 : f32
    %div3A_22 = arith.divf %reduce_sum3A_18, %sub3A_21 : f32
    %sqrt3A_23 = math.sqrt %div3A_22 : f32
    %add3A = arith.constant 1.000000e+00 : f32
    %add3A_24 = arith.addf %add3A, %sqrt3A_23 : f32
    %mul3A = arith.constant 2.000000e-01 : f32
    %mul3A_25 = arith.mulf %mul3A, %add3A_24 : f32
    %jit3A = arith.constant 5.000000e-02 : f32
    %jit3A_26 = arith.constant 5.000000e-01 : f32
    %max3A = arith.maximumf %jit3A, %mul3A_25 : f32
    %min3A = arith.minimumf %jit3A_26, %max3A : f32
    %mul3A_27 = arith.constant 1.638400e+04 : f32
    %mul3A_28 = arith.mulf %mul3A_27, %min3A : f32
    %ceil3A = math.ceil %mul3A_28 : f32
    %max3A_29 = arith.constant 1.000000e+00 : f32
    %max3A_30 = arith.maximumf %max3A_29, %ceil3A : f32
    %convert_element_type3A = arith.fptosi %max3A_30 : f32 to i32
    %bitcast_convert_type3A = tpu.bitcast %get3A_1 : vector<128x128xf32> -> vector<128x128xi32>
    %lt3A = arith.constant 0 : i32
    %lt3A_31 = vector.broadcast %lt3A : i32 to vector<128x128xi32>
    %lt3A_32 = arith.cmpi slt, %bitcast_convert_type3A, %lt3A_31 : vector<128x128xi32>
    %xor3A = arith.constant 2147483647 : i32
    %xor3A_33 = vector.broadcast %xor3A : i32 to vector<128x128xi32>
    %xor3A_34 = arith.xori %bitcast_convert_type3A, %xor3A_33 : vector<128x128xi32>
    %select_n3A = arith.select %lt3A_32, %xor3A_34, %bitcast_convert_type3A : vector<128x128xi1>, vector<128x128xi32>
    %scan3A = arith.constant -2147483648 : i32
    %scan3A_35 = arith.constant 0 : i32
    %scan3A_36 = arith.constant 0 : i32
    %scan3A_37 = arith.constant 32 : i32
    %scan3A_38 = arith.addi %scan3A_36, %scan3A_37 : i32
    %scan3A_39 = arith.constant 1 : i32
    %scan3A_40 = scf.for %scan3A_93 = %scan3A_36 to %scan3A_38 step %scan3A_39 iter_args(%scan3A_94 = %scan3A_35) -> (i32)  : i32 {
      %sub3A_95 = arith.constant 31 : i32
      %sub3A_96 = arith.subi %sub3A_95, %scan3A_93 : i32
      %shift_left3A = arith.constant 1 : i32
      %shift_left3A_97 = arith.shli %shift_left3A, %sub3A_96 : i32
      %or3A_98 = arith.ori %scan3A_94, %shift_left3A_97 : i32
      %xor3A_99 = arith.xori %or3A_98, %scan3A : i32
      %ge3A = vector.broadcast %xor3A_99 : i32 to vector<128x128xi32>
      %ge3A_100 = arith.cmpi sge, %select_n3A, %ge3A : vector<128x128xi32>
      %convert_element_type3A_101 = arith.extui %ge3A_100 : vector<128x128xi1> to vector<128x128xi32>
      %reduce_sum3A_102 = vector.shape_cast %convert_element_type3A_101 : vector<128x128xi32> to vector<1x128x128xi32>
      %reduce_sum3A_103 = arith.constant dense<0> : vector<1xi32>
      %reduce_sum3A_104 = vector.multi_reduction <add>, %reduce_sum3A_102, %reduce_sum3A_103 [1, 2] : vector<1x128x128xi32> to vector<1xi32>
      %reduce_sum3A_105 = vector.shape_cast %reduce_sum3A_104 : vector<1xi32> to vector<1x1x1xi32>
      %reduce_sum3A_106 = vector.extract %reduce_sum3A_105[0, 0, 0] : i32 from vector<1x1x1xi32>
      %ge3A_107 = arith.cmpi sge, %reduce_sum3A_106, %convert_element_type3A : i32
      %select_n3A_108 = arith.select %ge3A_107, %or3A_98, %scan3A_94 : i32
      scf.yield %select_n3A_108 : i32
    }
    %scan3A_41 = arith.constant 32 : i32
    %xor3A_42 = arith.constant -2147483648 : i32
    %xor3A_43 = arith.xori %scan3A_40, %xor3A_42 : i32
    %gt3A = vector.broadcast %xor3A_43 : i32 to vector<128x128xi32>
    %gt3A_44 = arith.cmpi sgt, %select_n3A, %gt3A : vector<128x128xi32>
    %convert_element_type3A_45 = arith.extui %gt3A_44 : vector<128x128xi1> to vector<128x128xi32>
    %reduce_sum3A_46 = vector.shape_cast %convert_element_type3A_45 : vector<128x128xi32> to vector<1x128x128xi32>
    %reduce_sum3A_47 = arith.constant dense<0> : vector<1xi32>
    %reduce_sum3A_48 = vector.multi_reduction <add>, %reduce_sum3A_46, %reduce_sum3A_47 [1, 2] : vector<1x128x128xi32> to vector<1xi32>
    %reduce_sum3A_49 = vector.shape_cast %reduce_sum3A_48 : vector<1xi32> to vector<1x1x1xi32>
    %reduce_sum3A_50 = vector.extract %reduce_sum3A_49[0, 0, 0] : i32 from vector<1x1x1xi32>
    %sub3A_51 = arith.subi %convert_element_type3A, %reduce_sum3A_50 : i32
    %eq3A = vector.broadcast %xor3A_43 : i32 to vector<128x128xi32>
    %eq3A_52 = arith.cmpi eq, %select_n3A, %eq3A : vector<128x128xi32>
    %iota3A = tpu.iota {dimensions = array<i32: 0>} : vector<128x128xi32>
    %mul3A_53 = arith.constant 128 : i32
    %mul3A_54 = vector.broadcast %mul3A_53 : i32 to vector<128x128xi32>
    %mul3A_55 = arith.muli %iota3A, %mul3A_54 : vector<128x128xi32>
    %iota3A_56 = tpu.iota {dimensions = array<i32: 1>} : vector<128x128xi32>
    %add3A_57 = arith.addi %mul3A_55, %iota3A_56 : vector<128x128xi32>
    %scan3A_58 = arith.constant 0 : i32
    %scan3A_59 = arith.constant 0 : i32
    %scan3A_60 = arith.constant 14 : i32
    %scan3A_61 = arith.addi %scan3A_59, %scan3A_60 : i32
    %scan3A_62 = arith.constant 1 : i32
    %scan3A_63 = scf.for %scan3A_93 = %scan3A_59 to %scan3A_61 step %scan3A_62 iter_args(%scan3A_94 = %scan3A_58) -> (i32)  : i32 {
      %sub3A_95 = arith.constant 13 : i32
      %sub3A_96 = arith.subi %sub3A_95, %scan3A_93 : i32
      %shift_left3A = arith.constant 1 : i32
      %shift_left3A_97 = arith.shli %shift_left3A, %sub3A_96 : i32
      %or3A_98 = arith.ori %scan3A_94, %shift_left3A_97 : i32
      %lt3A_99 = vector.broadcast %or3A_98 : i32 to vector<128x128xi32>
      %lt3A_100 = arith.cmpi slt, %add3A_57, %lt3A_99 : vector<128x128xi32>
      %and3A_101 = arith.andi %eq3A_52, %lt3A_100 : vector<128x128xi1>
      %convert_element_type3A_102 = arith.extui %and3A_101 : vector<128x128xi1> to vector<128x128xi32>
      %reduce_sum3A_103 = vector.shape_cast %convert_element_type3A_102 : vector<128x128xi32> to vector<1x128x128xi32>
      %reduce_sum3A_104 = arith.constant dense<0> : vector<1xi32>
      %reduce_sum3A_105 = vector.multi_reduction <add>, %reduce_sum3A_103, %reduce_sum3A_104 [1, 2] : vector<1x128x128xi32> to vector<1xi32>
      %reduce_sum3A_106 = vector.shape_cast %reduce_sum3A_105 : vector<1xi32> to vector<1x1x1xi32>
      %reduce_sum3A_107 = vector.extract %reduce_sum3A_106[0, 0, 0] : i32 from vector<1x1x1xi32>
      %lt3A_108 = arith.cmpi slt, %reduce_sum3A_107, %sub3A_51 : i32
      %select_n3A_109 = arith.select %lt3A_108, %or3A_98, %scan3A_94 : i32
      scf.yield %select_n3A_109 : i32
    }
    %scan3A_64 = arith.constant 14 : i32
    %gt3A_65 = vector.broadcast %xor3A_43 : i32 to vector<128x128xi32>
    %gt3A_66 = arith.cmpi sgt, %select_n3A, %gt3A_65 : vector<128x128xi32>
    %le3A = vector.broadcast %scan3A_63 : i32 to vector<128x128xi32>
    %le3A_67 = arith.cmpi sle, %add3A_57, %le3A : vector<128x128xi32>
    %and3A = arith.andi %eq3A_52, %le3A_67 : vector<128x128xi1>
    %or3A = arith.ori %gt3A_66, %and3A : vector<128x128xi1>
    %mul3A_68 = arith.constant 3.000000e-01 : f32
    %mul3A_69 = vector.broadcast %mul3A_68 : f32 to vector<128x128xf32>
    %mul3A_70 = arith.mulf %mul3A_69, %get3A_4 : vector<128x128xf32>
    %add3A_71 = arith.constant 1.000000e+00 : f32
    %add3A_72 = vector.broadcast %add3A_71 : f32 to vector<128x128xf32>
    %add3A_73 = arith.addf %add3A_72, %mul3A_70 : vector<128x128xf32>
    %mul3A_74 = arith.constant 1.000000e+00 : f32
    %mul3A_75 = vector.broadcast %mul3A_74 : f32 to vector<128x128xf32>
    %mul3A_76 = arith.mulf %mul3A_75, %add3A_73 : vector<128x128xf32>
    %mul3A_77 = arith.mulf %get3A_1, %mul3A_76 : vector<128x128xf32>
    %mul3A_78 = arith.constant 1.000000e-01 : f32
    %mul3A_79 = vector.broadcast %mul3A_78 : f32 to vector<128x128xf32>
    %mul3A_80 = arith.mulf %mul3A_79, %sqrt3A : vector<128x128xf32>
    %add3A_81 = arith.addf %mul3A_77, %mul3A_80 : vector<128x128xf32>
    %jit3A_82 = arith.constant 0.000000e+00 : f32
    %broadcast_in_dim3A = vector.broadcast %jit3A_82 : f32 to vector<128x128xf32>
    %select_n3A_83 = arith.select %or3A, %add3A_81, %broadcast_in_dim3A : vector<128x128xi1>, vector<128x128xf32>
    %reduce_sum3A_84 = vector.shape_cast %select_n3A_83 : vector<128x128xf32> to vector<1x128x128xf32>
    %reduce_sum3A_85 = arith.constant dense<0.000000e+00> : vector<1xf32>
    %reduce_sum3A_86 = vector.multi_reduction <add>, %reduce_sum3A_84, %reduce_sum3A_85 [1, 2] : vector<1x128x128xf32> to vector<1xf32>
    %reduce_sum3A_87 = vector.shape_cast %reduce_sum3A_86 : vector<1xf32> to vector<1x1x1xf32>
    %reduce_sum3A_88 = vector.extract %reduce_sum3A_87[0, 0, 0] : f32 from vector<1x1x1xf32>
    %convert_element_type3A_89 = arith.sitofp %convert_element_type3A : i32 to f32
    %div3A_90 = arith.divf %reduce_sum3A_88, %convert_element_type3A_89 : f32
    %reshape3A = vector.broadcast %div3A_90 : f32 to vector<1x1xf32>
    %swap3A = arith.constant 0 : index
    %swap3A_91 = arith.constant 0 : index
    %swap3A_92 = vector.load %arg3[%swap3A, %swap3A_91] : memref<1x1xf32, #tpu.memory_space<vmem>>, vector<1x1xf32>
    tpu.vector_store %arg3[%swap3A, %swap3A_91], %reshape3A {strides = array<i32>} : memref<1x1xf32, #tpu.memory_space<vmem>>, vector<1x1xf32>,
    return
  }
}

</mosaic_0001>

<sc_bundles>
// kernel: kernel.5.cloned.1.call-start
scs
__scs_entry_jumppad:
0x0: {  	(pc) =	sbr.rel $0x88, $3  }
0x1: {  	(tag) =	ssettag $0x0;
	lr =	simm.s32 $0x1  }
0x2: {  	[smem:$0x3F9E] =	sst lr;
	_ =	strace $0xD0000000  }
0x3: {  	_ = 	snop  }
0x4: {  	_ = 	snop  }
0x5: {  	_ = 	snop  }
0x6: {  	_ = 	snop  }
0x7: {  	_ = 	snop  }
__scs_overlays_trampoline_lowered:
0x8: {  	[smem:$0x3FAD] =	sst s0  }
0x9: {  	[smem:$0x3FAE] =	sst s1  }
0xa: {  	[smem:$0x3FAF] =	sst s2  }
0xb: {  	[smem:$0x3FB0] =	sst s3  }
0xc: {  	[smem:$0x3FB1] =	sst s4  }
0xd: {  	[smem:$0x3FB2] =	sst s5  }
0xe: {  	[smem:$0x3FB3] =	sst s6  }
0xf: {  	[smem:$0x3FB4] =	sst s7  }
0x10: {  	[smem:$0x3FB5] =	sst s8  }
0x11: {  	[smem:$0x3FB6] =	sst s9;
	s0 =	simm.s32 @!p0 $0x0  }
0x12: {  	s1 =	sld [smem:$0x3F9C];
	s0 =	simm.s32 @p0 $0x1  }
0x13: {  	[smem:$0x3FB7] =	sst s0;
	s0 =	simm.s32 @!p1 $0x0  }
0x14: {  	s2 =	sld [smem:$0x3F9B];
	s0 =	simm.s32 @p1 $0x1  }
0x15: {  	[smem:$0x3FB8] =	sst s0;
	s0 =	simm.s32 @!p2 $0x0  }
0x16: {  	s3 =	sld [smem:$0x3FDB];
	s0 =	simm.s32 @p2 $0x1  }
0x17: {  	s4 =	simm.s32 $0x1BF5;
	[smem:$0x3FBA] =	sst s0  }
0x18: {  	s0 =	sld [smem:$0x3F9D];
	_ =	swait.ge [sflag:s4], $0x0  }
0x19: {  	s7 =	sld [smem:$0x3F9E]  }
0x1a: {  	s8 =	sadd.s32 $0xFFFFE003, lr  }
0x1b: {  	s9 =	sadd.s32 $0xFFFFFEF7, lr;
	s5 =	simm.s32 $0xFFFFFFFF;
	p2 =	slt.u32 s8, $0xFFFFF086  }
0x1c: {  	p1 =	slt.u32 s9, $0xF7A;
	s5 =	simm.s32 @!p2 $0x0  }
0x1d: {  	s5 =	simm.s32 @p1 $0x1;
	p0 =	seq.s32 s7, s2  }
0x1e: {  	s7 =	smul.u32 @!p0 $0xF7A, s2;
	p2 =	seq.s32 @!p0 s5, $0x0  }
0x1f: {  	s9 =	smul.u32 $0xF7A, s1;
	s8 =	simm.s32 @!p0 $0x1BF5;
	p2 =	por !p2, p0  }
0x20: {  	[sflag:s8] =	ssyncset.s32 @!p0 $0xFFFFF086;
	s6 =	sadd.s32 @!p0 s3, s7;
	s7 =	simm.s32 @!p0 $0x108  }
0x21: {  	s3 =	sadd.s32 s3, s9;
	s6 =	sadd.s32 @!p0 $0x88, s6;
	s7 =	simm.s32 @p2 $0x1082  }
0x22: {  	[simem:s7], [sflag:s8] =	dma.local @!p0 [hbm:s6], $0xF7A  }
0x23: {  	s9 =	sor.u32 $0xD0000000, s2;
	s6 =	simm.s32 $0x108;
	_ =	swait.ge @!p0 [sflag:s8], $0x0  }
0x24: {  	s3 =	sadd.s32 $0x88, s3;
	s6 =	simm.s32 @!p1 $0x1082;
	[sflag:s4] =	ssyncset.s32 $0xFFFFF086  }
0x25: {  	[simem:s6], [sflag:s4] =	dma.local [hbm:s3], $0xF7A  }
0x26: {  	[smem:$0x3F9E] =	sst s1;
	(tag) =	ssettag s2;
	_ =	strace s9  }
0x27: {  	s1 =	sld [smem:$0x3FAE]  }
0x28: {  	s2 =	sld [smem:$0x3FAF]  }
0x29: {  	s4 =	sld [smem:$0x3FB1]  }
0x2a: {  	p0 =	seq.s32 s5, $0x0;
	s5 =	sld [smem:$0x3FB2]  }
0x2b: {  	s6 =	sld [smem:$0x3FB3]  }
0x2c: {  	s7 =	sld [smem:$0x3FB4]  }
0x2d: {  	s3 =	simm.s32 $0x108;
	s8 =	sld [smem:$0x3FB5]  }
0x2e: {  	s3 =	simm.s32 @!p0 $0x1082;
	s9 =	sld [smem:$0x3FB6]  }
0x2f: {  	lr =	sadd.s32 s0, s3;
	s0 =	sld [smem:$0x3FAD]  }
0x30: {  	s3 =	sld [smem:$0x3FB0]  }
0x31: {  	[smem:$0x3FB9] =	sst s10  }
0x32: {  	s10 =	sld [smem:$0x3FB7];
	_ =	sdelay $0x3  }
0x33: {  	p0 =	seq.s32 s10, $0x1;
	s10 =	sld [smem:$0x3FB9];
	_ =	sdelay $0x3  }
0x34: {  	[smem:$0x3FB9] =	sst s10  }
0x35: {  	s10 =	sld [smem:$0x3FB8];
	_ =	sdelay $0x3  }
0x36: {  	p1 =	seq.s32 s10, $0x1;
	s10 =	sld [smem:$0x3FB9];
	_ =	sdelay $0x3  }
0x37: {  	[smem:$0x3FB9] =	sst s10  }
0x38: {  	s10 =	sld [smem:$0x3FBA]  }
0x39: {  	_ = 	snop;
	(pc) =	sbr.ind lr, $3  }
0x3a: {  	_ = 	snop  }
0x3b: {  	_ = 	snop  }
0x3c: {  	p2 =	seq.s32 s10, $0x1;
	s10 =	sld [smem:$0x3FB9]  }
0x3d: {  	_ =	shalt  }
0x3e: {  	_ =	shalt  }
0x3f: {  	_ =	shalt  }
0x40: {  	_ =	shalt  }
0x41: {  	_ =	shalt  }
0x42: {  	_ =	shalt  }
0x43: {  	_ =	shalt  }
0x44: {  	_ =	shalt  }
0x45: {  	_ =	shalt  }
0x46: {  	_ =	shalt  }
0x47: {  	_ =	shalt  }
0x48: {  	_ =	shalt  }
0x49: {  	_ =	shalt  }
0x4a: {  	_ =	shalt  }
0x4b: {  	_ =	shalt  }
0x4c: {  	_ =	shalt  }
0x4d: {  	_ =	shalt  }
0x4e: {  	_ =	shalt  }
0x4f: {  	_ =	shalt  }
0x50: {  	_ =	shalt  }
0x51: {  	_ =	shalt  }
0x52: {  	_ =	shalt  }
0x53: {  	_ =	shalt  }
0x54: {  	_ =	shalt  }
0x55: {  	_ =	shalt  }
0x56: {  	_ =	shalt  }
0x57: {  	_ =	shalt  }
0x58: {  	_ =	shalt  }
0x59: {  	_ =	shalt  }
0x5a: {  	_ =	shalt  }
0x5b: {  	_ =	shalt  }
0x5c: {  	_ =	shalt  }
0x5d: {  	_ =	shalt  }
0x5e: {  	_ =	shalt  }
0x5f: {  	_ =	shalt  }
0x60: {  	_ =	shalt  }
0x61: {  	_ =	shalt  }
0x62: {  	_ =	shalt  }
0x63: {  	_ =	shalt  }
0x64: {  	_ =	shalt  }
0x65: {  	_ =	shalt  }
0x66: {  	_ =	shalt  }
0x67: {  	_ =	shalt  }
0x68: {  	_ =	shalt  }
0x69: {  	_ =	shalt  }
0x6a: {  	_ =	shalt  }
0x6b: {  	_ =	shalt  }
0x6c: {  	_ =	shalt  }
0x6d: {  	_ =	shalt  }
0x6e: {  	_ =	shalt  }
0x6f: {  	_ =	shalt  }
0x70: {  	_ =	shalt  }
0x71: {  	_ =	shalt  }
0x72: {  	_ =	shalt  }
0x73: {  	_ =	shalt  }
0x74: {  	_ =	shalt  }
0x75: {  	_ =	shalt  }
0x76: {  	_ =	shalt  }
0x77: {  	_ =	shalt  }
0x78: {  	_ =	shalt  }
0x79: {  	_ =	shalt  }
0x7a: {  	_ =	shalt  }
0x7b: {  	_ =	shalt  }
0x7c: {  	_ =	shalt  }
0x7d: {  	_ =	shalt  }
0x7e: {  	_ =	shalt  }
0x7f: {  	_ =	shalt  }
0x80: {  	_ =	shalt  }
0x81: {  	_ =	shalt  }
0x82: {  	_ =	shalt  }
0x83: {  	_ =	shalt  }
0x84: {  	_ =	shalt  }
0x85: {  	_ =	shalt  }
0x86: {  	_ =	shalt  }
0x87: {  	_ =	shalt  }
.Lfunc_end0:
.L_simem_size_0:
called_computation_lowered:
.L_overlay_start_0:
0x88: {  	s2 =	sld [smem:$0x3FD9]  }
0x89: {  	s3 =	sld [smem:$0x3FFE];
	_ =	sdelay $0x1  }
0x8a: {  	s1 =	srdreg.scid  }
0x8b: {  	s0 =	sand.u32 $0x1, s1  }
0x8c: {  	s17 =	sshll.u32 s0, $0xA;
	s2 =	sadd.s32 s3, s2  }
0x8d: {  	s2 =	sadd.s32 s2, s17  }
0x8e: {  	[smem:$0x3FC5] =	sst s2  }
0x8f: {  	_ = 	snop  }
0x90: {  	s2 =	sld [smem:$0x3FC7];
	(tm) =	ssettm $0x1  }
0x91: {  	s18 =	sld [smem:$0x3FFB];
	_ =	sdelay $0x3  }
0x92: {  	_ =	strace s18  }
0x93: {  	s3 =	sld [smem:$0x3FFC];
	_ =	sdelay $0x3  }
0x94: {  	_ =	strace s3  }
0x95: {  	s3 =	sld [smem:$0x3FFD];
	_ =	sdelay $0x3  }
0x96: {  	_ =	strace s3  }
0x97: {  	_ =	strace $0x8FFFFFFF  }
0x98: {  	s19 =	sld [smem:$0x3FDB];
	_ =	sdelay $0x1  }
0x99: {  	s4 =	simm.s32 $_scs_section_size  }
0x9a: {  	s5 =	simm.s32 $_size__tile_overlayer_lowered;
	s6 =	simm.s32 $_tile_overlayer_lowered  }
0x9b: {  	s22 =	simm.s32 $0x1BFF;
	s21 =	sshll.u32 s6, $0x1;
	s3 =	sadd.s32 s4, s19  }
0x9c: {  	s7 =	simm.s32 $0x0;
	s20 =	sshll.u32 s5, $0x1;
	s5 =	sadd.s32 s21, s3  }
0x9d: {  	[timem:s7], [sflag:s22] =	dma.local [hbm:s5], s20  }
0x9e: {  	_ =	swait.ge [sflag:s22], s20  }
0x9f: {  	s4 =	ssub.s32 $0x0, s20;
	[sflag:s22] =	ssyncset.done $0x0  }
0xa0: {  	[sflag:s22] =	ssyncadd.s32 s4;
	_ =	sdelay $0x1  }
0xa1: {  	s23 =	simm.s32 $0x1B8B  }
0xa2: {  	_ =	swait.ge [sflag:s23], $0x1  }
0xa3: {  	[sflag:s23] =	ssyncset.done $0x0  }
0xa4: {  	s25 =	simm.s32 $0x1B8E;
	s24 =	sld [smem:$0x3FFE];
	[sflag:s23] =	ssyncadd.s32 $0xFFFFFFFF  }
0xa5: {  	s26 =	simm.s32 $execute0_lowered;
	[smem:$0x3FD2] =	sst s25  }
0xa6: {  	s5 =	sshll.u32 s26, $0x1;
	_ =	strace $0x80000046;
	[dreg:$0x1] =	wrdreg $0xFFFFFFFF  }
0xa7: {  	s28 =	simm.s32 $_size_execute0_lowered;
	s3 =	sadd.s32 s3, s5;
	[dreg:$0x0] =	wrdreg $0x0  }
0xa8: {  	s5 =	sshll.u32 s28, $0x1;
	[dreg:$0x2] =	wrdreg s3  }
0xa9: {  	[dreg:$0x3] =	wrdreg s5  }
0xaa: {  	[dreg:$0x4] =	wrdreg $0xC0  }
0xab: {  	_ =	task [dreg:s7], $0x5FFFF  }
0xac: {  	[dreg:$0x1] =	wrdreg $0xFFFFFFFF  }
0xad: {  	[dreg:$0x0] =	wrdreg $0x60  }
0xae: {  	[dreg:$0x2] =	wrdreg s2  }
0xaf: {  	[dreg:$0x3] =	wrdreg s24  }
0xb0: {  	[dreg:$0x4] =	wrdreg $0x9  }
0xb1: {  	_ =	task.clear_ibuf [dreg:s7], $0x5FFFF;
	_ =	strace $0x90000046  }
0xb2: {  	s29 =	simm.s32 $0x9;
	_ =	strace $0x80000048  }
0xb3: {  	_ =	swait.ge [sflag:s29], $0x1  }
0xb4: {  	[sflag:s29] =	ssyncadd.s32 $0xFFFFFFFF  }
0xb5: {  	_ =	strace $0x90000048  }
0xb6: {  	_ =	sfence  }
0xb7: {  	s30 =	sld [smem:$0x0];
	_ =	sdelay $0x2  }
0xb8: {  	s31 =	sshll.u32 s1, $0xD;
	s1 =	sshrl.u32 s1, $0x2  }
0xb9: {  	s3 =	sand.u32 $0x4000, s31;
	s1 =	sadd.s32 s1, s30  }
0xba: {  	s0 =	sor.u32 s3, s0;
	s1 =	sshll.u32 s1, $0x11  }
0xbb: {  	s0 =	sor.u32 s1, s0  }
0xbc: {  	s0 =	sadd.s32 $0x8F2B, s0  }
0xbd: {  	[sflag:s0] =	ssyncadd.remote.s32 $0x1  }
0xbe: {  	_ =	sfence.sel $0xFFFF  }
0xbf: {  	[dreg:$0x0] =	wrdreg $0xFFFFFFFF;
	(pc) =	sbr.abs _section_cstart, $3  }
0xc0: {  	[dreg:$0x1] =	wrdreg $0xFFFFFFFF  }
0xc1: {  	_ =	task.clear_ibuf [dreg:s7], $0x2FFFF;
	_ =	strace $0x9FFFFFFF  }
0xc2: {  	(tm) =	ssettm $0x7FFFFFFF  }
0xc3: {  	_ =	shalt  }
tec
execute0_lowered:
.L_overlay_start_1:
0x0: {  	(tag) =	ssettag $0x1  }
0x1: {  	v0 =	vimm.s32 $0xFEDCBA98;
	v1 =	vimm.s32 $0x76543210  }
0x2: {  	v2 =	vimm.s32 $0x3210FEDC;
	v3 =	vimm.s32 $0xBA987654;
	v4 =	vimm.s32 $0x10FEDCBA  }
0x3: {  	v5 =	vimm.s32 $0x98765432;
	v6 =	vimm.s32 $0xFEDCBA9;
	v7 =	vimm.s32 $0x87654321  }
0x4: {  	vm0 =	vmmov $0x1;
	vm1 =	vmmov $0x3;
	vm2 =	vmmov $0x7  }
0x5: {  	vm3 =	vmmov $0xf;
	vm4 =	vmmov $0x1f;
	vm5 =	vmmov $0x3f  }
0x6: {  	vm6 =	vmmov $0x7f;
	vm7 =	vmmov $0xff;
	vm8 =	vmmov $0x1ff  }
0x7: {  	vm9 =	vmmov $0x3ff;
	vm10 =	vmmov $0x7ff;
	vm11 =	vmmov $0xfff  }
0x8: {  	s3 =	rddreg [dreg:$0x0];
	v0 =	vunpack.c.l.s4.s8 v0;
	v1 =	vunpack.c.l.s4.s8 v1;
	v2 =	vunpack.c.l.s4.s8 v2  }
0x9: {  	s4 =	rddreg [dreg:$0x1];
	s2 =	srdreg.scid;
	v3 =	vunpack.c.l.s4.s8 v3;
	v4 =	vunpack.c.l.s4.s8 v4;
	v5 =	vunpack.c.l.s4.s8 v5  }
0xa: {  	s0 =	rddreg [dreg:$0x2];
	s1 =	stileid.u32;
	v6 =	vunpack.c.l.s4.s8 v6;
	v7 =	vunpack.c.l.s4.s8 v7;
	s5 =	sand.u32 $0x1, s2;
	v0 =	vunpack.c.0.s8.s32 v0  }
0xb: {  	s2 =	simm.s32 $0x0;
	s6 =	sshll.u32 s1, $0xA;
	s7 =	sshll.u32 s5, $0x9;
	v2 =	vunpack.c.0.s8.s32 v2;
	v3 =	vunpack.c.0.s8.s32 v3;
	v4 =	vunpack.c.0.s8.s32 v4  }
0xc: {  	[smem:$0x7FF] =	sst s2;
	s5 =	ssub.s32 $0x2, s5;
	v5 =	vunpack.c.0.s8.s32 v5;
	v6 =	vunpack.c.0.s8.s32 v6;
	v7 =	vunpack.c.0.s8.s32 v7;
	s6 =	sor.u32 s7, s6  }
0xd: {  	vm12 =	vmmov $0x1fff;
	v1 =	vunpack.c.0.s8.s32 v1;
	_ =	strace $0x80000047;
	s8 =	sshrl.u32 s5, $0x1;
	s7 =	sshrl.u32 s6, $0x3;
	v2 =	vcombine.low v3, v2  }
0xe: {  	s5 =	ssub.s32 s5, s8;
	s6 =	sshll.u32 s6, $0x4;
	s8 =	simm.s32 $0x0;
	v3 =	vcombine.low v5, v4;
	v4 =	vcombine.low v7, v6;
	v0 =	vand.u32 $0xF, v0  }
0xf: {  	vm13 =	vmmov $0x3fff;
	vm14 =	vmmov $0x7fff;
	s4 =	sadd.s32 s7, s4;
	s3 =	sadd.s32 s3, s6;
	s5 =	smax.u32 s5, $0x1;
	v0 =	vcombine.low v0, v1  }
0x10: {  	s6 =	simm.s32 $0x1;
	s7 =	simm.s32 $0x10000;
	s4 =	sadd.s32 $0xA00, s4;
	v1 =	vand.u32 $0xF, v2;
	v2 =	vand.u32 $0xF, v3;
	v3 =	vand.u32 $0xF, v4  }
.LBB2_1:
0x11: {  	[tilespmem:s2], [sflag:$0x1] =	stream.linear.gather [hbm4b:s3+s2], $0x10000, $0x38;
	[tilespmem:$0x10200] =	vst v63  }
0x12: {  	_ =	swait.ge [sflag:s6], $0x10000  }
0x13: {  	[sflag:s6] =	ssyncset.done $0x0  }
0x14: {  	s9 =	simm.s32 $0x400;
	[sflag:s6] =	ssyncadd.s32 $0xFFFF0000  }
0x15: {  	v4 =	vld [tilespmem:s9+$0x3F0]  }
0x16: {  	v5 =	vld [tilespmem:s9+$0x370]  }
0x17: {  	v6 =	vld [tilespmem:s9+$0x3E0]  }
0x18: {  	v7 =	vld [tilespmem:s9+$0x2F0]  }
0x19: {  	v8 =	vld [tilespmem:s9+$0x360]  }
0x1a: {  	v9 =	vld [tilespmem:s9+$0x3D0]  }
0x1b: {  	v10 =	vld [tilespmem:s9+$0x270]  }
0x1c: {  	v11 =	vld [tilespmem:s9+$0x2E0]  }
0x1d: {  	v12 =	vld [tilespmem:s9+$0x350]  }
0x1e: {  	v13 =	vld [tilespmem:s9+$0x3C0]  }
0x1f: {  	v14 =	vld [tilespmem:s9+$0x1F0]  }
0x20: {  	v15 =	vld [tilespmem:s9+$0x260]  }
0x21: {  	v16 =	vld [tilespmem:s9+$0x2D0]  }
0x22: {  	v17 =	vld [tilespmem:s9+$0x340]  }
0x23: {  	v18 =	vld [tilespmem:s9+$0x3B0]  }
0x24: {  	v19 =	vld [tilespmem:s9+$0x170]  }
0x25: {  	v20 =	vld [tilespmem:s9+$0x1E0]  }
0x26: {  	v21 =	vld [tilespmem:s9+$0x250]  }
0x27: {  	v22 =	vld [tilespmem:s9+$0x2C0]  }
0x28: {  	v23 =	vld [tilespmem:s9+$0x330]  }
0x29: {  	v24 =	vld [tilespmem:s9+$0x3A0]  }
0x2a: {  	v25 =	vld [tilespmem:s9+$0xF0]  }
0x2b: {  	v26 =	vld [tilespmem:s9+$0x160]  }
0x2c: {  	v27 =	vld [tilespmem:s9+$0x1D0]  }
0x2d: {  	v28 =	vld [tilespmem:s9+$0x240]  }
0x2e: {  	v29 =	vld [tilespmem:s9+$0x2B0]  }
0x2f: {  	v30 =	vld [tilespmem:s9+$0x320]  }
0x30: {  	v31 =	vld [tilespmem:s9+$0x380]  }
0x31: {  	v32 =	vld [tilespmem:s9+$0x390]  }
0x32: {  	v33 =	vld [tilespmem:s9+$0x70]  }
0x33: {  	v34 =	vld [tilespmem:s9+$0xE0]  }
0x34: {  	v35 =	vld [tilespmem:s9+$0x150];
	v4 =	vmul.f32 v4, v4  }
0x35: {  	v36 =	vld [tilespmem:s9+$0x1C0];
	v5 =	vmul.f32 v5, v5;
	v6 =	vmul.f32 v6, v6  }
0x36: {  	v37 =	vld [tilespmem:s9+$0x230];
	v31 =	vmul.f32 v31, v31;
	v32 =	vmul.f32 v32, v32  }
0x37: {  	v39 =	vld [tilespmem:s9+$0x300];
	v7 =	vmul.f32 v7, v7;
	v8 =	vmul.f32 v8, v8  }
0x38: {  	v40 =	vld [tilespmem:s9+$0x310];
	v24 =	vmul.f32 v24, v24;
	v9 =	vmul.f32 v9, v9  }
0x39: {  	v38 =	vld [tilespmem:s9+$0x2A0];
	v41 =	vmul.f32 v10, v10;
	v42 =	vmul.f32 v11, v11  }
0x3a: {  	v48 =	vld [tilespmem:s9+$0xFFFFFFF0];
	v12 =	vmul.f32 v12, v12;
	v18 =	vmul.f32 v18, v18  }
0x3b: {  	v43 =	vld [tilespmem:s9+$0x200];
	v13 =	vmul.f32 v13, v13;
	v15 =	vmul.f32 v15, v15  }
0x3c: {  	v49 =	vld [tilespmem:s9+$0x220];
	v16 =	vmul.f32 v16, v16;
	v39 =	vmul.f32 v39, v39  }
0x3d: {  	v50 =	vld [tilespmem:s9+$0x1B0];
	v40 =	vmul.f32 v40, v40;
	v17 =	vmul.f32 v17, v17;
	v31 =	vadd.f32 v32, v31  }
0x3e: {  	v11 =	vld [tilespmem:s9+$0x280];
	v20 =	vmul.f32 v20, v20;
	v30 =	vmul.f32 v30, v30  }
0x3f: {  	v39 =	vadd.f32 v40, v39;
	v10 =	vadd.f32 v24, v31;
	v24 =	vmul.f32 v14, v14;
	v14 =	vld [tilespmem:s9+$0x290]  }
0x40: {  	v45 =	vld [tilespmem:s9+$0x90];
	v21 =	vmul.f32 v21, v21;
	v23 =	vmul.f32 v23, v23  }
0x41: {  	v51 =	vmul.f32 v43, v43;
	v22 =	vmul.f32 v22, v22;
	v43 =	vld [tilespmem:s9+$0xFFFFFE20];
	v30 =	vadd.f32 v30, v39  }
0x42: {  	v26 =	vmul.f32 v26, v26;
	v18 =	vadd.f32 v18, v10;
	v10 =	vmul.f32 v19, v19;
	v19 =	vld [tilespmem:s9+$0x210]  }
0x43: {  	v27 =	vmul.f32 v27, v27;
	v33 =	vmul.f32 v33, v33;
	v31 =	vld [tilespmem:s9+$0x60];
	v23 =	vadd.f32 v23, v30  }
0x44: {  	v11 =	vmul.f32 v11, v11;
	v30 =	vld [tilespmem:s9+$0xFFFFFFE0];
	v13 =	vadd.f32 v13, v18;
	v14 =	vmul.f32 v14, v14  }
0x45: {  	v35 =	vmul.f32 v35, v35;
	v45 =	vmul.f32 v45, v45;
	v17 =	vadd.f32 v17, v23;
	v23 =	vld [tilespmem:s9+$0x180]  }
0x46: {  	v53 =	vld [tilespmem:s9+$0x190];
	v9 =	vadd.f32 v9, v13;
	v11 =	vadd.f32 v14, v11;
	v14 =	vmul.f32 v38, v38  }
0x47: {  	v54 =	vld [tilespmem:s9+$0x40];
	v43 =	vmul.f32 v43, v43;
	v12 =	vadd.f32 v12, v17;
	v19 =	vmul.f32 v19, v19  }
0x48: {  	v18 =	vld [tilespmem:s9+$0xD0];
	v31 =	vmul.f32 v31, v31;
	v6 =	vadd.f32 v6, v9;
	v11 =	vadd.f32 v14, v11  }
0x49: {  	v17 =	vld [tilespmem:s9+$0xC0];
	v14 =	vmul.f32 v29, v29;
	v19 =	vadd.f32 v19, v51;
	v29 =	vmul.f32 v49, v49  }
0x4a: {  	v59 =	vld [tilespmem:s9+$0x30];
	v30 =	vmul.f32 v30, v30;
	v23 =	vmul.f32 v23, v23;
	v4 =	vadd.f32 v4, v6  }
0x4b: {  	v61 =	vld [tilespmem:s9+$0xA0];
	v14 =	vadd.f32 v14, v11;
	v19 =	vadd.f32 v29, v19;
	v29 =	vmul.f32 v37, v37  }
0x4c: {  	v8 =	vadd.f32 v8, v12;
	v6 =	vld [tilespmem:s9+$0x50];
	v11 =	vmul.f32 v25, v25;
	v52 =	vperm.xlane v4, v0  }
0x4d: {  	v25 =	vmul.f32 v28, v28;
	v14 =	vadd.f32 v22, v14;
	v22 =	vld [tilespmem:s9+$0x1A0];
	v19 =	vadd.f32 v29, v19  }
0x4e: {  	v18 =	vmul.f32 v18, v18;
	v28 =	vld [tilespmem:s9+$0x130];
	v17 =	vmul.f32 v17, v17;
	v4 =	vadd.f32 v4, v52  }
0x4f: {  	v63 =	vld [tilespmem:s9+$0x110];
	v37 =	vmul.f32 v54, v54;
	v12 =	vadd.f32 v16, v14;
	v14 =	vadd.f32 v25, v19  }
0x50: {  	v5 =	vadd.f32 v5, v8;
	v29 =	vld [tilespmem:s9+$0xFFFFFFD0];
	v25 =	vmul.f32 v53, v53;
	v8 =	vperm.xlane v4, v1  }
0x51: {  	v44 =	vld [tilespmem:s9+$0xFFFFFE60];
	v49 =	vmul.f32 v6, v6;
	v12 =	vadd.f32 v42, v12;
	v14 =	vadd.f32 v21, v14  }
0x52: {  	v19 =	vld [tilespmem:s9+$0xFFFFFF60];
	v4 =	vadd.f32 v4, v8;
	v8 =	vadd.f32 v25, v23;
	v22 =	vmul.f32 v22, v22  }
0x53: {  	v40 =	vld [tilespmem:s9+$0xFFFFFEE0];
	v28 =	vmul.f32 v28, v28;
	v21 =	vperm.xlane v5, v0;
	v7 =	vadd.f32 v7, v12  }
0x54: {  	v13 =	vld [tilespmem:s9+$0x140];
	v12 =	vadd.f32 v15, v14;
	v14 =	vmul.f32 v50, v50;
	v8 =	vadd.f32 v22, v8  }
0x55: {  	v42 =	vmul.f32 v63, v63;
	v23 =	vld [tilespmem:s9+$0xB0];
	v29 =	vmul.f32 v29, v29;
	v5 =	vadd.f32 v5, v21  }
0x56: {  	v38 =	vld [tilespmem:s9+$0xFFFFFED0];
	v15 =	vperm.xlane v4, v2;
	v8 =	vadd.f32 v14, v8;
	v14 =	vmul.f32 v36, v36  }
0x57: {  	v9 =	vld [tilespmem:s9+$0xFFFFFF70];
	v19 =	vmul.f32 v19, v19;
	v22 =	vperm.xlane v7, v0  }
0x58: {  	v21 =	vld [tilespmem:s9+$0x120];
	v55 =	vadd.f32 v41, v12;
	v56 =	vperm.xlane v5, v1;
	v8 =	vadd.f32 v14, v8  }
0x59: {  	v16 =	vld [tilespmem:s9+$0xFFFFFEF0];
	v41 =	vmul.f32 v61, v61;
	v7 =	vadd.f32 v7, v22;
	v22 =	vmul.f32 v34, v34  }
0x5a: {  	v57 =	vperm.xlane v55, v0;
	v23 =	vmul.f32 v23, v23;
	v8 =	vadd.f32 v27, v8;
	v27 =	vld [tilespmem:s9+$0x100]  }
0x5b: {  	v50 =	vld [tilespmem:s9+$0x80];
	v4 =	vadd.f32 v4, v15;
	v14 =	vmul.f32 v48, v48;
	v58 =	vperm.xlane v7, v1  }
0x5c: {  	v52 =	vld [tilespmem:s9+$0xFFFFFF90];
	v48 =	vmul.f32 v13, v13;
	v34 =	vadd.f32 v55, v57;
	v8 =	vadd.f32 v20, v8  }
0x5d: {  	v15 =	vld [tilespmem:s9+$0x10];
	v13 =	vmul.f32 v9, v9;
	v21 =	vmul.f32 v21, v21;
	v7 =	vadd.f32 v7, v58  }
0x5e: {  	v62 =	vperm.xlane v34, v1;
	v24 =	vadd.f32 v24, v8;
	v8 =	vmul.f32 v16, v16;
	v16 =	vld [tilespmem:s9+$0x0]  }
0x5f: {  	v51 =	vld [tilespmem:s9+$0xFFFFFF40];
	v5 =	vadd.f32 v5, v56;
	v20 =	vperm.xlane v7, v2;
	v27 =	vmul.f32 v27, v27  }
0x60: {  	v12 =	vld [tilespmem:s9+$0xFFFFFF50];
	v39 =	vmul.f32 v50, v50;
	v9 =	vadd.f32 v34, v62;
	v47 =	vperm.xlane v24, v0  }
0x61: {  	v60 =	vperm.xlane v5, v2;
	v6 =	vadd.f32 v7, v20;
	v20 =	vld [tilespmem:s9+$0x20];
	v27 =	vadd.f32 v42, v27  }
0x62: {  	v53 =	vld [tilespmem:s9+$0xFFFFFFB0];
	v57 =	vmul.f32 v52, v52;
	v46 =	vperm.xlane v9, v2;
	v24 =	vadd.f32 v24, v47  }
0x63: {  	v25 =	vld [tilespmem:s9+$0xFFFFFE70];
	v15 =	vmul.f32 v15, v15;
	v21 =	vadd.f32 v21, v27;
	v16 =	vmul.f32 v16, v16  }
0x64: {  	v39 =	vadd.f32 v45, v39;
	v7 =	vadd.f32 v9, v46;
	v9 =	vld [tilespmem:s9+$0xFFFFFF80];
	v27 =	vperm.xlane v24, v1  }
0x65: {  	v50 =	vld [tilespmem:s9+$0xFFFFFE90];
	v12 =	vmul.f32 v12, v12;
	v21 =	vadd.f32 v28, v21;
	v15 =	vadd.f32 v15, v16  }
0x66: {  	v16 =	vmul.f32 v20, v20;
	v20 =	vadd.f32 v41, v39;
	v24 =	vadd.f32 v24, v27;
	v27 =	vld [tilespmem:s9+$0xFFFFFFA0]  }
0x67: {  	v36 =	vld [tilespmem:s9+$0xFFFFFFC0];
	v5 =	vadd.f32 v5, v60;
	v58 =	vmul.f32 v53, v53;
	v21 =	vadd.f32 v48, v21  }
0x68: {  	v61 =	vld [tilespmem:s9+$0xFFFFFE40];
	v15 =	vadd.f32 v16, v15;
	v16 =	vmul.f32 v59, v59;
	v20 =	vadd.f32 v23, v20  }
0x69: {  	v56 =	vmul.f32 v9, v9;
	v9 =	vmul.f32 v25, v25;
	v25 =	vld [tilespmem:s9+$0xFFFFFF10];
	v21 =	vadd.f32 v35, v21  }
0x6a: {  	v45 =	vmul.f32 v50, v50;
	v23 =	vld [tilespmem:s9+$0xFFFFFF00];
	v15 =	vadd.f32 v16, v15;
	v17 =	vadd.f32 v17, v20  }
0x6b: {  	v32 =	vadd.f32 v57, v56;
	v27 =	vmul.f32 v27, v27;
	v21 =	vadd.f32 v26, v21;
	v26 =	vld [tilespmem:s9+$0xFFFFFF20]  }
0x6c: {  	v59 =	vmul.f32 v36, v36;
	v15 =	vadd.f32 v37, v15;
	v17 =	vadd.f32 v18, v17;
	v18 =	vld [tilespmem:s9+$0xFFFFFF30]  }
0x6d: {  	v55 =	vld [tilespmem:s9+$0xFFFFFE50];
	v54 =	vperm.xlane v24, v2;
	v27 =	vadd.f32 v27, v32;
	v10 =	vadd.f32 v10, v21  }
0x6e: {  	v62 =	vld [tilespmem:s9+$0xFFFFFEA0];
	v16 =	vmul.f32 v40, v40;
	v15 =	vadd.f32 v49, v15;
	v17 =	vadd.f32 v22, v17  }
0x6f: {  	v60 =	vld [tilespmem:s9+$0xFFFFFDD0];
	v22 =	vmul.f32 v23, v23;
	v23 =	vmul.f32 v25, v25;
	v25 =	vadd.f32 v58, v27  }
0x70: {  	v34 =	vld [tilespmem:s9+$0xFFFFFD90];
	v15 =	vadd.f32 v31, v15;
	v11 =	vadd.f32 v11, v17;
	v17 =	vperm.xlane v10, v0  }
0x71: {  	v20 =	vld [tilespmem:s9+$0xFFFFFEC0];
	v22 =	vadd.f32 v23, v22;
	v23 =	vmul.f32 v26, v26;
	v18 =	vmul.f32 v18, v18  }
0x72: {  	v42 =	vld [tilespmem:s9+$0xFFFFFDB0];
	v25 =	vadd.f32 v59, v25;
	v15 =	vadd.f32 v33, v15;
	v26 =	vperm.xlane v11, v0  }
0x73: {  	v31 =	vld [tilespmem:s9+$0xFFFFFEB0];
	v10 =	vadd.f32 v10, v17;
	v59 =	vmul.f32 v62, v62;
	v22 =	vadd.f32 v23, v22  }
0x74: {  	v28 =	vld [tilespmem:s9+$0xFFFFFDE0];
	v23 =	vadd.f32 v29, v25;
	v27 =	vperm.xlane v15, v0;
	v11 =	vadd.f32 v11, v26  }
0x75: {  	v36 =	vld [tilespmem:s9+$0xFFFFFC00];
	v26 =	vperm.xlane v10, v1;
	v18 =	vadd.f32 v18, v22;
	v22 =	vmul.f32 v51, v51  }
0x76: {  	v49 =	vld [tilespmem:s9+$0xFFFFFE80];
	v29 =	vmul.f32 v20, v20;
	v23 =	vadd.f32 v30, v23;
	v27 =	vadd.f32 v15, v27  }
0x77: {  	v25 =	vld [tilespmem:s9+$0xFFFFFE30];
	v20 =	vmul.f32 v60, v60;
	v63 =	vadd.f32 v10, v26;
	v10 =	vadd.f32 v22, v18  }
0x78: {  	v21 =	vld [tilespmem:s9+$0xFFFFFC70];
	v56 =	vmul.f32 v31, v31;
	v15 =	vperm.xlane v11, v1;
	v14 =	vadd.f32 v14, v23  }
0x79: {  	v35 =	vld [tilespmem:s9+$0xFFFFFC20];
	v22 =	vmul.f32 v55, v55;
	v18 =	vperm.xlane v27, v1;
	v10 =	vadd.f32 v12, v10  }
0x7a: {  	v37 =	vld [tilespmem:s9+$0xFFFFFC60];
	v48 =	vadd.f32 v11, v15;
	v11 =	vperm.xlane v63, v2;
	v12 =	vperm.xlane v14, v0  }
0x7b: {  	v30 =	vld [tilespmem:s9+$0xFFFFFC50];
	v15 =	vmul.f32 v44, v44;
	v23 =	vmul.f32 v38, v38;
	v19 =	vadd.f32 v19, v10  }
0x7c: {  	v44 =	vmul.f32 v49, v49;
	v40 =	vmul.f32 v25, v25;
	v12 =	vadd.f32 v14, v12;
	v14 =	vld [tilespmem:s9+$0xFFFFFE00]  }
0x7d: {  	v10 =	vadd.f32 v24, v54;
	v24 =	vadd.f32 v13, v19;
	v19 =	vmul.f32 v21, v21;
	v21 =	vld [tilespmem:s9+$0xFFFFFE10]  }
0x7e: {  	v32 =	vld [tilespmem:s9+$0xFFFFFC30];
	v51 =	vadd.f32 v27, v18;
	v52 =	vperm.xlane v48, v2;
	v18 =	vmul.f32 v28, v28  }
0x7f: {  	v17 =	vld [tilespmem:s9+$0xFFFFFDC0];
	v28 =	vmul.f32 v61, v61;
	v58 =	vadd.f32 v45, v44;
	v13 =	vperm.xlane v12, v1  }
0x80: {  	v33 =	vld [tilespmem:s9+$0xFFFFFD80];
	v11 =	vadd.f32 v63, v11;
	v25 =	vmul.f32 v30, v30;
	v54 =	vperm.xlane v24, v0  }
0x81: {  	v26 =	vld [tilespmem:s9+$0xFFFFFC40];
	v30 =	vmul.f32 v42, v42;
	v39 =	vadd.f32 v59, v58;
	v55 =	vadd.f32 v12, v13  }
0x82: {  	v27 =	vld [tilespmem:s9+$0xFFFFFDA0];
	v60 =	vadd.f32 v24, v54;
	v61 =	vmul.f32 v14, v14;
	v62 =	vmul.f32 v21, v21  }
0x83: {  	v31 =	vld [tilespmem:s9+$0xFFFFFD00];
	v53 =	vperm.xlane v51, v2;
	v41 =	vadd.f32 v56, v39;
	v57 =	vperm.xlane v55, v2  }
0x84: {  	v38 =	vld [tilespmem:s9+$0xFFFFFC80];
	v12 =	vadd.f32 v48, v52;
	v63 =	vperm.xlane v60, v1;
	v45 =	vadd.f32 v62, v61  }
0x85: {  	v13 =	vadd.f32 v51, v53;
	v21 =	vmul.f32 v37, v37;
	v37 =	vld [tilespmem:s9+$0xFFFFFC10];
	v14 =	vadd.f32 v55, v57  }
0x86: {  	s11 =	simm.s32 $0x40;
	s10 =	simm.s32 $0x0;
	v39 =	vld [tilespmem:s9+$0xFFFFFC90];
	v24 =	vmul.f32 v17, v17;
	v17 =	vadd.f32 v60, v63;
	v42 =	vadd.f32 v43, v45  }
.LBB2_2:
0x87: {  	p0 =	sne.s32 s11, $0x7C0;
	v26 =	vmul.f32 v26, v26;
	v43 =	vld [tilespmem:s9+$0xFFFFFD10];
	v27 =	vmul.f32 v27, v27;
	v29 =	vadd.f32 v29, v41  }
0x88: {  	v32 =	vmul.f32 v32, v32;
	v33 =	vmul.f32 v33, v33;
	v41 =	vld [tilespmem:s9+$0xFFFFFCA0];
	v40 =	vadd.f32 v40, v42  }
0x89: {  	v35 =	vmul.f32 v35, v35;
	v34 =	vmul.f32 v34, v34;
	v42 =	vld [tilespmem:s9+$0xFFFFFD20];
	v23 =	vadd.f32 v23, v29  }
0x8a: {  	v29 =	vmul.f32 v36, v36;
	v36 =	vmul.f32 v37, v37;
	v37 =	vld [tilespmem:s9+$0xFFFFFCB0];
	v28 =	vadd.f32 v28, v40  }
0x8b: {  	v38 =	vmul.f32 v38, v38;
	v39 =	vmul.f32 v39, v39;
	v40 =	vld [tilespmem:s9+$0xFFFFFD30];
	v16 =	vadd.f32 v16, v23  }
0x8c: {  	v31 =	vmul.f32 v31, v31;
	v23 =	vld [tilespmem:s9+$0xFFFFFCC0];
	v43 =	vmul.f32 v43, v43;
	v22 =	vadd.f32 v22, v28  }
0x8d: {  	v28 =	vadd.f32 v36, v29;
	v29 =	vadd.f32 v39, v38;
	v36 =	vmul.f32 v41, v41;
	v38 =	vld [tilespmem:s9+$0xFFFFFD40]  }
0x8e: {  	v33 =	vadd.f32 v34, v33;
	v39 =	vld [tilespmem:s9+$0xFFFFFCD0];
	v31 =	vadd.f32 v43, v31;
	v41 =	vmul.f32 v42, v42  }
0x8f: {  	v28 =	vadd.f32 v35, v28;
	v29 =	vadd.f32 v36, v29;
	v34 =	vmul.f32 v37, v37;
	v35 =	vld [tilespmem:s9+$0xFFFFFD50]  }
0x90: {  	v27 =	vadd.f32 v27, v33;
	v36 =	vld [tilespmem:s9+$0xFFFFFCE0];
	v31 =	vadd.f32 v41, v31;
	v37 =	vmul.f32 v40, v40  }
0x91: {  	v28 =	vadd.f32 v32, v28;
	v29 =	vadd.f32 v34, v29;
	v23 =	vmul.f32 v23, v23;
	v32 =	vld [tilespmem:s9+$0xFFFFFD60]  }
0x92: {  	v27 =	vadd.f32 v30, v27;
	v33 =	vld [tilespmem:s9+$0xFFFFFCF0];
	v31 =	vadd.f32 v37, v31;
	v34 =	vmul.f32 v38, v38  }
0x93: {  	v26 =	vadd.f32 v26, v28;
	v23 =	vadd.f32 v23, v29;
	v28 =	vmul.f32 v39, v39;
	v29 =	vld [tilespmem:s9+$0xFFFFFD70]  }
0x94: {  	v24 =	vadd.f32 v24, v27;
	v30 =	vadd.f32 v34, v31;
	v31 =	vmul.f32 v35, v35;
	v27 =	vld [tilespmem:s9+$0xFFFFFDF0]  }
0x95: {  	v25 =	vadd.f32 v25, v26;
	v23 =	vadd.f32 v28, v23;
	v26 =	vmul.f32 v36, v36  }
0x96: {  	v20 =	vadd.f32 v20, v24;
	v28 =	vadd.f32 v31, v30;
	v30 =	vmul.f32 v32, v32  }
0x97: {  	v21 =	vadd.f32 v21, v25;
	v23 =	vadd.f32 v26, v23;
	v24 =	vmul.f32 v33, v33  }
0x98: {  	v18 =	vadd.f32 v18, v20;
	v25 =	vadd.f32 v30, v28;
	v26 =	vmul.f32 v29, v29  }
0x99: {  	v19 =	vadd.f32 v19, v21;
	v20 =	vadd.f32 v24, v23;
	v21 =	vmul.f32 v27, v27  }
0x9a: {  	v15 =	vadd.f32 v15, v22;
	v22 =	vperm.xlane v17, v2;
	v23 =	vadd.f32 v26, v25  }
0x9b: {  	v24 =	vperm.xlane v19, v0;
	v25 =	vperm.xlane v20, v0;
	v18 =	vadd.f32 v21, v18  }
0x9c: {  	v8 =	vadd.f32 v8, v16;
	v9 =	vadd.f32 v9, v15;
	v21 =	vperm.xlane v23, v0  }
0x9d: {  	v15 =	vadd.f32 v19, v24;
	v16 =	vadd.f32 v20, v25;
	v19 =	vperm.xlane v18, v0  }
0x9e: {  	v20 =	vadd.f32 v23, v21;
	v21 =	vperm.xlane v9, v0;
	v23 =	vperm.xlane v8, v0  }
0x9f: {  	v24 =	vperm.xlane v15, v1;
	v25 =	vperm.xlane v16, v1;
	v18 =	vadd.f32 v18, v19  }
0xa0: {  	v19 =	vperm.xlane v20, v1;
	v9 =	vadd.f32 v9, v21;
	v8 =	vadd.f32 v8, v23  }
0xa1: {  	v15 =	vadd.f32 v15, v24;
	v16 =	vadd.f32 v16, v25;
	v21 =	vperm.xlane v18, v1  }
0xa2: {  	v19 =	vadd.f32 v20, v19;
	v20 =	vperm.xlane v9, v1;
	v23 =	vperm.xlane v8, v1  }
0xa3: {  	v24 =	vperm.xlane v15, v2;
	v25 =	vperm.xlane v16, v2;
	v18 =	vadd.f32 v18, v21  }
0xa4: {  	v21 =	vperm.xlane v19, v2;
	v9 =	vadd.f32 v9, v20;
	v8 =	vadd.f32 v8, v23  }
0xa5: {  	v15 =	vadd.f32 v15, v24;
	v16 =	vadd.f32 v16, v25;
	v20 =	vperm.xlane v18, v2  }
0xa6: {  	v19 =	vadd.f32 v19, v21;
	v21 =	vperm.xlane v9, v2;
	v23 =	vperm.xlane v8, v2  }
0xa7: {  	v24 =	vperm.xlane v15, v3;
	v25 =	vperm.xlane v16, v3;
	v18 =	vadd.f32 v18, v20  }
0xa8: {  	v20 =	vperm.xlane v19, v3;
	v9 =	vadd.f32 v9, v21;
	v8 =	vadd.f32 v8, v23  }
0xa9: {  	v15 =	vadd.f32 v15, v24;
	v16 =	vadd.f32 v16, v25;
	v21 =	vperm.xlane v18, v3  }
0xaa: {  	v17 =	vadd.f32 v17, v22;
	v19 =	vadd.f32 v19, v20;
	v20 =	vperm.xlane v9, v3  }
0xab: {  	v15 =	vsel vm0, v15, v16;
	v16 =	vadd.f32 v18, v21;
	v18 =	vperm.xlane v8, v3  }
0xac: {  	v15 =	vsel vm1, v15, v19;
	v9 =	vadd.f32 v9, v20;
	v19 =	vperm.xlane v17, v3  }
0xad: {  	v15 =	vsel vm2, v15, v16;
	v8 =	vadd.f32 v8, v18;
	v16 =	vperm.xlane v14, v3  }
0xae: {  	v9 =	vsel vm3, v15, v9;
	v15 =	vadd.f32 v17, v19;
	v17 =	vperm.xlane v13, v3  }
0xaf: {  	v8 =	vsel vm4, v9, v8;
	v9 =	vadd.f32 v14, v16;
	v14 =	vperm.xlane v12, v3  }
0xb0: {  	v8 =	vsel vm5, v8, v15;
	v13 =	vadd.f32 v13, v17;
	v15 =	vperm.xlane v11, v3  }
0xb1: {  	v8 =	vsel vm6, v8, v9;
	v9 =	vadd.f32 v12, v14;
	v12 =	vperm.xlane v10, v3  }
0xb2: {  	v8 =	vsel vm7, v8, v13;
	v11 =	vadd.f32 v11, v15;
	v13 =	vperm.xlane v7, v3  }
0xb3: {  	v8 =	vsel vm8, v8, v9;
	v9 =	vadd.f32 v10, v12;
	v10 =	vperm.xlane v6, v3  }
0xb4: {  	v8 =	vsel vm9, v8, v11;
	v7 =	vadd.f32 v7, v13;
	v11 =	vperm.xlane v5, v3  }
0xb5: {  	v8 =	vsel vm10, v8, v9;
	v6 =	vadd.f32 v6, v10;
	v9 =	vperm.xlane v4, v3  }
0xb6: {  	v7 =	vsel vm11, v8, v7;
	v5 =	vadd.f32 v5, v11  }
0xb7: {  	v6 =	vsel vm12, v7, v6;
	v4 =	vadd.f32 v4, v9  }
0xb8: {  	v5 =	vsel vm13, v6, v5  }
0xb9: {  	s12 =	sshra.s32 s10, $0x2;
	s10 =	smov.u32 s11;
	v4 =	vsel vm14, v5, v4  }
0xba: {  	s9 =	sadd.s32 $0x800, s9;
	[tilespmem:s12+$0x10000] =	vst v4  }
0xbb: {  	v5 =	vld [tilespmem:s9+$0x3F0]  }
0xbc: {  	v9 =	vld [tilespmem:s9+$0x370]  }
0xbd: {  	v10 =	vld [tilespmem:s9+$0x3E0]  }
0xbe: {  	v11 =	vld [tilespmem:s9+$0x2F0]  }
0xbf: {  	v12 =	vld [tilespmem:s9+$0x360]  }
0xc0: {  	v13 =	vld [tilespmem:s9+$0x3D0]  }
0xc1: {  	v14 =	vld [tilespmem:s9+$0x270]  }
0xc2: {  	v15 =	vld [tilespmem:s9+$0x2E0]  }
0xc3: {  	v16 =	vld [tilespmem:s9+$0x350]  }
0xc4: {  	v17 =	vld [tilespmem:s9+$0x3C0]  }
0xc5: {  	v18 =	vld [tilespmem:s9+$0x1F0]  }
0xc6: {  	v19 =	vld [tilespmem:s9+$0x260]  }
0xc7: {  	v20 =	vld [tilespmem:s9+$0x2D0]  }
0xc8: {  	v21 =	vld [tilespmem:s9+$0x340]  }
0xc9: {  	v22 =	vld [tilespmem:s9+$0x3B0]  }
0xca: {  	v23 =	vld [tilespmem:s9+$0x170]  }
0xcb: {  	v24 =	vld [tilespmem:s9+$0x1E0]  }
0xcc: {  	v25 =	vld [tilespmem:s9+$0x250]  }
0xcd: {  	v26 =	vld [tilespmem:s9+$0x2C0]  }
0xce: {  	v27 =	vld [tilespmem:s9+$0x330]  }
0xcf: {  	v28 =	vld [tilespmem:s9+$0x3A0]  }
0xd0: {  	v29 =	vld [tilespmem:s9+$0xF0]  }
0xd1: {  	v30 =	vld [tilespmem:s9+$0x160]  }
0xd2: {  	v31 =	vld [tilespmem:s9+$0x1D0]  }
0xd3: {  	v32 =	vld [tilespmem:s9+$0x240]  }
0xd4: {  	v33 =	vld [tilespmem:s9+$0x2B0]  }
0xd5: {  	v34 =	vld [tilespmem:s9+$0x320]  }
0xd6: {  	v35 =	vld [tilespmem:s9+$0x380]  }
0xd7: {  	v36 =	vld [tilespmem:s9+$0x390]  }
0xd8: {  	v7 =	vld [tilespmem:s9+$0x70]  }
0xd9: {  	v6 =	vld [tilespmem:s9+$0xE0]  }
0xda: {  	v4 =	vld [tilespmem:s9+$0x150]  }
0xdb: {  	v37 =	vmul.f32 v5, v5;
	v8 =	vld [tilespmem:s9+$0x1C0]  }
0xdc: {  	v39 =	vmul.f32 v9, v9;
	v40 =	vmul.f32 v10, v10;
	v38 =	vld [tilespmem:s9+$0x230]  }
0xdd: {  	v5 =	vmul.f32 v35, v35;
	v9 =	vmul.f32 v36, v36;
	v41 =	vld [tilespmem:s9+$0x2A0]  }
0xde: {  	v12 =	vmul.f32 v12, v12;
	v35 =	vmul.f32 v11, v11;
	v10 =	vld [tilespmem:s9+$0x300]  }
0xdf: {  	v28 =	vmul.f32 v28, v28;
	v36 =	vmul.f32 v13, v13;
	v5 =	vadd.f32 v9, v5;
	v11 =	vld [tilespmem:s9+$0x310]  }
0xe0: {  	v14 =	vmul.f32 v14, v14;
	v42 =	vmul.f32 v15, v15;
	v9 =	vld [tilespmem:s9+$0xFFFFFFF0]  }
0xe1: {  	v16 =	vmul.f32 v16, v16;
	v22 =	vmul.f32 v22, v22;
	v28 =	vadd.f32 v28, v5;
	v15 =	vld [tilespmem:s9+$0x280]  }
0xe2: {  	v17 =	vmul.f32 v17, v17;
	v5 =	vmul.f32 v18, v18;
	v18 =	vld [tilespmem:s9+$0x290]  }
0xe3: {  	v19 =	vmul.f32 v19, v19;
	v20 =	vmul.f32 v20, v20;
	v22 =	vadd.f32 v22, v28;
	v13 =	vld [tilespmem:s9+$0x60]  }
0xe4: {  	v43 =	vmul.f32 v10, v10;
	v28 =	vld [tilespmem:s9+$0x200];
	v11 =	vmul.f32 v11, v11  }
0xe5: {  	v21 =	vmul.f32 v21, v21;
	v10 =	vmul.f32 v23, v23;
	v17 =	vadd.f32 v17, v22;
	v23 =	vld [tilespmem:s9+$0x210]  }
0xe6: {  	v24 =	vmul.f32 v24, v24;
	v34 =	vmul.f32 v34, v34;
	v22 =	vld [tilespmem:s9+$0xD0];
	v11 =	vadd.f32 v11, v43  }
0xe7: {  	v15 =	vmul.f32 v15, v15;
	v17 =	vadd.f32 v36, v17;
	v43 =	vld [tilespmem:s9+$0x220];
	v18 =	vmul.f32 v18, v18  }
0xe8: {  	v25 =	vmul.f32 v25, v25;
	v27 =	vmul.f32 v27, v27;
	v36 =	vld [tilespmem:s9+$0x140];
	v11 =	vadd.f32 v34, v11  }
0xe9: {  	v17 =	vadd.f32 v40, v17;
	v34 =	vld [tilespmem:s9+$0x1B0];
	v15 =	vadd.f32 v18, v15;
	v18 =	vmul.f32 v41, v41  }
0xea: {  	v28 =	vmul.f32 v28, v28;
	v40 =	vld [tilespmem:s9+$0xFFFFFF70];
	v23 =	vmul.f32 v23, v23;
	v11 =	vadd.f32 v27, v11  }
0xeb: {  	v17 =	vadd.f32 v37, v17;
	v27 =	vld [tilespmem:s9+$0xFFFFFFE0];
	v15 =	vadd.f32 v18, v15;
	v18 =	vmul.f32 v33, v33  }
0xec: {  	v33 =	vld [tilespmem:s9+$0x50];
	v23 =	vadd.f32 v23, v28;
	v28 =	vmul.f32 v43, v43;
	v11 =	vadd.f32 v21, v11  }
0xed: {  	v21 =	vld [tilespmem:s9+$0x180];
	v15 =	vadd.f32 v18, v15;
	v18 =	vmul.f32 v26, v26;
	v26 =	vperm.xlane v17, v0  }
0xee: {  	v37 =	vld [tilespmem:s9+$0x190];
	v23 =	vadd.f32 v28, v23;
	v28 =	vmul.f32 v38, v38;
	v16 =	vadd.f32 v16, v11  }
0xef: {  	v11 =	vmul.f32 v29, v29;
	v38 =	vld [tilespmem:s9+$0xC0];
	v18 =	vadd.f32 v18, v15;
	v17 =	vadd.f32 v17, v26  }
0xf0: {  	v26 =	vld [tilespmem:s9+$0x1A0];
	v23 =	vadd.f32 v28, v23;
	v28 =	vmul.f32 v32, v32;
	v12 =	vadd.f32 v12, v16  }
0xf1: {  	v29 =	vmul.f32 v31, v31;
	v15 =	vmul.f32 v30, v30;
	v16 =	vld [tilespmem:s9+$0x130];
	v18 =	vadd.f32 v20, v18  }
0xf2: {  	v20 =	vld [tilespmem:s9+$0xFFFFFEF0];
	v23 =	vadd.f32 v28, v23;
	v12 =	vadd.f32 v39, v12;
	v28 =	vperm.xlane v17, v1  }
0xf3: {  	v21 =	vmul.f32 v21, v21;
	v30 =	vld [tilespmem:s9+$0xFFFFFF60];
	v31 =	vmul.f32 v37, v37;
	v18 =	vadd.f32 v42, v18  }
0xf4: {  	v32 =	vld [tilespmem:s9+$0xFFFFFFD0];
	v23 =	vadd.f32 v25, v23;
	v25 =	vperm.xlane v12, v0;
	v28 =	vadd.f32 v17, v28  }
0xf5: {  	v37 =	vld [tilespmem:s9+$0x40];
	v17 =	vadd.f32 v31, v21;
	v21 =	vmul.f32 v26, v26;
	v18 =	vadd.f32 v35, v18  }
0xf6: {  	v26 =	vld [tilespmem:s9+$0xB0];
	v19 =	vadd.f32 v19, v23;
	v23 =	vadd.f32 v12, v25;
	v25 =	vperm.xlane v28, v2  }
0xf7: {  	v31 =	vld [tilespmem:s9+$0x120];
	v12 =	vadd.f32 v21, v17;
	v21 =	vmul.f32 v34, v34;
	v34 =	vperm.xlane v18, v0  }
0xf8: {  	v17 =	vmul.f32 v7, v7;
	v35 =	vld [tilespmem:s9+$0xFFFFFE70];
	v7 =	vadd.f32 v14, v19;
	v14 =	vperm.xlane v23, v1  }
0xf9: {  	v8 =	vmul.f32 v8, v8;
	v39 =	vld [tilespmem:s9+$0xFFFFFEE0];
	v19 =	vadd.f32 v21, v12;
	v18 =	vadd.f32 v18, v34  }
0xfa: {  	v34 =	vmul.f32 v6, v6;
	v12 =	vld [tilespmem:s9+$0xFFFFFF50];
	v6 =	vperm.xlane v7, v0;
	v23 =	vadd.f32 v23, v14  }
0xfb: {  	v42 =	vmul.f32 v4, v4;
	v41 =	vld [tilespmem:s9+$0xFFFFFFC0];
	v4 =	vadd.f32 v8, v19;
	v8 =	vperm.xlane v18, v1  }
0xfc: {  	v14 =	vmul.f32 v9, v9;
	v9 =	vld [tilespmem:s9+$0x30];
	v6 =	vadd.f32 v7, v6;
	v7 =	vperm.xlane v23, v2  }
0xfd: {  	v43 =	vmul.f32 v13, v13;
	v44 =	vld [tilespmem:s9+$0xA0];
	v4 =	vadd.f32 v29, v4;
	v29 =	vadd.f32 v18, v8  }
0xfe: {  	v22 =	vmul.f32 v22, v22;
	v19 =	vld [tilespmem:s9+$0x100];
	v8 =	vperm.xlane v6, v1  }
0xff: {  	v36 =	vmul.f32 v36, v36;
	v45 =	vld [tilespmem:s9+$0x110];
	v4 =	vadd.f32 v24, v4;
	v24 =	vperm.xlane v29, v2  }
0x100: {  	v13 =	vmul.f32 v40, v40;
	v21 =	vmul.f32 v27, v27;
	v18 =	vld [tilespmem:s9+$0xFFFFFE60];
	v27 =	vadd.f32 v6, v8  }
0x101: {  	v33 =	vmul.f32 v33, v33;
	v38 =	vmul.f32 v38, v38;
	v40 =	vld [tilespmem:s9+$0x80];
	v46 =	vadd.f32 v5, v4  }
0x102: {  	v16 =	vmul.f32 v16, v16;
	v47 =	vld [tilespmem:s9+$0x90];
	v48 =	vperm.xlane v27, v2  }
0x103: {  	v8 =	vmul.f32 v20, v20;
	v4 =	vadd.f32 v28, v25;
	v49 =	vld [tilespmem:s9+$0x0];
	v50 =	vperm.xlane v46, v0  }
0x104: {  	v5 =	vadd.f32 v23, v7;
	v28 =	vmul.f32 v19, v19;
	v25 =	vld [tilespmem:s9+$0x10];
	v45 =	vmul.f32 v45, v45  }
0x105: {  	v23 =	vmul.f32 v32, v32;
	v6 =	vadd.f32 v29, v24;
	v19 =	vmul.f32 v30, v30;
	v20 =	vld [tilespmem:s9+$0xFFFFFED0]  }
0x106: {  	v29 =	vmul.f32 v31, v31;
	v30 =	vadd.f32 v46, v50;
	v24 =	vld [tilespmem:s9+$0x20];
	v28 =	vadd.f32 v45, v28  }
0x107: {  	v7 =	vadd.f32 v27, v48;
	v32 =	vmul.f32 v40, v40;
	v31 =	vld [tilespmem:s9+$0xFFFFFF40];
	v40 =	vmul.f32 v47, v47  }
0x108: {  	v44 =	vmul.f32 v44, v44;
	v27 =	vld [tilespmem:s9+$0xFFFFFF80];
	v28 =	vadd.f32 v29, v28;
	v29 =	vperm.xlane v30, v1  }
0x109: {  	v46 =	vmul.f32 v49, v49;
	v45 =	vld [tilespmem:s9+$0xFFFFFF90];
	v25 =	vmul.f32 v25, v25;
	v32 =	vadd.f32 v40, v32  }
0x10a: {  	v26 =	vmul.f32 v26, v26;
	v40 =	vld [tilespmem:s9+$0xFFFFFFB0];
	v16 =	vadd.f32 v16, v28;
	v28 =	vadd.f32 v30, v29  }
0x10b: {  	v29 =	vld [tilespmem:s9+$0xFFFFFFA0];
	v25 =	vadd.f32 v25, v46;
	v24 =	vmul.f32 v24, v24;
	v30 =	vadd.f32 v44, v32  }
0x10c: {  	v37 =	vmul.f32 v37, v37;
	v32 =	vld [tilespmem:s9+$0xFFFFFDE0];
	v16 =	vadd.f32 v36, v16;
	v36 =	vperm.xlane v28, v2  }
0x10d: {  	v44 =	vld [tilespmem:s9+$0xFFFFFE50];
	v24 =	vadd.f32 v24, v25;
	v25 =	vmul.f32 v9, v9;
	v26 =	vadd.f32 v26, v30  }
0x10e: {  	v27 =	vmul.f32 v27, v27;
	v30 =	vld [tilespmem:s9+$0xFFFFFF00];
	v45 =	vmul.f32 v45, v45;
	v16 =	vadd.f32 v42, v16  }
0x10f: {  	v9 =	vmul.f32 v35, v35;
	v35 =	vld [tilespmem:s9+$0xFFFFFF10];
	v24 =	vadd.f32 v25, v24;
	v25 =	vadd.f32 v38, v26  }
0x110: {  	v38 =	vld [tilespmem:s9+$0xFFFFFEC0];
	v26 =	vadd.f32 v45, v27;
	v27 =	vmul.f32 v29, v29;
	v15 =	vadd.f32 v15, v16  }
0x111: {  	v16 =	vmul.f32 v39, v39;
	v29 =	vld [tilespmem:s9+$0xFFFFFF20];
	v24 =	vadd.f32 v37, v24;
	v22 =	vadd.f32 v22, v25  }
0x112: {  	v25 =	vld [tilespmem:s9+$0xFFFFFF30];
	v26 =	vadd.f32 v27, v26;
	v27 =	vmul.f32 v40, v40;
	v10 =	vadd.f32 v10, v15  }
0x113: {  	v15 =	vmul.f32 v41, v41;
	v37 =	vld [tilespmem:s9+$0xFFFFFC70];
	v24 =	vadd.f32 v33, v24;
	v22 =	vadd.f32 v34, v22  }
0x114: {  	v30 =	vmul.f32 v30, v30;
	v33 =	vld [tilespmem:s9+$0xFFFFFDD0];
	v34 =	vmul.f32 v35, v35;
	v26 =	vadd.f32 v27, v26  }
0x115: {  	v35 =	vld [tilespmem:s9+$0xFFFFFE40];
	v24 =	vadd.f32 v43, v24;
	v11 =	vadd.f32 v11, v22;
	v22 =	vperm.xlane v10, v0  }
0x116: {  	v39 =	vld [tilespmem:s9+$0xFFFFFEB0];
	v27 =	vadd.f32 v34, v30;
	v29 =	vmul.f32 v29, v29;
	v15 =	vadd.f32 v15, v26  }
0x117: {  	v30 =	vld [tilespmem:s9+$0xFFFFFC60];
	v17 =	vadd.f32 v17, v24;
	v24 =	vperm.xlane v11, v0;
	v10 =	vadd.f32 v10, v22  }
0x118: {  	v25 =	vmul.f32 v25, v25;
	v40 =	vld [tilespmem:s9+$0xFFFFFDC0];
	v22 =	vadd.f32 v29, v27;
	v15 =	vadd.f32 v23, v15  }
0x119: {  	v41 =	vld [tilespmem:s9+$0xFFFFFE30];
	v23 =	vperm.xlane v17, v0;
	v11 =	vadd.f32 v11, v24;
	v24 =	vperm.xlane v10, v1  }
0x11a: {  	v42 =	vld [tilespmem:s9+$0xFFFFFEA0];
	v22 =	vadd.f32 v25, v22;
	v25 =	vmul.f32 v31, v31;
	v15 =	vadd.f32 v21, v15  }
0x11b: {  	v43 =	vld [tilespmem:s9+$0xFFFFFC50];
	v17 =	vadd.f32 v17, v23;
	v21 =	vperm.xlane v11, v1;
	v24 =	vadd.f32 v10, v24  }
0x11c: {  	v12 =	vmul.f32 v12, v12;
	v45 =	vld [tilespmem:s9+$0xFFFFFDB0];
	v10 =	vadd.f32 v25, v22;
	v14 =	vadd.f32 v14, v15  }
0x11d: {  	v25 =	vld [tilespmem:s9+$0xFFFFFE20];
	v22 =	vperm.xlane v17, v1;
	v21 =	vadd.f32 v11, v21;
	v11 =	vperm.xlane v24, v2  }
0x11e: {  	v15 =	vmul.f32 v18, v18;
	v31 =	vld [tilespmem:s9+$0xFFFFFE80];
	v10 =	vadd.f32 v12, v10;
	v12 =	vperm.xlane v14, v0  }
0x11f: {  	v23 =	vmul.f32 v20, v20;
	v34 =	vld [tilespmem:s9+$0xFFFFFE90];
	v17 =	vadd.f32 v17, v22;
	v46 =	vperm.xlane v21, v2  }
0x120: {  	v18 =	vmul.f32 v32, v32;
	v26 =	vld [tilespmem:s9+$0xFFFFFC40];
	v19 =	vadd.f32 v19, v10;
	v12 =	vadd.f32 v14, v12  }
0x121: {  	v29 =	vmul.f32 v38, v38;
	v22 =	vmul.f32 v44, v44;
	v10 =	vadd.f32 v28, v36;
	v27 =	vld [tilespmem:s9+$0xFFFFFDA0]  }
0x122: {  	v38 =	vperm.xlane v17, v2;
	v14 =	vld [tilespmem:s9+$0xFFFFFE00];
	v36 =	vadd.f32 v13, v19;
	v13 =	vperm.xlane v12, v1  }
0x123: {  	v20 =	vmul.f32 v33, v33;
	v11 =	vadd.f32 v24, v11;
	v19 =	vmul.f32 v37, v37;
	v37 =	vld [tilespmem:s9+$0xFFFFFE10]  }
0x124: {  	v28 =	vmul.f32 v35, v35;
	v32 =	vld [tilespmem:s9+$0xFFFFFC30];
	v24 =	vperm.xlane v36, v0;
	v44 =	vadd.f32 v12, v13  }
0x125: {  	v31 =	vmul.f32 v31, v31;
	v47 =	vmul.f32 v34, v34;
	v12 =	vadd.f32 v21, v46;
	v33 =	vld [tilespmem:s9+$0xFFFFFD80]  }
0x126: {  	v39 =	vmul.f32 v39, v39;
	v13 =	vadd.f32 v17, v38;
	v34 =	vld [tilespmem:s9+$0xFFFFFD90];
	v21 =	vperm.xlane v44, v2  }
0x127: {  	v38 =	vmul.f32 v42, v42;
	v17 =	vadd.f32 v47, v31;
	v42 =	vadd.f32 v36, v24;
	v35 =	vld [tilespmem:s9+$0xFFFFFC20]  }
.Ltmp0:
0x128: {  	v46 =	vmul.f32 v14, v14;
	v31 =	vld [tilespmem:s9+$0xFFFFFD00];
	v47 =	vmul.f32 v37, v37;
	v14 =	vadd.f32 v44, v21;
	(pc) =	sbr.rel @p0 .LBB2_2-.Ltmp0, $4  }
0x129: {  	v21 =	vmul.f32 v30, v30;
	v17 =	vadd.f32 v38, v17;
	v30 =	vperm.xlane v42, v1;
	v36 =	vld [tilespmem:s9+$0xFFFFFC00]  }
0x12a: {  	v24 =	vmul.f32 v40, v40;
	v37 =	vld [tilespmem:s9+$0xFFFFFC10];
	v44 =	vadd.f32 v47, v46;
	v46 =	vmul.f32 v25, v25  }
0x12b: {  	v40 =	vmul.f32 v41, v41;
	v41 =	vadd.f32 v39, v17;
	v17 =	vadd.f32 v42, v30;
	v38 =	vld [tilespmem:s9+$0xFFFFFC80]  }
0x12c: {  	s11 =	sadd.s32 $0x40, s11;
	v25 =	vmul.f32 v43, v43;
	v30 =	vmul.f32 v45, v45;
	v39 =	vld [tilespmem:s9+$0xFFFFFC90];
	v42 =	vadd.f32 v46, v44  }
0x12d: {  	v26 =	vmul.f32 v26, v26;
	v27 =	vmul.f32 v27, v27  }
0x12e: {  	v43 =	vld [tilespmem:s9+$0xFFFFFD10];
	v32 =	vmul.f32 v32, v32;
	v33 =	vmul.f32 v33, v33  }
0x12f: {  	v29 =	vadd.f32 v29, v41;
	v51 =	vld [tilespmem:s9+$0xFFFFFCA0];
	v35 =	vmul.f32 v35, v35;
	v34 =	vmul.f32 v34, v34  }
0x130: {  	v52 =	vld [tilespmem:s9+$0xFFFFFD20];
	v31 =	vmul.f32 v31, v31;
	v40 =	vadd.f32 v40, v42;
	v53 =	vmul.f32 v36, v36  }
0x131: {  	v55 =	vld [tilespmem:s9+$0xFFFFFCB0];
	v23 =	vadd.f32 v23, v29;
	v54 =	vmul.f32 v37, v37;
	v33 =	vadd.f32 v34, v33  }
0x132: {  	v56 =	vld [tilespmem:s9+$0xFFFFFD30];
	v28 =	vadd.f32 v28, v40;
	v38 =	vmul.f32 v38, v38;
	v39 =	vmul.f32 v39, v39  }
0x133: {  	v57 =	vld [tilespmem:s9+$0xFFFFFCC0];
	v16 =	vadd.f32 v16, v23;
	v58 =	vadd.f32 v54, v53;
	v43 =	vmul.f32 v43, v43  }
0x134: {  	v61 =	vld [tilespmem:s9+$0xFFFFFD40];
	v27 =	vadd.f32 v27, v33;
	v60 =	vmul.f32 v51, v51;
	v59 =	vadd.f32 v39, v38  }
0x135: {  	v62 =	vld [tilespmem:s9+$0xFFFFFCD0];
	v22 =	vadd.f32 v22, v28;
	v63 =	vmul.f32 v52, v52;
	v31 =	vadd.f32 v43, v31  }
0x136: {  	v45 =	vld [tilespmem:s9+$0xFFFFFD50];
	v44 =	vmul.f32 v55, v55;
	v28 =	vadd.f32 v35, v58;
	v29 =	vadd.f32 v60, v59  }
0x137: {  	v46 =	vld [tilespmem:s9+$0xFFFFFCE0];
	v47 =	vmul.f32 v56, v56;
	v27 =	vadd.f32 v30, v27;
	v31 =	vadd.f32 v63, v31  }
0x138: {  	v48 =	vld [tilespmem:s9+$0xFFFFFD60];
	v23 =	vmul.f32 v57, v57;
	v28 =	vadd.f32 v32, v28;
	v29 =	vadd.f32 v44, v29  }
0x139: {  	v49 =	vld [tilespmem:s9+$0xFFFFFCF0];
	v50 =	vmul.f32 v61, v61;
	v8 =	vadd.f32 v8, v16;
	v31 =	vadd.f32 v47, v31  }
0x13a: {  	v51 =	vmul.f32 v62, v62;
	v52 =	vld [tilespmem:s9+$0xFFFFFD70];
	v26 =	vadd.f32 v26, v28;
	v23 =	vadd.f32 v23, v29  }
0x13b: {  	v54 =	vmul.f32 v45, v45;
	v55 =	vld [tilespmem:s9+$0xFFFFFDF0];
	v24 =	vadd.f32 v24, v27;
	v53 =	vadd.f32 v50, v31  }
0x13c: {  	v56 =	vmul.f32 v46, v46;
	v25 =	vadd.f32 v25, v26;
	v23 =	vadd.f32 v51, v23  }
0x13d: {  	v58 =	vmul.f32 v48, v48;
	v20 =	vadd.f32 v20, v24;
	v57 =	vadd.f32 v54, v53  }
0x13e: {  	v59 =	vmul.f32 v49, v49;
	v21 =	vadd.f32 v21, v25;
	v23 =	vadd.f32 v56, v23  }
0x13f: {  	v61 =	vmul.f32 v52, v52;
	v18 =	vadd.f32 v18, v20;
	v60 =	vadd.f32 v58, v57  }
0x140: {  	v63 =	vmul.f32 v55, v55;
	v19 =	vadd.f32 v19, v21;
	v62 =	vadd.f32 v59, v23  }
0x141: {  	v15 =	vadd.f32 v15, v22;
	v28 =	vadd.f32 v61, v60  }
0x142: {  	v18 =	vadd.f32 v63, v18;
	v30 =	vperm.xlane v19, v0;
	v31 =	vperm.xlane v62, v0  }
0x143: {  	v38 =	vperm.xlane v8, v0;
	v9 =	vadd.f32 v9, v15;
	v32 =	vperm.xlane v28, v0  }
0x144: {  	v35 =	vperm.xlane v18, v0;
	v33 =	vadd.f32 v19, v30;
	v34 =	vadd.f32 v62, v31  }
0x145: {  	v8 =	vadd.f32 v8, v38;
	v37 =	vperm.xlane v9, v0;
	v36 =	vadd.f32 v28, v32  }
0x146: {  	v18 =	vadd.f32 v18, v35;
	v24 =	vperm.xlane v33, v1;
	v25 =	vperm.xlane v34, v1  }
0x147: {  	v29 =	vperm.xlane v17, v2;
	v9 =	vadd.f32 v9, v37;
	v39 =	vperm.xlane v36, v1  }
0x148: {  	v40 =	vperm.xlane v18, v1;
	v15 =	vadd.f32 v33, v24;
	v16 =	vadd.f32 v34, v25  }
0x149: {  	v41 =	vperm.xlane v9, v1;
	v23 =	vperm.xlane v8, v1;
	v19 =	vadd.f32 v36, v39  }
0x14a: {  	v18 =	vadd.f32 v18, v40;
	v24 =	vperm.xlane v15, v2;
	v25 =	vperm.xlane v16, v2  }
0x14b: {  	v9 =	vadd.f32 v9, v41;
	v8 =	vadd.f32 v8, v23;
	v42 =	vperm.xlane v19, v2  }
0x14c: {  	v43 =	vperm.xlane v18, v2;
	v15 =	vadd.f32 v15, v24;
	v16 =	vadd.f32 v16, v25  }
0x14d: {  	v44 =	vperm.xlane v9, v2;
	v23 =	vperm.xlane v8, v2;
	v19 =	vadd.f32 v19, v42  }
0x14e: {  	v18 =	vadd.f32 v18, v43;
	v24 =	vperm.xlane v15, v3;
	v25 =	vperm.xlane v16, v3  }
0x14f: {  	v9 =	vadd.f32 v9, v44;
	v8 =	vadd.f32 v8, v23;
	v45 =	vperm.xlane v19, v3  }
0x150: {  	v46 =	vperm.xlane v18, v3;
	v15 =	vadd.f32 v15, v24;
	v16 =	vadd.f32 v16, v25  }
0x151: {  	v17 =	vadd.f32 v17, v29;
	v47 =	vperm.xlane v9, v3;
	v19 =	vadd.f32 v19, v45  }
0x152: {  	v49 =	vperm.xlane v8, v3;
	v48 =	vadd.f32 v18, v46;
	v15 =	vsel vm0, v15, v16  }
0x153: {  	v50 =	vperm.xlane v17, v3;
	v9 =	vadd.f32 v9, v47;
	v15 =	vsel vm1, v15, v19  }
0x154: {  	v51 =	vperm.xlane v14, v3;
	v8 =	vadd.f32 v8, v49;
	v15 =	vsel vm2, v15, v48  }
0x155: {  	v53 =	vperm.xlane v13, v3;
	v52 =	vadd.f32 v17, v50;
	v9 =	vsel vm3, v15, v9  }
0x156: {  	v55 =	vperm.xlane v12, v3;
	v54 =	vadd.f32 v14, v51;
	v8 =	vsel vm4, v9, v8  }
0x157: {  	v56 =	vperm.xlane v11, v3;
	v13 =	vadd.f32 v13, v53;
	v8 =	vsel vm5, v8, v52  }
0x158: {  	v57 =	vadd.f32 v12, v55;
	v58 =	vperm.xlane v10, v3;
	v8 =	vsel vm6, v8, v54  }
0x159: {  	v11 =	vadd.f32 v11, v56;
	v59 =	vperm.xlane v7, v3;
	v8 =	vsel vm7, v8, v13  }
0x15a: {  	v60 =	vadd.f32 v10, v58;
	v61 =	vperm.xlane v6, v3;
	v8 =	vsel vm8, v8, v57  }
0x15b: {  	v7 =	vadd.f32 v7, v59;
	v62 =	vperm.xlane v5, v3;
	v8 =	vsel vm9, v8, v11  }
0x15c: {  	v63 =	vperm.xlane v4, v3;
	v6 =	vadd.f32 v6, v61;
	v8 =	vsel vm10, v8, v60  }
0x15d: {  	v5 =	vadd.f32 v5, v62;
	v7 =	vsel vm11, v8, v7  }
0x15e: {  	v4 =	vadd.f32 v4, v63;
	v6 =	vsel vm12, v7, v6  }
0x15f: {  	s8 =	sadd.s32 $0x1, s8;
	v5 =	vsel vm13, v6, v5  }
0x160: {  	s31 =	sshra.s32 s10, $0x2;
	p0 =	sne.s32 s8, s5;
	v4 =	vsel vm14, v5, v4  }
.Ltmp1:
0x161: {  	[tilespmem:s31+$0x10000] =	vst v4;
	(pc) =	sbr.rel @p0 .LBB2_1-.Ltmp1, $4  }
0x162: {  	[hbm4b:s4+s2] =	stream.linear.scatter [tilespmem:s7], [sflag:$0x1], $0x200, $0x38;
	[tilespmem:$0x10200] =	vst v63  }
0x163: {  	_ =	swait.ge [sflag:s6], $0x200  }
0x164: {  	[sflag:s6] =	ssyncset.done $0x0  }
0x165: {  	[sflag:s6] =	ssyncadd.s32 $0xFFFFFE00  }
0x166: {  	_ =	sfence.sel $0x180000  }
0x167: {  	[bflag:$0x0] =	sbarrier.arrive $0xFFFF  }
0x168: {  	p0 =	sne.s32 s1, $0x0;
	_ =	strace $0x90000047  }
0x169: {  	s0 =	sadd.s32 @!p0 $0x100000, s0;
	[bflag:$0x2] =	sbarrier.arrive $0xFFFF  }
0x16a: {  	[sflag:s0] =	ssyncadd.tile.s32 @!p0 $0x1;
	_ =	shalt  }
.Lfunc_end2:
_tile_overlayer_lowered:
.L_overlay_start_2:
0x16b: {  	(tag) =	ssettag $0x2  }
0x16c: {  	s0 =	rddreg [dreg:$0x0];
	s2 =	stileid.u32  }
0x16d: {  	s1 =	rddreg [dreg:$0x1];
	p0 =	sne.s32 s2, $0x0  }
0x16e: {  	s3 =	rddreg [dreg:$0x2];
	[bflag:$0x3] =	sbarrier.arrive $0xFFFF;
	s2 =	simm.s32 @!p0 $0x1C01  }
0x16f: {  	[timem:s3], [sflag:s2] =	dma.local @!p0 [hbm:s0], s1  }
0x170: {  	s0 =	simm.s32 @!p0 $0x1  }
0x171: {  	_ =	swait.ge @!p0 [sflag:s0], s1  }
0x172: {  	s1 =	ssub.s32 @!p0 $0x0, s1;
	[sflag:s0] =	ssyncset.done @!p0 $0x0  }
0x173: {  	[sflag:s0] =	ssyncadd.s32 @!p0 s1  }
0x174: {  	[bflag:$0x3] =	sbarrier.arrive $0xFFFF  }
0x175: {  	_ =	shalt  }

</sc_bundles>
